<compile_context>
chip_gen: v7x
topology: tpu7x:2x2x1
jax: 0.10.2.dev20260603
libtpu: 0.0.44.dev20260713+nightly
codegen_flags: <defaults>
</compile_context>

<pallas_src>
import functools

import jax
import jax.numpy as jnp
from jax import lax
from jax.experimental import pallas as pl
from jax.experimental.pallas import tpu as pltpu
from jax.experimental.pallas import tpu_sc as plsc

NC = 2
NS = 16
NW = NC * NS
CH = 128


def _cdiv(a, b):
    return (a + b - 1) // b


NBUF = 8


def _edge_pass(table, srcb, dstb, zeros):
    T, D = table.shape
    KCH = srcb.shape[1]
    G = KCH // NBUF
    nrows = zeros.shape[0]
    rpt = nrows // NS

    mesh = plsc.VectorSubcoreMesh(
        core_axis_name="c", subcore_axis_name="s", num_cores=NC, num_subcores=NS
    )

    @functools.partial(
        pl.kernel,
        out_type=jax.ShapeDtypeStruct((NC, nrows, D), jnp.float32),
        mesh=mesh,
        scratch_types=[
            pltpu.VMEM((KCH, CH), jnp.int32),
            pltpu.VMEM((KCH, CH), jnp.int32),
            [pltpu.VMEM((CH, D), jnp.float32) for _ in range(NBUF)],
            pltpu.VMEM_SHARED((nrows, D), jnp.float32),
            pltpu.VMEM_SHARED((T, D), jnp.float32),
            [pltpu.SemaphoreType.DMA for _ in range(NBUF)],
            [pltpu.SemaphoreType.DMA for _ in range(NBUF)],
        ],
        compiler_params=pltpu.CompilerParams(use_tc_tiling_on_sc=False),
    )
    def k(table_h, srcb_h, dstb_h, zeros_h, out_h, sidx, didx, rows, acc,
          tsh, gsem, ssem):
        c = lax.axis_index("c")
        s = lax.axis_index("s")
        wid = c * NS + s
        t0 = s * rpt
        tpt = T // NS

        def gather(j, b):
            return pltpu.make_async_copy(tsh.at[sidx.at[j]], rows[b],
                                         gsem[b])

        def scatter(j, b):
            return pltpu.make_async_copy(rows[b], acc.at[didx.at[j]], ssem[b])

        pltpu.sync_copy(zeros_h.at[pl.ds(t0, rpt)], acc.at[pl.ds(t0, rpt)])
        pltpu.sync_copy(table_h.at[pl.ds(s * tpt, tpt)],
                        tsh.at[pl.ds(s * tpt, tpt)])
        pltpu.sync_copy(srcb_h.at[wid], sidx)
        pltpu.sync_copy(dstb_h.at[wid], didx)
        plsc.subcore_barrier()

        for b in range(NBUF):
            gather(b, b).start()

        def grp(i, carry):
            for b in range(NBUF):
                j = i * NBUF + b
                gather(j, b).wait()
                scatter(j, b).start(add=True)

            @pl.when(i + 1 < G)
            def _():
                for b in range(NBUF):
                    scatter(i * NBUF + b, b).wait()
                    gather((i + 1) * NBUF + b, b).start()
            return carry

        lax.fori_loop(0, G, grp, 0)
        for b in range(NBUF):
            scatter((G - 1) * NBUF + b, b).wait()
        plsc.subcore_barrier()
        pltpu.sync_copy(acc.at[pl.ds(t0, rpt)], out_h.at[c, pl.ds(t0, rpt)])

    return k(table, srcb, dstb, zeros)


def _edge_pass_q(S1f, pf, dinvf, b16, srcb, dstb, zeros):
    D = 8
    KCH = srcb.shape[1]
    G = KCH // NBUF
    nrows = zeros.shape[0]
    rpt = nrows // NS
    NPT = 2 * _cdiv(nrows, 2 * NS)
    VPT = NPT * D // 16

    mesh = plsc.VectorSubcoreMesh(
        core_axis_name="c", subcore_axis_name="s", num_cores=NC, num_subcores=NS
    )

    @functools.partial(
        pl.kernel,
        out_type=[
            jax.ShapeDtypeStruct((NC, nrows, D), jnp.float32),
            jax.ShapeDtypeStruct((nrows, D), jnp.float32),
        ],
        mesh=mesh,
        scratch_types=[
            pltpu.VMEM((KCH, CH), jnp.int32),
            pltpu.VMEM((KCH, CH), jnp.int32),
            [pltpu.VMEM((CH, D), jnp.float32) for _ in range(NBUF)],
            pltpu.VMEM_SHARED((nrows, D), jnp.float32),
            pltpu.VMEM_SHARED((nrows, D), jnp.float32),
            pltpu.VMEM((NPT * D,), jnp.float32),
            pltpu.VMEM((NPT * D,), jnp.float32),
            pltpu.VMEM((NPT * D,), jnp.float32),
            pltpu.VMEM((NPT,), jnp.float32),
            pltpu.VMEM((16,), jnp.float32),
            pltpu.VMEM((NPT, D), jnp.float32),
            [pltpu.SemaphoreType.DMA for _ in range(NBUF)],
            [pltpu.SemaphoreType.DMA for _ in range(NBUF)],
        ],
        compiler_params=pltpu.CompilerParams(use_tc_tiling_on_sc=False,
                                             needs_layout_passes=False),
    )
    def k(s1_h, p_h, dinv_h, b16_h, srcb_h, dstb_h, zeros_h, s2_h, qout_h,
          sidx, didx, rows, acc, tsh, s1a, s1b, pv, dv, bv, qb, gsem, ssem):
        c = lax.axis_index("c")
        s = lax.axis_index("s")
        wid = c * NS + s
        t0 = s * rpt
        n0 = s * NPT

        def gather(j, b):
            return pltpu.make_async_copy(tsh.at[sidx.at[j]], rows[b], gsem[b])

        def scatter(j, b):
            return pltpu.make_async_copy(rows[b], acc.at[didx.at[j]], ssem[b])

        pltpu.sync_copy(zeros_h.at[pl.ds(t0, rpt)], acc.at[pl.ds(t0, rpt)])
        pltpu.sync_copy(srcb_h.at[wid], sidx)
        pltpu.sync_copy(dstb_h.at[wid], didx)
        pltpu.sync_copy(s1_h.at[0, pl.ds(n0 * D, NPT * D)], s1a)
        pltpu.sync_copy(s1_h.at[1, pl.ds(n0 * D, NPT * D)], s1b)
        pltpu.sync_copy(p_h.at[pl.ds(n0 * D, NPT * D)], pv)
        pltpu.sync_copy(dinv_h.at[pl.ds(n0, NPT)], dv)
        pltpu.sync_copy(b16_h, bv)

        iota = jnp.arange(16, dtype=jnp.int32)
        row8 = iota >> 3
        col = iota & 7
        bvec = bv[...]

        def qstep(i, carry):
            off = i * 16
            a = s1a[pl.ds(off, 16)] + s1b[pl.ds(off, 16)] + pv[pl.ds(off, 16)]
            dg = plsc.load_gather(dv, [2 * i + row8])
            t = a * dg + bvec
            h = jnp.where(t >= 0, t, 0.01 * t)
            plsc.store_scatter(qb, [2 * i + row8, col], h * dg)
            return carry

        lax.fori_loop(0, VPT, qstep, 0)
        pltpu.sync_copy(qb, tsh.at[pl.ds(n0, NPT)])

        @pl.when(c == 0)
        def _():
            pltpu.sync_copy(qb, qout_h.at[pl.ds(n0, NPT)])

        plsc.subcore_barrier()

        for b in range(NBUF):
            gather(b, b).start()

        def grp(i, carry):
            for b in range(NBUF):
                j = i * NBUF + b
                gather(j, b).wait()
                scatter(j, b).start(add=True)

            @pl.when(i + 1 < G)
            def _():
                for b in range(NBUF):
                    scatter(i * NBUF + b, b).wait()
                    gather((i + 1) * NBUF + b, b).start()
            return carry

        lax.fori_loop(0, G, grp, 0)
        for b in range(NBUF):
            scatter((G - 1) * NBUF + b, b).wait()
        plsc.subcore_barrier()
        pltpu.sync_copy(acc.at[pl.ds(t0, rpt)], s2_h.at[c, pl.ds(t0, rpt)])

    return k(S1f, pf, dinvf, b16, srcb, dstb, zeros)




def _deg_pass1(h1f, srcb, dstb, ones8, zeros):
    D = 8
    KCH = srcb.shape[1]
    G = KCH // NBUF
    nrows = zeros.shape[0]
    rpt = nrows // NS
    NPT = 2 * _cdiv(nrows, 2 * NS)
    VPT = NPT * D // 16
    W = 16

    mesh = plsc.VectorSubcoreMesh(
        core_axis_name="c", subcore_axis_name="s", num_cores=NC, num_subcores=NS
    )

    @functools.partial(
        pl.kernel,
        out_type=[
            jax.ShapeDtypeStruct((NC, nrows, D), jnp.float32),
            jax.ShapeDtypeStruct((nrows, D), jnp.float32),
            jax.ShapeDtypeStruct((nrows,), jnp.float32),
        ],
        mesh=mesh,
        scratch_types=[
            pltpu.VMEM((KCH, CH), jnp.int32),
            pltpu.VMEM((KCH, CH), jnp.int32),
            pltpu.VMEM((2 * KCH, CH), jnp.int32),
            pltpu.VMEM((CH, D), jnp.float32),
            [pltpu.VMEM((CH, D), jnp.float32) for _ in range(NBUF)],
            pltpu.VMEM_SHARED((nrows, D), jnp.float32),
            pltpu.VMEM_SHARED((nrows, D), jnp.float32),
            pltpu.VMEM_SHARED((nrows, D), jnp.float32),
            pltpu.VMEM((NPT, D), jnp.float32),
            pltpu.VMEM((NPT * D,), jnp.float32),
            pltpu.VMEM((NPT, D), jnp.float32),
            pltpu.VMEM((NPT,), jnp.float32),
            pltpu.SemaphoreType.DMA,
            [pltpu.SemaphoreType.DMA for _ in range(NBUF)],
            [pltpu.SemaphoreType.DMA for _ in range(NBUF)],
        ],
        compiler_params=pltpu.CompilerParams(use_tc_tiling_on_sc=False,
                                             needs_layout_passes=False),
    )
    def k(h1_h, srcb_h, dstb_h, ones_h, zeros_h, s1_h, pout_h, dvout_h,
          sidx, didx, didx2, ones, rows, acc, tsh, dacc, degb, h1v, pb, dvb,
          osem, gsem, ssem):
        c = lax.axis_index("c")
        s = lax.axis_index("s")
        wid = c * NS + s
        t0 = s * rpt
        n0 = s * NPT

        def gather(j, b):
            return pltpu.make_async_copy(tsh.at[sidx.at[j]], rows[b], gsem[b])

        def scatter(j, b):
            return pltpu.make_async_copy(rows[b], acc.at[didx.at[j]], ssem[b])

        def dscatter(j):
            return pltpu.make_async_copy(ones, dacc.at[didx2.at[j]], osem)

        pltpu.sync_copy(zeros_h.at[pl.ds(t0, rpt)], acc.at[pl.ds(t0, rpt)])
        pltpu.sync_copy(zeros_h.at[pl.ds(t0, rpt)], dacc.at[pl.ds(t0, rpt)])
        pltpu.sync_copy(ones_h, ones)
        pltpu.sync_copy(dstb_h.at[2 * s], didx2.at[pl.ds(0, KCH)])
        pltpu.sync_copy(dstb_h.at[2 * s + 1], didx2.at[pl.ds(KCH, KCH)])
        pltpu.sync_copy(srcb_h.at[wid], sidx)
        pltpu.sync_copy(dstb_h.at[wid], didx)
        pltpu.sync_copy(h1_h.at[pl.ds(n0 * D, NPT * D)], h1v)
        plsc.subcore_barrier()

        def dstep(j, carry):
            dscatter(j).start(add=True)

            @pl.when(j >= W)
            def _():
                dscatter(j).wait()
            return carry

        lax.fori_loop(0, 2 * KCH, dstep, 0)

        def ddrain(j, carry):
            dscatter(j).wait()
            return carry

        lax.fori_loop(0, W, ddrain, 0)
        plsc.subcore_barrier()

        pltpu.sync_copy(dacc.at[pl.ds(n0, NPT)], degb)
        iota = jnp.arange(16, dtype=jnp.int32)
        row8 = iota >> 3
        col = iota & 7

        def pstep(i, carry):
            x = plsc.load_gather(degb, [2 * i + row8, col]) + 1.0
            bits = plsc.bitcast(x, jnp.int32)
            y = plsc.bitcast(jnp.int32(0x5F3759DF) - (bits >> 1), jnp.float32)
            y = y * (1.5 - 0.5 * x * y * y)
            y = y * (1.5 - 0.5 * x * y * y)
            y = y * (1.5 - 0.5 * x * y * y)
            vh = h1v[pl.ds(i * 16, 16)]
            plsc.store_scatter(pb, [2 * i + row8, col], vh * y)
            plsc.store_scatter(dvb, [2 * i + row8], y)
            return carry

        lax.fori_loop(0, VPT, pstep, 0)
        pltpu.sync_copy(pb, tsh.at[pl.ds(n0, NPT)])

        @pl.when(c == 0)
        def _():
            pltpu.sync_copy(pb, pout_h.at[pl.ds(n0, NPT)])
            pltpu.sync_copy(dvb, dvout_h.at[pl.ds(n0, NPT)])

        plsc.subcore_barrier()

        for b in range(NBUF):
            gather(b, b).start()

        def grp(i, carry):
            for b in range(NBUF):
                j = i * NBUF + b
                gather(j, b).wait()
                scatter(j, b).start(add=True)

            @pl.when(i + 1 < G)
            def _():
                for b in range(NBUF):
                    scatter(i * NBUF + b, b).wait()
                    gather((i + 1) * NBUF + b, b).start()
            return carry

        lax.fori_loop(0, G, grp, 0)
        for b in range(NBUF):
            scatter((G - 1) * NBUF + b, b).wait()
        plsc.subcore_barrier()
        pltpu.sync_copy(acc.at[pl.ds(t0, rpt)], s1_h.at[c, pl.ds(t0, rpt)])

    return k(h1f, srcb, dstb, ones8, zeros)


def _mm1(x, W1):
    N, d_in = x.shape
    hid = W1.shape[1]
    BR = 2000

    def body(x_ref, w_ref, o_ref):
        o_ref[...] = jnp.dot(x_ref[...], w_ref[...],
                             preferred_element_type=jnp.float32)

    return pl.pallas_call(
        body,
        grid=(N // BR,),
        in_specs=[
            pl.BlockSpec((BR, d_in), lambda i: (i, 0)),
            pl.BlockSpec((d_in, hid), lambda i: (0, 0)),
        ],
        out_specs=pl.BlockSpec((BR, hid), lambda i: (i, 0)),
        out_shape=jax.ShapeDtypeStruct((N, hid), jnp.float32),
    )(x, W1)


def _final(s2a, s2b, q, dinv, W2, b2):
    N, hid = q.shape
    d_out = W2.shape[1]
    BR = 2000

    def body(sa_ref, sb_ref, q_ref, dv_ref, w_ref, b_ref, o_ref):
        a2 = dv_ref[...] * (sa_ref[...] + sb_ref[...] + q_ref[...])
        o_ref[...] = jnp.dot(a2, w_ref[...],
                             preferred_element_type=jnp.float32) + b_ref[...]

    return pl.pallas_call(
        body,
        grid=(N // BR,),
        in_specs=[
            pl.BlockSpec((BR, hid), lambda i: (i, 0)),
            pl.BlockSpec((BR, hid), lambda i: (i, 0)),
            pl.BlockSpec((BR, hid), lambda i: (i, 0)),
            pl.BlockSpec((BR, 1), lambda i: (i, 0)),
            pl.BlockSpec((hid, d_out), lambda i: (0, 0)),
            pl.BlockSpec((1, d_out), lambda i: (0, 0)),
        ],
        out_specs=pl.BlockSpec((BR, d_out), lambda i: (i, 0)),
        out_shape=jax.ShapeDtypeStruct((N, d_out), jnp.float32),
    )(s2a, s2b, q, dinv, W2, b2.reshape(1, d_out))


def kernel(x, edge_index, W1, b1, W2, b2):
    N, d_in = x.shape
    E = edge_index.shape[1]
    hid = W1.shape[1]

    KCH = _cdiv(_cdiv(E, NW * CH), NBUF) * NBUF
    EP = NW * KCH * CH
    npad = EP - E
    PAD_ROWS = 128
    nrows = _cdiv(N + PAD_ROWS, NS * 8) * NS * 8

    src = edge_index[0]
    dst = edge_index[1]
    ar = jnp.arange(npad, dtype=edge_index.dtype)
    srcb = jnp.concatenate([src, ar % N]).reshape(NW, KCH, CH)
    dstb = jnp.concatenate([dst, N + (ar % PAD_ROWS)]).reshape(NW, KCH, CH)
    zeros = jnp.zeros((nrows, hid), jnp.float32)
    ones8 = jnp.ones((CH, hid), jnp.float32)
    pad = nrows - N

    h1 = _mm1(x, W1)
    h1f = jnp.concatenate([h1.reshape(-1),
                           jnp.zeros((pad * hid,), jnp.float32)])
    S1, pout, dinvf = _deg_pass1(h1f, srcb, dstb, ones8, zeros)
    b16 = jnp.concatenate([b1, b1])
    S2, q = _edge_pass_q(S1.reshape(NC, nrows * hid), pout.reshape(-1),
                         dinvf, b16, srcb, dstb, zeros)
    return _final(S2[0, :N], S2[1, :N], q[:N], dinvf[:N].reshape(N, 1),
                  W2, b2)

# --- scband reference (transcript-rebuilt; emitter-appended) ---
"""Pipeline reference for scband-graph-module-57140244906574 (READ-ONLY COPY).

The authoritative reference and input builder live on the scoring server;
editing this copy changes nothing except your own understanding.
"""

import jax, jax.numpy as jnp
import numpy as np


def gcn_conv(x, edge_index, W, b):
    # GCN layer: D^{-1/2} (A + I) D^{-1/2} X W + b  (PyG GCNConv defaults)
    N = x.shape[0]
    loop = jnp.arange(N, dtype=edge_index.dtype)
    src = jnp.concatenate([edge_index[0], loop])
    dst = jnp.concatenate([edge_index[1], loop])
    deg = jax.ops.segment_sum(jnp.ones_like(dst, dtype=x.dtype), dst, num_segments=N)
    dinv = jnp.where(deg > 0, 1.0 / jnp.sqrt(deg), 0.0)
    norm = dinv[src] * dinv[dst]
    h = x @ W
    msg = h[src] * norm[:, None]
    out = jax.ops.segment_sum(msg, dst, num_segments=N)
    return out + b


def setup_inputs(seed: int = 0) -> dict:
    key = jax.random.key(seed)
    k1, k2, k3, k4, k5, k6 = jax.random.split(key, 6)
    N, E = 10000, 320000
    d_in, hid, d_out = 128, 8, 128
    x = jax.random.normal(k1, (N, d_in), dtype=jnp.float32)
    edge_index = jax.random.randint(k2, (2, E), 0, N, dtype=jnp.int32)
    W1 = jax.random.normal(k3, (d_in, hid), dtype=jnp.float32) * (1.0 / np.sqrt(d_in))
    b1 = jnp.zeros((hid,), dtype=jnp.float32)
    W2 = jax.random.normal(k4, (hid, d_out), dtype=jnp.float32) * (1.0 / np.sqrt(hid))
    b2 = jnp.zeros((d_out,), dtype=jnp.float32)
    return {"x": x, "edge_index": edge_index, "W1": W1, "b1": b1, "W2": W2, "b2": b2}


def reference(x, edge_index, W1, b1, W2, b2):
    h = gcn_conv(x, edge_index, W1, b1)
    h = jax.nn.leaky_relu(h, negative_slope=0.01)
    # F.dropout(x, training=self.training) is identity in eval mode
    out = gcn_conv(h, edge_index, W2, b2)
    return out

if __name__ == "__main__":
    import jax
    _d = setup_inputs()
    print(jax.jit(kernel)(*tuple(_d.values())))

</pallas_src>

<mosaic_0001>
#map = affine_map<(d0, d1) -> (0, 0)>
#map1 = affine_map<(d0, d1) -> (0)>
#map2 = affine_map<(d0, d1) -> (0, 0, 0)>
module attributes {stable_mosaic.version = 14 : i64} {
  func.func @k(%arg0: i32, %arg1: i32, %arg2: memref<2x81920xf32, #tpu.memory_space<hbm>>, %arg3: memref<81920xf32, #tpu.memory_space<hbm>>, %arg4: memref<10240xf32, #tpu.memory_space<hbm>>, %arg5: memref<16xf32, #tpu.memory_space<hbm>>, %arg6: memref<32x80x128xi32, #tpu.memory_space<hbm>>, %arg7: memref<32x80x128xi32, #tpu.memory_space<hbm>>, %arg8: memref<10240x8xf32, #tpu.memory_space<hbm>>, %arg9: memref<2x10240x8xf32, #tpu.memory_space<hbm>>, %arg10: memref<10240x8xf32, #tpu.memory_space<hbm>>, %arg11: memref<80x128xi32, #tpu.memory_space<vmem>>, %arg12: memref<80x128xi32, #tpu.memory_space<vmem>>, %arg13: memref<128x8xf32, #tpu.memory_space<vmem>>, %arg14: memref<128x8xf32, #tpu.memory_space<vmem>>, %arg15: memref<128x8xf32, #tpu.memory_space<vmem>>, %arg16: memref<128x8xf32, #tpu.memory_space<vmem>>, %arg17: memref<128x8xf32, #tpu.memory_space<vmem>>, %arg18: memref<128x8xf32, #tpu.memory_space<vmem>>, %arg19: memref<128x8xf32, #tpu.memory_space<vmem>>, %arg20: memref<128x8xf32, #tpu.memory_space<vmem>>, %arg21: memref<10240x8xf32, #tpu.memory_space<vmem_shared>>, %arg22: memref<10240x8xf32, #tpu.memory_space<vmem_shared>>, %arg23: memref<5120xf32, #tpu.memory_space<vmem>>, %arg24: memref<5120xf32, #tpu.memory_space<vmem>>, %arg25: memref<5120xf32, #tpu.memory_space<vmem>>, %arg26: memref<640xf32, #tpu.memory_space<vmem>>, %arg27: memref<16xf32, #tpu.memory_space<vmem>>, %arg28: memref<640x8xf32, #tpu.memory_space<vmem>>, %arg29: memref<!tpu.dma_semaphore, #tpu.memory_space<semaphore_mem>>, %arg30: memref<!tpu.dma_semaphore, #tpu.memory_space<semaphore_mem>>, %arg31: memref<!tpu.dma_semaphore, #tpu.memory_space<semaphore_mem>>, %arg32: memref<!tpu.dma_semaphore, #tpu.memory_space<semaphore_mem>>, %arg33: memref<!tpu.dma_semaphore, #tpu.memory_space<semaphore_mem>>, %arg34: memref<!tpu.dma_semaphore, #tpu.memory_space<semaphore_mem>>, %arg35: memref<!tpu.dma_semaphore, #tpu.memory_space<semaphore_mem>>, %arg36: memref<!tpu.dma_semaphore, #tpu.memory_space<semaphore_mem>>, %arg37: memref<!tpu.dma_semaphore, #tpu.memory_space<semaphore_mem>>, %arg38: memref<!tpu.dma_semaphore, #tpu.memory_space<semaphore_mem>>, %arg39: memref<!tpu.dma_semaphore, #tpu.memory_space<semaphore_mem>>, %arg40: memref<!tpu.dma_semaphore, #tpu.memory_space<semaphore_mem>>, %arg41: memref<!tpu.dma_semaphore, #tpu.memory_space<semaphore_mem>>, %arg42: memref<!tpu.dma_semaphore, #tpu.memory_space<semaphore_mem>>, %arg43: memref<!tpu.dma_semaphore, #tpu.memory_space<semaphore_mem>>, %arg44: memref<!tpu.dma_semaphore, #tpu.memory_space<semaphore_mem>>) attributes {dimension_semantics = [#tpu.dimension_semantics<core_parallel>, #tpu.dimension_semantics<subcore_parallel>], iteration_bounds = array<i64: 2, 16>, scalar_prefetch = 0 : i64, scratch_operands = 34 : i64, tpu.core_type = #tpu.core_type<sc_vector_subcore>, window_params = [{transform_indices = #map}, {transform_indices = #map1}, {transform_indices = #map1}, {transform_indices = #map1}, {transform_indices = #map2}, {transform_indices = #map2}, {transform_indices = #map}, {transform_indices = #map2}, {transform_indices = #map}]} {
    %mul3A = arith.constant 16 : i32
    %mul3A_0 = arith.muli %arg0, %mul3A : i32
    %add3A = arith.addi %mul3A_0, %arg1 : i32
    %mul3A_1 = arith.constant 640 : i32
    %mul3A_2 = arith.muli %arg1, %mul3A_1 : i32
    %mul3A_3 = arith.constant 640 : i32
    %mul3A_4 = arith.muli %arg1, %mul3A_3 : i32
    "tpu.region"() ({
      %run_scoped3A_141 = tpu.sem_alloc : memref<!tpu.dma_semaphore, #tpu.memory_space<semaphore_mem>>
      %dma_start3A_142 = arith.constant 0 : i32
      %dma_start3A_143 = tpu.memref_slice %arg21[%mul3A_2, %dma_start3A_142] : memref<10240x8xf32, #tpu.memory_space<vmem_shared>> -> memref<640x8xf32, #tpu.memory_space<vmem_shared>>
      %dma_start3A_144 = arith.constant 0 : i32
      %dma_start3A_145 = tpu.memref_slice %arg8[%mul3A_2, %dma_start3A_144] : memref<10240x8xf32, #tpu.memory_space<hbm>> -> memref<640x8xf32, #tpu.memory_space<hbm>>
      tpu.enqueue_dma source(%dma_start3A_145 : memref<640x8xf32, #tpu.memory_space<hbm>>) target(%dma_start3A_143 : memref<640x8xf32, #tpu.memory_space<vmem_shared>>) target_semaphore(%run_scoped3A_141 : memref<!tpu.dma_semaphore, #tpu.memory_space<semaphore_mem>>)
      %dma_wait3A_146 = arith.constant 0 : i32
      %dma_wait3A_147 = tpu.memref_slice %arg21[%mul3A_2, %dma_wait3A_146] : memref<10240x8xf32, #tpu.memory_space<vmem_shared>> -> memref<640x8xf32, #tpu.memory_space<vmem_shared>>
      %dma_wait3A_148 = arith.constant 0 : i32
      %dma_wait3A_149 = tpu.memref_slice %arg8[%mul3A_2, %dma_wait3A_148] : memref<10240x8xf32, #tpu.memory_space<hbm>> -> memref<640x8xf32, #tpu.memory_space<hbm>>
      tpu.wait_dma2 semaphore(%run_scoped3A_141 : memref<!tpu.dma_semaphore, #tpu.memory_space<semaphore_mem>>) src(%dma_wait3A_149 : memref<640x8xf32, #tpu.memory_space<hbm>>) dst(%dma_wait3A_147 : memref<640x8xf32, #tpu.memory_space<vmem_shared>>)
      tpu.yield
    }) : () -> ()
    "tpu.region"() ({
      %run_scoped3A_141 = tpu.sem_alloc : memref<!tpu.dma_semaphore, #tpu.memory_space<semaphore_mem>>
      %dma_start3A_142 = arith.constant 0 : i32
      %dma_start3A_143 = arith.constant 0 : i32
      %dma_start3A_144 = tpu.memref_slice %arg6[%add3A, %dma_start3A_142, %dma_start3A_143] : memref<32x80x128xi32, #tpu.memory_space<hbm>> -> memref<1x80x128xi32, #tpu.memory_space<hbm>>
      %dma_start3A_145 = tpu.memref_squeeze %dma_start3A_144 : memref<1x80x128xi32, #tpu.memory_space<hbm>> -> memref<80x128xi32, #tpu.memory_space<hbm>>
      %dma_start3A_146 = arith.constant 0 : i32
      %dma_start3A_147 = arith.constant 0 : i32
      %dma_start3A_148 = tpu.memref_slice %arg6[%add3A, %dma_start3A_146, %dma_start3A_147] : memref<32x80x128xi32, #tpu.memory_space<hbm>> -> memref<1x80x128xi32, #tpu.memory_space<hbm>>
      %dma_start3A_149 = tpu.memref_squeeze %dma_start3A_148 : memref<1x80x128xi32, #tpu.memory_space<hbm>> -> memref<80x128xi32, #tpu.memory_space<hbm>>
      tpu.enqueue_dma source(%dma_start3A_149 : memref<80x128xi32, #tpu.memory_space<hbm>>) target(%arg11 : memref<80x128xi32, #tpu.memory_space<vmem>>) target_semaphore(%run_scoped3A_141 : memref<!tpu.dma_semaphore, #tpu.memory_space<semaphore_mem>>)
      %dma_wait3A_150 = arith.constant 0 : i32
      %dma_wait3A_151 = arith.constant 0 : i32
      %dma_wait3A_152 = tpu.memref_slice %arg6[%add3A, %dma_wait3A_150, %dma_wait3A_151] : memref<32x80x128xi32, #tpu.memory_space<hbm>> -> memref<1x80x128xi32, #tpu.memory_space<hbm>>
      %dma_wait3A_153 = tpu.memref_squeeze %dma_wait3A_152 : memref<1x80x128xi32, #tpu.memory_space<hbm>> -> memref<80x128xi32, #tpu.memory_space<hbm>>
      %dma_wait3A_154 = arith.constant 0 : i32
      %dma_wait3A_155 = arith.constant 0 : i32
      %dma_wait3A_156 = tpu.memref_slice %arg6[%add3A, %dma_wait3A_154, %dma_wait3A_155] : memref<32x80x128xi32, #tpu.memory_space<hbm>> -> memref<1x80x128xi32, #tpu.memory_space<hbm>>
      %dma_wait3A_157 = tpu.memref_squeeze %dma_wait3A_156 : memref<1x80x128xi32, #tpu.memory_space<hbm>> -> memref<80x128xi32, #tpu.memory_space<hbm>>
      tpu.wait_dma2 semaphore(%run_scoped3A_141 : memref<!tpu.dma_semaphore, #tpu.memory_space<semaphore_mem>>) src(%dma_wait3A_157 : memref<80x128xi32, #tpu.memory_space<hbm>>) dst(%arg11 : memref<80x128xi32, #tpu.memory_space<vmem>>)
      tpu.yield
    }) : () -> ()
    "tpu.region"() ({
      %run_scoped3A_141 = tpu.sem_alloc : memref<!tpu.dma_semaphore, #tpu.memory_space<semaphore_mem>>
      %dma_start3A_142 = arith.constant 0 : i32
      %dma_start3A_143 = arith.constant 0 : i32
      %dma_start3A_144 = tpu.memref_slice %arg7[%add3A, %dma_start3A_142, %dma_start3A_143] : memref<32x80x128xi32, #tpu.memory_space<hbm>> -> memref<1x80x128xi32, #tpu.memory_space<hbm>>
      %dma_start3A_145 = tpu.memref_squeeze %dma_start3A_144 : memref<1x80x128xi32, #tpu.memory_space<hbm>> -> memref<80x128xi32, #tpu.memory_space<hbm>>
      %dma_start3A_146 = arith.constant 0 : i32
      %dma_start3A_147 = arith.constant 0 : i32
      %dma_start3A_148 = tpu.memref_slice %arg7[%add3A, %dma_start3A_146, %dma_start3A_147] : memref<32x80x128xi32, #tpu.memory_space<hbm>> -> memref<1x80x128xi32, #tpu.memory_space<hbm>>
      %dma_start3A_149 = tpu.memref_squeeze %dma_start3A_148 : memref<1x80x128xi32, #tpu.memory_space<hbm>> -> memref<80x128xi32, #tpu.memory_space<hbm>>
      tpu.enqueue_dma source(%dma_start3A_149 : memref<80x128xi32, #tpu.memory_space<hbm>>) target(%arg12 : memref<80x128xi32, #tpu.memory_space<vmem>>) target_semaphore(%run_scoped3A_141 : memref<!tpu.dma_semaphore, #tpu.memory_space<semaphore_mem>>)
      %dma_wait3A_150 = arith.constant 0 : i32
      %dma_wait3A_151 = arith.constant 0 : i32
      %dma_wait3A_152 = tpu.memref_slice %arg7[%add3A, %dma_wait3A_150, %dma_wait3A_151] : memref<32x80x128xi32, #tpu.memory_space<hbm>> -> memref<1x80x128xi32, #tpu.memory_space<hbm>>
      %dma_wait3A_153 = tpu.memref_squeeze %dma_wait3A_152 : memref<1x80x128xi32, #tpu.memory_space<hbm>> -> memref<80x128xi32, #tpu.memory_space<hbm>>
      %dma_wait3A_154 = arith.constant 0 : i32
      %dma_wait3A_155 = arith.constant 0 : i32
      %dma_wait3A_156 = tpu.memref_slice %arg7[%add3A, %dma_wait3A_154, %dma_wait3A_155] : memref<32x80x128xi32, #tpu.memory_space<hbm>> -> memref<1x80x128xi32, #tpu.memory_space<hbm>>
      %dma_wait3A_157 = tpu.memref_squeeze %dma_wait3A_156 : memref<1x80x128xi32, #tpu.memory_space<hbm>> -> memref<80x128xi32, #tpu.memory_space<hbm>>
      tpu.wait_dma2 semaphore(%run_scoped3A_141 : memref<!tpu.dma_semaphore, #tpu.memory_space<semaphore_mem>>) src(%dma_wait3A_157 : memref<80x128xi32, #tpu.memory_space<hbm>>) dst(%arg12 : memref<80x128xi32, #tpu.memory_space<vmem>>)
      tpu.yield
    }) : () -> ()
    %mul3A_5 = arith.constant 8 : i32
    %mul3A_6 = arith.muli %mul3A_4, %mul3A_5 : i32
    %run_scoped3A = arith.constant 0 : i32
    "tpu.region"() ({
      %run_scoped3A_141 = tpu.sem_alloc : memref<!tpu.dma_semaphore, #tpu.memory_space<semaphore_mem>>
      %dma_start3A_142 = tpu.memref_slice %arg2[%run_scoped3A, %mul3A_6] : memref<2x81920xf32, #tpu.memory_space<hbm>> -> memref<1x5120xf32, #tpu.memory_space<hbm>>
      %dma_start3A_143 = tpu.memref_squeeze %dma_start3A_142 : memref<1x5120xf32, #tpu.memory_space<hbm>> -> memref<5120xf32, #tpu.memory_space<hbm>>
      %dma_start3A_144 = tpu.memref_slice %arg2[%run_scoped3A, %mul3A_6] : memref<2x81920xf32, #tpu.memory_space<hbm>> -> memref<1x5120xf32, #tpu.memory_space<hbm>>
      %dma_start3A_145 = tpu.memref_squeeze %dma_start3A_144 : memref<1x5120xf32, #tpu.memory_space<hbm>> -> memref<5120xf32, #tpu.memory_space<hbm>>
      tpu.enqueue_dma source(%dma_start3A_145 : memref<5120xf32, #tpu.memory_space<hbm>>) target(%arg23 : memref<5120xf32, #tpu.memory_space<vmem>>) target_semaphore(%run_scoped3A_141 : memref<!tpu.dma_semaphore, #tpu.memory_space<semaphore_mem>>)
      %dma_wait3A_146 = tpu.memref_slice %arg2[%run_scoped3A, %mul3A_6] : memref<2x81920xf32, #tpu.memory_space<hbm>> -> memref<1x5120xf32, #tpu.memory_space<hbm>>
      %dma_wait3A_147 = tpu.memref_squeeze %dma_wait3A_146 : memref<1x5120xf32, #tpu.memory_space<hbm>> -> memref<5120xf32, #tpu.memory_space<hbm>>
      %dma_wait3A_148 = tpu.memref_slice %arg2[%run_scoped3A, %mul3A_6] : memref<2x81920xf32, #tpu.memory_space<hbm>> -> memref<1x5120xf32, #tpu.memory_space<hbm>>
      %dma_wait3A_149 = tpu.memref_squeeze %dma_wait3A_148 : memref<1x5120xf32, #tpu.memory_space<hbm>> -> memref<5120xf32, #tpu.memory_space<hbm>>
      tpu.wait_dma2 semaphore(%run_scoped3A_141 : memref<!tpu.dma_semaphore, #tpu.memory_space<semaphore_mem>>) src(%dma_wait3A_149 : memref<5120xf32, #tpu.memory_space<hbm>>) dst(%arg23 : memref<5120xf32, #tpu.memory_space<vmem>>)
      tpu.yield
    }) : () -> ()
    %mul3A_7 = arith.constant 8 : i32
    %mul3A_8 = arith.muli %mul3A_4, %mul3A_7 : i32
    %run_scoped3A_9 = arith.constant 1 : i32
    "tpu.region"() ({
      %run_scoped3A_141 = tpu.sem_alloc : memref<!tpu.dma_semaphore, #tpu.memory_space<semaphore_mem>>
      %dma_start3A_142 = tpu.memref_slice %arg2[%run_scoped3A_9, %mul3A_8] : memref<2x81920xf32, #tpu.memory_space<hbm>> -> memref<1x5120xf32, #tpu.memory_space<hbm>>
      %dma_start3A_143 = tpu.memref_squeeze %dma_start3A_142 : memref<1x5120xf32, #tpu.memory_space<hbm>> -> memref<5120xf32, #tpu.memory_space<hbm>>
      %dma_start3A_144 = tpu.memref_slice %arg2[%run_scoped3A_9, %mul3A_8] : memref<2x81920xf32, #tpu.memory_space<hbm>> -> memref<1x5120xf32, #tpu.memory_space<hbm>>
      %dma_start3A_145 = tpu.memref_squeeze %dma_start3A_144 : memref<1x5120xf32, #tpu.memory_space<hbm>> -> memref<5120xf32, #tpu.memory_space<hbm>>
      tpu.enqueue_dma source(%dma_start3A_145 : memref<5120xf32, #tpu.memory_space<hbm>>) target(%arg24 : memref<5120xf32, #tpu.memory_space<vmem>>) target_semaphore(%run_scoped3A_141 : memref<!tpu.dma_semaphore, #tpu.memory_space<semaphore_mem>>)
      %dma_wait3A_146 = tpu.memref_slice %arg2[%run_scoped3A_9, %mul3A_8] : memref<2x81920xf32, #tpu.memory_space<hbm>> -> memref<1x5120xf32, #tpu.memory_space<hbm>>
      %dma_wait3A_147 = tpu.memref_squeeze %dma_wait3A_146 : memref<1x5120xf32, #tpu.memory_space<hbm>> -> memref<5120xf32, #tpu.memory_space<hbm>>
      %dma_wait3A_148 = tpu.memref_slice %arg2[%run_scoped3A_9, %mul3A_8] : memref<2x81920xf32, #tpu.memory_space<hbm>> -> memref<1x5120xf32, #tpu.memory_space<hbm>>
      %dma_wait3A_149 = tpu.memref_squeeze %dma_wait3A_148 : memref<1x5120xf32, #tpu.memory_space<hbm>> -> memref<5120xf32, #tpu.memory_space<hbm>>
      tpu.wait_dma2 semaphore(%run_scoped3A_141 : memref<!tpu.dma_semaphore, #tpu.memory_space<semaphore_mem>>) src(%dma_wait3A_149 : memref<5120xf32, #tpu.memory_space<hbm>>) dst(%arg24 : memref<5120xf32, #tpu.memory_space<vmem>>)
      tpu.yield
    }) : () -> ()
    %mul3A_10 = arith.constant 8 : i32
    %mul3A_11 = arith.muli %mul3A_4, %mul3A_10 : i32
    "tpu.region"() ({
      %run_scoped3A_141 = tpu.sem_alloc : memref<!tpu.dma_semaphore, #tpu.memory_space<semaphore_mem>>
      %dma_start3A_142 = tpu.memref_slice %arg3[%mul3A_11] : memref<81920xf32, #tpu.memory_space<hbm>> -> memref<5120xf32, #tpu.memory_space<hbm>>
      %dma_start3A_143 = tpu.memref_slice %arg3[%mul3A_11] : memref<81920xf32, #tpu.memory_space<hbm>> -> memref<5120xf32, #tpu.memory_space<hbm>>
      tpu.enqueue_dma source(%dma_start3A_143 : memref<5120xf32, #tpu.memory_space<hbm>>) target(%arg25 : memref<5120xf32, #tpu.memory_space<vmem>>) target_semaphore(%run_scoped3A_141 : memref<!tpu.dma_semaphore, #tpu.memory_space<semaphore_mem>>)
      %dma_wait3A_144 = tpu.memref_slice %arg3[%mul3A_11] : memref<81920xf32, #tpu.memory_space<hbm>> -> memref<5120xf32, #tpu.memory_space<hbm>>
      %dma_wait3A_145 = tpu.memref_slice %arg3[%mul3A_11] : memref<81920xf32, #tpu.memory_space<hbm>> -> memref<5120xf32, #tpu.memory_space<hbm>>
      tpu.wait_dma2 semaphore(%run_scoped3A_141 : memref<!tpu.dma_semaphore, #tpu.memory_space<semaphore_mem>>) src(%dma_wait3A_145 : memref<5120xf32, #tpu.memory_space<hbm>>) dst(%arg25 : memref<5120xf32, #tpu.memory_space<vmem>>)
      tpu.yield
    }) : () -> ()
    "tpu.region"() ({
      %run_scoped3A_141 = tpu.sem_alloc : memref<!tpu.dma_semaphore, #tpu.memory_space<semaphore_mem>>
      %dma_start3A_142 = tpu.memref_slice %arg4[%mul3A_4] : memref<10240xf32, #tpu.memory_space<hbm>> -> memref<640xf32, #tpu.memory_space<hbm>>
      %dma_start3A_143 = tpu.memref_slice %arg4[%mul3A_4] : memref<10240xf32, #tpu.memory_space<hbm>> -> memref<640xf32, #tpu.memory_space<hbm>>
      tpu.enqueue_dma source(%dma_start3A_143 : memref<640xf32, #tpu.memory_space<hbm>>) target(%arg26 : memref<640xf32, #tpu.memory_space<vmem>>) target_semaphore(%run_scoped3A_141 : memref<!tpu.dma_semaphore, #tpu.memory_space<semaphore_mem>>)
      %dma_wait3A_144 = tpu.memref_slice %arg4[%mul3A_4] : memref<10240xf32, #tpu.memory_space<hbm>> -> memref<640xf32, #tpu.memory_space<hbm>>
      %dma_wait3A_145 = tpu.memref_slice %arg4[%mul3A_4] : memref<10240xf32, #tpu.memory_space<hbm>> -> memref<640xf32, #tpu.memory_space<hbm>>
      tpu.wait_dma2 semaphore(%run_scoped3A_141 : memref<!tpu.dma_semaphore, #tpu.memory_space<semaphore_mem>>) src(%dma_wait3A_145 : memref<640xf32, #tpu.memory_space<hbm>>) dst(%arg26 : memref<640xf32, #tpu.memory_space<vmem>>)
      tpu.yield
    }) : () -> ()
    "tpu.region"() ({
      %run_scoped3A_141 = tpu.sem_alloc : memref<!tpu.dma_semaphore, #tpu.memory_space<semaphore_mem>>
      tpu.enqueue_dma source(%arg5 : memref<16xf32, #tpu.memory_space<hbm>>) target(%arg27 : memref<16xf32, #tpu.memory_space<vmem>>) target_semaphore(%run_scoped3A_141 : memref<!tpu.dma_semaphore, #tpu.memory_space<semaphore_mem>>)
      tpu.wait_dma2 semaphore(%run_scoped3A_141 : memref<!tpu.dma_semaphore, #tpu.memory_space<semaphore_mem>>) src(%arg5 : memref<16xf32, #tpu.memory_space<hbm>>) dst(%arg27 : memref<16xf32, #tpu.memory_space<vmem>>)
      tpu.yield
    }) : () -> ()
    %iota3A = tpu.iota {dimensions = array<i32: 0>} : vector<16xi32>
    %shift_right_arithmetic3A = arith.constant 3 : i32
    %shift_right_arithmetic3A_12 = vector.broadcast %shift_right_arithmetic3A : i32 to vector<16xi32>
    %shift_right_arithmetic3A_13 = arith.shrsi %iota3A, %shift_right_arithmetic3A_12 : vector<16xi32>
    %and3A = arith.constant 7 : i32
    %and3A_14 = vector.broadcast %and3A : i32 to vector<16xi32>
    %and3A_15 = arith.andi %iota3A, %and3A_14 : vector<16xi32>
    %get3A = arith.constant 0 : index
    %get3A_16 = tpu.vector_load %arg27[%get3A] {strides = array<i32>} : memref<16xf32, #tpu.memory_space<vmem>>, vector<16xf32>,
    %scan3A = arith.constant 0 : i32
    %scan3A_17 = arith.constant 0 : i32
    %scan3A_18 = arith.constant 320 : i32
    %scan3A_19 = arith.addi %scan3A_17, %scan3A_18 : i32
    %scan3A_20 = arith.constant 1 : i32
    scf.for %scan3A_141 = %scan3A_17 to %scan3A_19 step %scan3A_20  : i32 {
      %mul3A_142 = arith.constant 16 : i32
      %mul3A_143 = arith.muli %scan3A_141, %mul3A_142 : i32
      %get3A_144 = arith.index_cast %mul3A_143 : i32 to index
      %get3A_145 = tpu.vector_load %arg23[%get3A_144] {strides = array<i32>} : memref<5120xf32, #tpu.memory_space<vmem>>, vector<16xf32>,
      %get3A_146 = arith.index_cast %mul3A_143 : i32 to index
      %get3A_147 = tpu.vector_load %arg24[%get3A_146] {strides = array<i32>} : memref<5120xf32, #tpu.memory_space<vmem>>, vector<16xf32>,
      %add3A_148 = arith.addf %get3A_145, %get3A_147 : vector<16xf32>
      %get3A_149 = arith.index_cast %mul3A_143 : i32 to index
      %get3A_150 = tpu.vector_load %arg25[%get3A_149] {strides = array<i32>} : memref<5120xf32, #tpu.memory_space<vmem>>, vector<16xf32>,
      %add3A_151 = arith.addf %add3A_148, %get3A_150 : vector<16xf32>
      %mul3A_152 = arith.constant 2 : i32
      %mul3A_153 = arith.muli %mul3A_152, %scan3A_141 : i32
      %add3A_154 = vector.broadcast %mul3A_153 : i32 to vector<16xi32>
      %add3A_155 = arith.addi %add3A_154, %shift_right_arithmetic3A_13 : vector<16xi32>
      %gather3A = tpu.vector_load_idx %arg26[%add3A_155] : memref<640xf32, #tpu.memory_space<vmem>>[vector<16xi32>], vector<16xf32>,
      %mul3A_156 = arith.mulf %add3A_151, %gather3A : vector<16xf32>
      %add3A_157 = arith.addf %mul3A_156, %get3A_16 : vector<16xf32>
      %ge3A = arith.constant 0.000000e+00 : f32
      %ge3A_158 = vector.broadcast %ge3A : f32 to vector<16xf32>
      %ge3A_159 = arith.cmpf oge, %add3A_157, %ge3A_158 : vector<16xf32>
      %mul3A_160 = arith.constant 0.00999999977 : f32
      %mul3A_161 = vector.broadcast %mul3A_160 : f32 to vector<16xf32>
      %mul3A_162 = arith.mulf %mul3A_161, %add3A_157 : vector<16xf32>
      %select_n3A = arith.select %ge3A_159, %add3A_157, %mul3A_162 : vector<16xi1>, vector<16xf32>
      %mul3A_163 = arith.constant 2 : i32
      %mul3A_164 = arith.muli %mul3A_163, %scan3A_141 : i32
      %add3A_165 = vector.broadcast %mul3A_164 : i32 to vector<16xi32>
      %add3A_166 = arith.addi %add3A_165, %shift_right_arithmetic3A_13 : vector<16xi32>
      %mul3A_167 = arith.mulf %select_n3A, %gather3A : vector<16xf32>
      tpu.vector_store_idx %arg28[%add3A_166, %and3A_15], %mul3A_167 : memref<640x8xf32, #tpu.memory_space<vmem>>[vector<16xi32>, vector<16xi32>], vector<16xf32>,
    }
    %scan3A_21 = arith.constant 320 : i32
    "tpu.region"() ({
      %run_scoped3A_141 = tpu.sem_alloc : memref<!tpu.dma_semaphore, #tpu.memory_space<semaphore_mem>>
      %dma_start3A_142 = arith.constant 0 : i32
      %dma_start3A_143 = tpu.memref_slice %arg22[%mul3A_4, %dma_start3A_142] : memref<10240x8xf32, #tpu.memory_space<vmem_shared>> -> memref<640x8xf32, #tpu.memory_space<vmem_shared>>
      %dma_start3A_144 = arith.constant 0 : i32
      %dma_start3A_145 = tpu.memref_slice %arg22[%mul3A_4, %dma_start3A_144] : memref<10240x8xf32, #tpu.memory_space<vmem_shared>> -> memref<640x8xf32, #tpu.memory_space<vmem_shared>>
      tpu.enqueue_dma source(%arg28 : memref<640x8xf32, #tpu.memory_space<vmem>>) target(%dma_start3A_145 : memref<640x8xf32, #tpu.memory_space<vmem_shared>>) target_semaphore(%run_scoped3A_141 : memref<!tpu.dma_semaphore, #tpu.memory_space<semaphore_mem>>)
      %dma_wait3A_146 = arith.constant 0 : i32
      %dma_wait3A_147 = tpu.memref_slice %arg22[%mul3A_4, %dma_wait3A_146] : memref<10240x8xf32, #tpu.memory_space<vmem_shared>> -> memref<640x8xf32, #tpu.memory_space<vmem_shared>>
      %dma_wait3A_148 = arith.constant 0 : i32
      %dma_wait3A_149 = tpu.memref_slice %arg22[%mul3A_4, %dma_wait3A_148] : memref<10240x8xf32, #tpu.memory_space<vmem_shared>> -> memref<640x8xf32, #tpu.memory_space<vmem_shared>>
      tpu.wait_dma2 semaphore(%run_scoped3A_141 : memref<!tpu.dma_semaphore, #tpu.memory_space<semaphore_mem>>) src(%arg28 : memref<640x8xf32, #tpu.memory_space<vmem>>) dst(%dma_wait3A_149 : memref<640x8xf32, #tpu.memory_space<vmem_shared>>)
      tpu.yield
    }) : () -> ()
    %eq3A = arith.constant 0 : i32
    %eq3A_22 = arith.cmpi eq, %arg0, %eq3A : i32
    %convert_element_type3A = arith.extui %eq3A_22 : i1 to i32
    %cond3A = arith.constant 0 : i32
    %cond3A_23 = arith.cmpi ne, %convert_element_type3A, %cond3A : i32
    scf.if %cond3A_23 {
      "tpu.region"() ({
        %run_scoped3A_141 = tpu.sem_alloc : memref<!tpu.dma_semaphore, #tpu.memory_space<semaphore_mem>>
        %dma_start3A_142 = arith.constant 0 : i32
        %dma_start3A_143 = tpu.memref_slice %arg10[%mul3A_4, %dma_start3A_142] : memref<10240x8xf32, #tpu.memory_space<hbm>> -> memref<640x8xf32, #tpu.memory_space<hbm>>
        %dma_start3A_144 = arith.constant 0 : i32
        %dma_start3A_145 = tpu.memref_slice %arg10[%mul3A_4, %dma_start3A_144] : memref<10240x8xf32, #tpu.memory_space<hbm>> -> memref<640x8xf32, #tpu.memory_space<hbm>>
        tpu.enqueue_dma source(%arg28 : memref<640x8xf32, #tpu.memory_space<vmem>>) target(%dma_start3A_145 : memref<640x8xf32, #tpu.memory_space<hbm>>) target_semaphore(%run_scoped3A_141 : memref<!tpu.dma_semaphore, #tpu.memory_space<semaphore_mem>>)
        %dma_wait3A_146 = arith.constant 0 : i32
        %dma_wait3A_147 = tpu.memref_slice %arg10[%mul3A_4, %dma_wait3A_146] : memref<10240x8xf32, #tpu.memory_space<hbm>> -> memref<640x8xf32, #tpu.memory_space<hbm>>
        %dma_wait3A_148 = arith.constant 0 : i32
        %dma_wait3A_149 = tpu.memref_slice %arg10[%mul3A_4, %dma_wait3A_148] : memref<10240x8xf32, #tpu.memory_space<hbm>> -> memref<640x8xf32, #tpu.memory_space<hbm>>
        tpu.wait_dma2 semaphore(%run_scoped3A_141 : memref<!tpu.dma_semaphore, #tpu.memory_space<semaphore_mem>>) src(%arg28 : memref<640x8xf32, #tpu.memory_space<vmem>>) dst(%dma_wait3A_149 : memref<640x8xf32, #tpu.memory_space<hbm>>)
        tpu.yield
      }) : () -> ()
    } else {
    }
    %barrier3A = arith.constant 0 : index
    tpu.barrier barrier_id(%barrier3A)
    %dma_start3A = arith.constant 0 : i32
    %dma_start3A_24 = arith.constant 0 : i32
    %dma_start3A_25 = tpu.memref_slice %arg11[%dma_start3A, %dma_start3A_24] : memref<80x128xi32, #tpu.memory_space<vmem>> -> memref<1x128xi32, #tpu.memory_space<vmem>>
    %dma_start3A_26 = tpu.memref_squeeze %dma_start3A_25 : memref<1x128xi32, #tpu.memory_space<vmem>> -> memref<128xi32, #tpu.memory_space<vmem>>
    %dma_start3A_27 = arith.constant 0 : i32
    %dma_start3A_28 = arith.constant 0 : i32
    %dma_start3A_29 = tpu.memref_slice %arg22[%dma_start3A_27, %dma_start3A_28] : memref<10240x8xf32, #tpu.memory_space<vmem_shared>> -> memref<10240x8xf32, #tpu.memory_space<vmem_shared>>
    tpu.enqueue_indirect_dma source(%dma_start3A_29 : memref<10240x8xf32, #tpu.memory_space<vmem_shared>>) target(%arg13 : memref<128x8xf32, #tpu.memory_space<vmem>>) offsets(%dma_start3A_26 : memref<128xi32, #tpu.memory_space<vmem>>) semaphore(%arg29 : memref<!tpu.dma_semaphore, #tpu.memory_space<semaphore_mem>>)
    %dma_start3A_30 = arith.constant 1 : i32
    %dma_start3A_31 = arith.constant 0 : i32
    %dma_start3A_32 = tpu.memref_slice %arg11[%dma_start3A_30, %dma_start3A_31] : memref<80x128xi32, #tpu.memory_space<vmem>> -> memref<1x128xi32, #tpu.memory_space<vmem>>
    %dma_start3A_33 = tpu.memref_squeeze %dma_start3A_32 : memref<1x128xi32, #tpu.memory_space<vmem>> -> memref<128xi32, #tpu.memory_space<vmem>>
    %dma_start3A_34 = arith.constant 0 : i32
    %dma_start3A_35 = arith.constant 0 : i32
    %dma_start3A_36 = tpu.memref_slice %arg22[%dma_start3A_34, %dma_start3A_35] : memref<10240x8xf32, #tpu.memory_space<vmem_shared>> -> memref<10240x8xf32, #tpu.memory_space<vmem_shared>>
    tpu.enqueue_indirect_dma source(%dma_start3A_36 : memref<10240x8xf32, #tpu.memory_space<vmem_shared>>) target(%arg14 : memref<128x8xf32, #tpu.memory_space<vmem>>) offsets(%dma_start3A_33 : memref<128xi32, #tpu.memory_space<vmem>>) semaphore(%arg30 : memref<!tpu.dma_semaphore, #tpu.memory_space<semaphore_mem>>)
    %dma_start3A_37 = arith.constant 2 : i32
    %dma_start3A_38 = arith.constant 0 : i32
    %dma_start3A_39 = tpu.memref_slice %arg11[%dma_start3A_37, %dma_start3A_38] : memref<80x128xi32, #tpu.memory_space<vmem>> -> memref<1x128xi32, #tpu.memory_space<vmem>>
    %dma_start3A_40 = tpu.memref_squeeze %dma_start3A_39 : memref<1x128xi32, #tpu.memory_space<vmem>> -> memref<128xi32, #tpu.memory_space<vmem>>
    %dma_start3A_41 = arith.constant 0 : i32
    %dma_start3A_42 = arith.constant 0 : i32
    %dma_start3A_43 = tpu.memref_slice %arg22[%dma_start3A_41, %dma_start3A_42] : memref<10240x8xf32, #tpu.memory_space<vmem_shared>> -> memref<10240x8xf32, #tpu.memory_space<vmem_shared>>
    tpu.enqueue_indirect_dma source(%dma_start3A_43 : memref<10240x8xf32, #tpu.memory_space<vmem_shared>>) target(%arg15 : memref<128x8xf32, #tpu.memory_space<vmem>>) offsets(%dma_start3A_40 : memref<128xi32, #tpu.memory_space<vmem>>) semaphore(%arg31 : memref<!tpu.dma_semaphore, #tpu.memory_space<semaphore_mem>>)
    %dma_start3A_44 = arith.constant 3 : i32
    %dma_start3A_45 = arith.constant 0 : i32
    %dma_start3A_46 = tpu.memref_slice %arg11[%dma_start3A_44, %dma_start3A_45] : memref<80x128xi32, #tpu.memory_space<vmem>> -> memref<1x128xi32, #tpu.memory_space<vmem>>
    %dma_start3A_47 = tpu.memref_squeeze %dma_start3A_46 : memref<1x128xi32, #tpu.memory_space<vmem>> -> memref<128xi32, #tpu.memory_space<vmem>>
    %dma_start3A_48 = arith.constant 0 : i32
    %dma_start3A_49 = arith.constant 0 : i32
    %dma_start3A_50 = tpu.memref_slice %arg22[%dma_start3A_48, %dma_start3A_49] : memref<10240x8xf32, #tpu.memory_space<vmem_shared>> -> memref<10240x8xf32, #tpu.memory_space<vmem_shared>>
    tpu.enqueue_indirect_dma source(%dma_start3A_50 : memref<10240x8xf32, #tpu.memory_space<vmem_shared>>) target(%arg16 : memref<128x8xf32, #tpu.memory_space<vmem>>) offsets(%dma_start3A_47 : memref<128xi32, #tpu.memory_space<vmem>>) semaphore(%arg32 : memref<!tpu.dma_semaphore, #tpu.memory_space<semaphore_mem>>)
    %dma_start3A_51 = arith.constant 4 : i32
    %dma_start3A_52 = arith.constant 0 : i32
    %dma_start3A_53 = tpu.memref_slice %arg11[%dma_start3A_51, %dma_start3A_52] : memref<80x128xi32, #tpu.memory_space<vmem>> -> memref<1x128xi32, #tpu.memory_space<vmem>>
    %dma_start3A_54 = tpu.memref_squeeze %dma_start3A_53 : memref<1x128xi32, #tpu.memory_space<vmem>> -> memref<128xi32, #tpu.memory_space<vmem>>
    %dma_start3A_55 = arith.constant 0 : i32
    %dma_start3A_56 = arith.constant 0 : i32
    %dma_start3A_57 = tpu.memref_slice %arg22[%dma_start3A_55, %dma_start3A_56] : memref<10240x8xf32, #tpu.memory_space<vmem_shared>> -> memref<10240x8xf32, #tpu.memory_space<vmem_shared>>
    tpu.enqueue_indirect_dma source(%dma_start3A_57 : memref<10240x8xf32, #tpu.memory_space<vmem_shared>>) target(%arg17 : memref<128x8xf32, #tpu.memory_space<vmem>>) offsets(%dma_start3A_54 : memref<128xi32, #tpu.memory_space<vmem>>) semaphore(%arg33 : memref<!tpu.dma_semaphore, #tpu.memory_space<semaphore_mem>>)
    %dma_start3A_58 = arith.constant 5 : i32
    %dma_start3A_59 = arith.constant 0 : i32
    %dma_start3A_60 = tpu.memref_slice %arg11[%dma_start3A_58, %dma_start3A_59] : memref<80x128xi32, #tpu.memory_space<vmem>> -> memref<1x128xi32, #tpu.memory_space<vmem>>
    %dma_start3A_61 = tpu.memref_squeeze %dma_start3A_60 : memref<1x128xi32, #tpu.memory_space<vmem>> -> memref<128xi32, #tpu.memory_space<vmem>>
    %dma_start3A_62 = arith.constant 0 : i32
    %dma_start3A_63 = arith.constant 0 : i32
    %dma_start3A_64 = tpu.memref_slice %arg22[%dma_start3A_62, %dma_start3A_63] : memref<10240x8xf32, #tpu.memory_space<vmem_shared>> -> memref<10240x8xf32, #tpu.memory_space<vmem_shared>>
    tpu.enqueue_indirect_dma source(%dma_start3A_64 : memref<10240x8xf32, #tpu.memory_space<vmem_shared>>) target(%arg18 : memref<128x8xf32, #tpu.memory_space<vmem>>) offsets(%dma_start3A_61 : memref<128xi32, #tpu.memory_space<vmem>>) semaphore(%arg34 : memref<!tpu.dma_semaphore, #tpu.memory_space<semaphore_mem>>)
    %dma_start3A_65 = arith.constant 6 : i32
    %dma_start3A_66 = arith.constant 0 : i32
    %dma_start3A_67 = tpu.memref_slice %arg11[%dma_start3A_65, %dma_start3A_66] : memref<80x128xi32, #tpu.memory_space<vmem>> -> memref<1x128xi32, #tpu.memory_space<vmem>>
    %dma_start3A_68 = tpu.memref_squeeze %dma_start3A_67 : memref<1x128xi32, #tpu.memory_space<vmem>> -> memref<128xi32, #tpu.memory_space<vmem>>
    %dma_start3A_69 = arith.constant 0 : i32
    %dma_start3A_70 = arith.constant 0 : i32
    %dma_start3A_71 = tpu.memref_slice %arg22[%dma_start3A_69, %dma_start3A_70] : memref<10240x8xf32, #tpu.memory_space<vmem_shared>> -> memref<10240x8xf32, #tpu.memory_space<vmem_shared>>
    tpu.enqueue_indirect_dma source(%dma_start3A_71 : memref<10240x8xf32, #tpu.memory_space<vmem_shared>>) target(%arg19 : memref<128x8xf32, #tpu.memory_space<vmem>>) offsets(%dma_start3A_68 : memref<128xi32, #tpu.memory_space<vmem>>) semaphore(%arg35 : memref<!tpu.dma_semaphore, #tpu.memory_space<semaphore_mem>>)
    %dma_start3A_72 = arith.constant 7 : i32
    %dma_start3A_73 = arith.constant 0 : i32
    %dma_start3A_74 = tpu.memref_slice %arg11[%dma_start3A_72, %dma_start3A_73] : memref<80x128xi32, #tpu.memory_space<vmem>> -> memref<1x128xi32, #tpu.memory_space<vmem>>
    %dma_start3A_75 = tpu.memref_squeeze %dma_start3A_74 : memref<1x128xi32, #tpu.memory_space<vmem>> -> memref<128xi32, #tpu.memory_space<vmem>>
    %dma_start3A_76 = arith.constant 0 : i32
    %dma_start3A_77 = arith.constant 0 : i32
    %dma_start3A_78 = tpu.memref_slice %arg22[%dma_start3A_76, %dma_start3A_77] : memref<10240x8xf32, #tpu.memory_space<vmem_shared>> -> memref<10240x8xf32, #tpu.memory_space<vmem_shared>>
    tpu.enqueue_indirect_dma source(%dma_start3A_78 : memref<10240x8xf32, #tpu.memory_space<vmem_shared>>) target(%arg20 : memref<128x8xf32, #tpu.memory_space<vmem>>) offsets(%dma_start3A_75 : memref<128xi32, #tpu.memory_space<vmem>>) semaphore(%arg36 : memref<!tpu.dma_semaphore, #tpu.memory_space<semaphore_mem>>)
    %scan3A_79 = arith.constant 0 : i32
    %scan3A_80 = arith.constant 0 : i32
    %scan3A_81 = arith.constant 10 : i32
    %scan3A_82 = arith.addi %scan3A_80, %scan3A_81 : i32
    %scan3A_83 = arith.constant 1 : i32
    scf.for %scan3A_141 = %scan3A_80 to %scan3A_82 step %scan3A_83  : i32 {
      %mul3A_142 = arith.constant 8 : i32
      %mul3A_143 = arith.muli %scan3A_141, %mul3A_142 : i32
      %add3A_144 = arith.constant 0 : i32
      %add3A_145 = arith.addi %mul3A_143, %add3A_144 : i32
      %dma_wait3A_146 = arith.constant 0 : i32
      %dma_wait3A_147 = tpu.memref_slice %arg11[%add3A_145, %dma_wait3A_146] : memref<80x128xi32, #tpu.memory_space<vmem>> -> memref<1x128xi32, #tpu.memory_space<vmem>>
      %dma_wait3A_148 = tpu.memref_squeeze %dma_wait3A_147 : memref<1x128xi32, #tpu.memory_space<vmem>> -> memref<128xi32, #tpu.memory_space<vmem>>
      %dma_wait3A_149 = arith.constant 0 : i32
      %dma_wait3A_150 = arith.constant 0 : i32
      %dma_wait3A_151 = tpu.memref_slice %arg22[%dma_wait3A_149, %dma_wait3A_150] : memref<10240x8xf32, #tpu.memory_space<vmem_shared>> -> memref<10240x8xf32, #tpu.memory_space<vmem_shared>>
      tpu.wait_indirect_dma semaphore(%arg29 : memref<!tpu.dma_semaphore, #tpu.memory_space<semaphore_mem>>) src(%dma_wait3A_151 : memref<10240x8xf32, #tpu.memory_space<vmem_shared>>) dst(%arg13 : memref<128x8xf32, #tpu.memory_space<vmem>>)
      %dma_start3A_152 = arith.constant 0 : i32
      %dma_start3A_153 = tpu.memref_slice %arg12[%add3A_145, %dma_start3A_152] : memref<80x128xi32, #tpu.memory_space<vmem>> -> memref<1x128xi32, #tpu.memory_space<vmem>>
      %dma_start3A_154 = tpu.memref_squeeze %dma_start3A_153 : memref<1x128xi32, #tpu.memory_space<vmem>> -> memref<128xi32, #tpu.memory_space<vmem>>
      %dma_start3A_155 = arith.constant 0 : i32
      %dma_start3A_156 = arith.constant 0 : i32
      %dma_start3A_157 = tpu.memref_slice %arg21[%dma_start3A_155, %dma_start3A_156] : memref<10240x8xf32, #tpu.memory_space<vmem_shared>> -> memref<10240x8xf32, #tpu.memory_space<vmem_shared>>
      tpu.enqueue_indirect_dma source(%arg13 : memref<128x8xf32, #tpu.memory_space<vmem>>) target(%dma_start3A_157 : memref<10240x8xf32, #tpu.memory_space<vmem_shared>>) offsets(%dma_start3A_154 : memref<128xi32, #tpu.memory_space<vmem>>) semaphore(%arg37 : memref<!tpu.dma_semaphore, #tpu.memory_space<semaphore_mem>>) {add = true}
      %mul3A_158 = arith.constant 8 : i32
      %mul3A_159 = arith.muli %scan3A_141, %mul3A_158 : i32
      %add3A_160 = arith.constant 1 : i32
      %add3A_161 = arith.addi %mul3A_159, %add3A_160 : i32
      %dma_wait3A_162 = arith.constant 0 : i32
      %dma_wait3A_163 = tpu.memref_slice %arg11[%add3A_161, %dma_wait3A_162] : memref<80x128xi32, #tpu.memory_space<vmem>> -> memref<1x128xi32, #tpu.memory_space<vmem>>
      %dma_wait3A_164 = tpu.memref_squeeze %dma_wait3A_163 : memref<1x128xi32, #tpu.memory_space<vmem>> -> memref<128xi32, #tpu.memory_space<vmem>>
      %dma_wait3A_165 = arith.constant 0 : i32
      %dma_wait3A_166 = arith.constant 0 : i32
      %dma_wait3A_167 = tpu.memref_slice %arg22[%dma_wait3A_165, %dma_wait3A_166] : memref<10240x8xf32, #tpu.memory_space<vmem_shared>> -> memref<10240x8xf32, #tpu.memory_space<vmem_shared>>
      tpu.wait_indirect_dma semaphore(%arg30 : memref<!tpu.dma_semaphore, #tpu.memory_space<semaphore_mem>>) src(%dma_wait3A_167 : memref<10240x8xf32, #tpu.memory_space<vmem_shared>>) dst(%arg14 : memref<128x8xf32, #tpu.memory_space<vmem>>)
      %dma_start3A_168 = arith.constant 0 : i32
      %dma_start3A_169 = tpu.memref_slice %arg12[%add3A_161, %dma_start3A_168] : memref<80x128xi32, #tpu.memory_space<vmem>> -> memref<1x128xi32, #tpu.memory_space<vmem>>
      %dma_start3A_170 = tpu.memref_squeeze %dma_start3A_169 : memref<1x128xi32, #tpu.memory_space<vmem>> -> memref<128xi32, #tpu.memory_space<vmem>>
      %dma_start3A_171 = arith.constant 0 : i32
      %dma_start3A_172 = arith.constant 0 : i32
      %dma_start3A_173 = tpu.memref_slice %arg21[%dma_start3A_171, %dma_start3A_172] : memref<10240x8xf32, #tpu.memory_space<vmem_shared>> -> memref<10240x8xf32, #tpu.memory_space<vmem_shared>>
      tpu.enqueue_indirect_dma source(%arg14 : memref<128x8xf32, #tpu.memory_space<vmem>>) target(%dma_start3A_173 : memref<10240x8xf32, #tpu.memory_space<vmem_shared>>) offsets(%dma_start3A_170 : memref<128xi32, #tpu.memory_space<vmem>>) semaphore(%arg38 : memref<!tpu.dma_semaphore, #tpu.memory_space<semaphore_mem>>) {add = true}
      %mul3A_174 = arith.constant 8 : i32
      %mul3A_175 = arith.muli %scan3A_141, %mul3A_174 : i32
      %add3A_176 = arith.constant 2 : i32
      %add3A_177 = arith.addi %mul3A_175, %add3A_176 : i32
      %dma_wait3A_178 = arith.constant 0 : i32
      %dma_wait3A_179 = tpu.memref_slice %arg11[%add3A_177, %dma_wait3A_178] : memref<80x128xi32, #tpu.memory_space<vmem>> -> memref<1x128xi32, #tpu.memory_space<vmem>>
      %dma_wait3A_180 = tpu.memref_squeeze %dma_wait3A_179 : memref<1x128xi32, #tpu.memory_space<vmem>> -> memref<128xi32, #tpu.memory_space<vmem>>
      %dma_wait3A_181 = arith.constant 0 : i32
      %dma_wait3A_182 = arith.constant 0 : i32
      %dma_wait3A_183 = tpu.memref_slice %arg22[%dma_wait3A_181, %dma_wait3A_182] : memref<10240x8xf32, #tpu.memory_space<vmem_shared>> -> memref<10240x8xf32, #tpu.memory_space<vmem_shared>>
      tpu.wait_indirect_dma semaphore(%arg31 : memref<!tpu.dma_semaphore, #tpu.memory_space<semaphore_mem>>) src(%dma_wait3A_183 : memref<10240x8xf32, #tpu.memory_space<vmem_shared>>) dst(%arg15 : memref<128x8xf32, #tpu.memory_space<vmem>>)
      %dma_start3A_184 = arith.constant 0 : i32
      %dma_start3A_185 = tpu.memref_slice %arg12[%add3A_177, %dma_start3A_184] : memref<80x128xi32, #tpu.memory_space<vmem>> -> memref<1x128xi32, #tpu.memory_space<vmem>>
      %dma_start3A_186 = tpu.memref_squeeze %dma_start3A_185 : memref<1x128xi32, #tpu.memory_space<vmem>> -> memref<128xi32, #tpu.memory_space<vmem>>
      %dma_start3A_187 = arith.constant 0 : i32
      %dma_start3A_188 = arith.constant 0 : i32
      %dma_start3A_189 = tpu.memref_slice %arg21[%dma_start3A_187, %dma_start3A_188] : memref<10240x8xf32, #tpu.memory_space<vmem_shared>> -> memref<10240x8xf32, #tpu.memory_space<vmem_shared>>
      tpu.enqueue_indirect_dma source(%arg15 : memref<128x8xf32, #tpu.memory_space<vmem>>) target(%dma_start3A_189 : memref<10240x8xf32, #tpu.memory_space<vmem_shared>>) offsets(%dma_start3A_186 : memref<128xi32, #tpu.memory_space<vmem>>) semaphore(%arg39 : memref<!tpu.dma_semaphore, #tpu.memory_space<semaphore_mem>>) {add = true}
      %mul3A_190 = arith.constant 8 : i32
      %mul3A_191 = arith.muli %scan3A_141, %mul3A_190 : i32
      %add3A_192 = arith.constant 3 : i32
      %add3A_193 = arith.addi %mul3A_191, %add3A_192 : i32
      %dma_wait3A_194 = arith.constant 0 : i32
      %dma_wait3A_195 = tpu.memref_slice %arg11[%add3A_193, %dma_wait3A_194] : memref<80x128xi32, #tpu.memory_space<vmem>> -> memref<1x128xi32, #tpu.memory_space<vmem>>
      %dma_wait3A_196 = tpu.memref_squeeze %dma_wait3A_195 : memref<1x128xi32, #tpu.memory_space<vmem>> -> memref<128xi32, #tpu.memory_space<vmem>>
      %dma_wait3A_197 = arith.constant 0 : i32
      %dma_wait3A_198 = arith.constant 0 : i32
      %dma_wait3A_199 = tpu.memref_slice %arg22[%dma_wait3A_197, %dma_wait3A_198] : memref<10240x8xf32, #tpu.memory_space<vmem_shared>> -> memref<10240x8xf32, #tpu.memory_space<vmem_shared>>
      tpu.wait_indirect_dma semaphore(%arg32 : memref<!tpu.dma_semaphore, #tpu.memory_space<semaphore_mem>>) src(%dma_wait3A_199 : memref<10240x8xf32, #tpu.memory_space<vmem_shared>>) dst(%arg16 : memref<128x8xf32, #tpu.memory_space<vmem>>)
      %dma_start3A_200 = arith.constant 0 : i32
      %dma_start3A_201 = tpu.memref_slice %arg12[%add3A_193, %dma_start3A_200] : memref<80x128xi32, #tpu.memory_space<vmem>> -> memref<1x128xi32, #tpu.memory_space<vmem>>
      %dma_start3A_202 = tpu.memref_squeeze %dma_start3A_201 : memref<1x128xi32, #tpu.memory_space<vmem>> -> memref<128xi32, #tpu.memory_space<vmem>>
      %dma_start3A_203 = arith.constant 0 : i32
      %dma_start3A_204 = arith.constant 0 : i32
      %dma_start3A_205 = tpu.memref_slice %arg21[%dma_start3A_203, %dma_start3A_204] : memref<10240x8xf32, #tpu.memory_space<vmem_shared>> -> memref<10240x8xf32, #tpu.memory_space<vmem_shared>>
      tpu.enqueue_indirect_dma source(%arg16 : memref<128x8xf32, #tpu.memory_space<vmem>>) target(%dma_start3A_205 : memref<10240x8xf32, #tpu.memory_space<vmem_shared>>) offsets(%dma_start3A_202 : memref<128xi32, #tpu.memory_space<vmem>>) semaphore(%arg40 : memref<!tpu.dma_semaphore, #tpu.memory_space<semaphore_mem>>) {add = true}
      %mul3A_206 = arith.constant 8 : i32
      %mul3A_207 = arith.muli %scan3A_141, %mul3A_206 : i32
      %add3A_208 = arith.constant 4 : i32
      %add3A_209 = arith.addi %mul3A_207, %add3A_208 : i32
      %dma_wait3A_210 = arith.constant 0 : i32
      %dma_wait3A_211 = tpu.memref_slice %arg11[%add3A_209, %dma_wait3A_210] : memref<80x128xi32, #tpu.memory_space<vmem>> -> memref<1x128xi32, #tpu.memory_space<vmem>>
      %dma_wait3A_212 = tpu.memref_squeeze %dma_wait3A_211 : memref<1x128xi32, #tpu.memory_space<vmem>> -> memref<128xi32, #tpu.memory_space<vmem>>
      %dma_wait3A_213 = arith.constant 0 : i32
      %dma_wait3A_214 = arith.constant 0 : i32
      %dma_wait3A_215 = tpu.memref_slice %arg22[%dma_wait3A_213, %dma_wait3A_214] : memref<10240x8xf32, #tpu.memory_space<vmem_shared>> -> memref<10240x8xf32, #tpu.memory_space<vmem_shared>>
      tpu.wait_indirect_dma semaphore(%arg33 : memref<!tpu.dma_semaphore, #tpu.memory_space<semaphore_mem>>) src(%dma_wait3A_215 : memref<10240x8xf32, #tpu.memory_space<vmem_shared>>) dst(%arg17 : memref<128x8xf32, #tpu.memory_space<vmem>>)
      %dma_start3A_216 = arith.constant 0 : i32
      %dma_start3A_217 = tpu.memref_slice %arg12[%add3A_209, %dma_start3A_216] : memref<80x128xi32, #tpu.memory_space<vmem>> -> memref<1x128xi32, #tpu.memory_space<vmem>>
      %dma_start3A_218 = tpu.memref_squeeze %dma_start3A_217 : memref<1x128xi32, #tpu.memory_space<vmem>> -> memref<128xi32, #tpu.memory_space<vmem>>
      %dma_start3A_219 = arith.constant 0 : i32
      %dma_start3A_220 = arith.constant 0 : i32
      %dma_start3A_221 = tpu.memref_slice %arg21[%dma_start3A_219, %dma_start3A_220] : memref<10240x8xf32, #tpu.memory_space<vmem_shared>> -> memref<10240x8xf32, #tpu.memory_space<vmem_shared>>
      tpu.enqueue_indirect_dma source(%arg17 : memref<128x8xf32, #tpu.memory_space<vmem>>) target(%dma_start3A_221 : memref<10240x8xf32, #tpu.memory_space<vmem_shared>>) offsets(%dma_start3A_218 : memref<128xi32, #tpu.memory_space<vmem>>) semaphore(%arg41 : memref<!tpu.dma_semaphore, #tpu.memory_space<semaphore_mem>>) {add = true}
      %mul3A_222 = arith.constant 8 : i32
      %mul3A_223 = arith.muli %scan3A_141, %mul3A_222 : i32
      %add3A_224 = arith.constant 5 : i32
      %add3A_225 = arith.addi %mul3A_223, %add3A_224 : i32
      %dma_wait3A_226 = arith.constant 0 : i32
      %dma_wait3A_227 = tpu.memref_slice %arg11[%add3A_225, %dma_wait3A_226] : memref<80x128xi32, #tpu.memory_space<vmem>> -> memref<1x128xi32, #tpu.memory_space<vmem>>
      %dma_wait3A_228 = tpu.memref_squeeze %dma_wait3A_227 : memref<1x128xi32, #tpu.memory_space<vmem>> -> memref<128xi32, #tpu.memory_space<vmem>>
      %dma_wait3A_229 = arith.constant 0 : i32
      %dma_wait3A_230 = arith.constant 0 : i32
      %dma_wait3A_231 = tpu.memref_slice %arg22[%dma_wait3A_229, %dma_wait3A_230] : memref<10240x8xf32, #tpu.memory_space<vmem_shared>> -> memref<10240x8xf32, #tpu.memory_space<vmem_shared>>
      tpu.wait_indirect_dma semaphore(%arg34 : memref<!tpu.dma_semaphore, #tpu.memory_space<semaphore_mem>>) src(%dma_wait3A_231 : memref<10240x8xf32, #tpu.memory_space<vmem_shared>>) dst(%arg18 : memref<128x8xf32, #tpu.memory_space<vmem>>)
      %dma_start3A_232 = arith.constant 0 : i32
      %dma_start3A_233 = tpu.memref_slice %arg12[%add3A_225, %dma_start3A_232] : memref<80x128xi32, #tpu.memory_space<vmem>> -> memref<1x128xi32, #tpu.memory_space<vmem>>
      %dma_start3A_234 = tpu.memref_squeeze %dma_start3A_233 : memref<1x128xi32, #tpu.memory_space<vmem>> -> memref<128xi32, #tpu.memory_space<vmem>>
      %dma_start3A_235 = arith.constant 0 : i32
      %dma_start3A_236 = arith.constant 0 : i32
      %dma_start3A_237 = tpu.memref_slice %arg21[%dma_start3A_235, %dma_start3A_236] : memref<10240x8xf32, #tpu.memory_space<vmem_shared>> -> memref<10240x8xf32, #tpu.memory_space<vmem_shared>>
      tpu.enqueue_indirect_dma source(%arg18 : memref<128x8xf32, #tpu.memory_space<vmem>>) target(%dma_start3A_237 : memref<10240x8xf32, #tpu.memory_space<vmem_shared>>) offsets(%dma_start3A_234 : memref<128xi32, #tpu.memory_space<vmem>>) semaphore(%arg42 : memref<!tpu.dma_semaphore, #tpu.memory_space<semaphore_mem>>) {add = true}
      %mul3A_238 = arith.constant 8 : i32
      %mul3A_239 = arith.muli %scan3A_141, %mul3A_238 : i32
      %add3A_240 = arith.constant 6 : i32
      %add3A_241 = arith.addi %mul3A_239, %add3A_240 : i32
      %dma_wait3A_242 = arith.constant 0 : i32
      %dma_wait3A_243 = tpu.memref_slice %arg11[%add3A_241, %dma_wait3A_242] : memref<80x128xi32, #tpu.memory_space<vmem>> -> memref<1x128xi32, #tpu.memory_space<vmem>>
      %dma_wait3A_244 = tpu.memref_squeeze %dma_wait3A_243 : memref<1x128xi32, #tpu.memory_space<vmem>> -> memref<128xi32, #tpu.memory_space<vmem>>
      %dma_wait3A_245 = arith.constant 0 : i32
      %dma_wait3A_246 = arith.constant 0 : i32
      %dma_wait3A_247 = tpu.memref_slice %arg22[%dma_wait3A_245, %dma_wait3A_246] : memref<10240x8xf32, #tpu.memory_space<vmem_shared>> -> memref<10240x8xf32, #tpu.memory_space<vmem_shared>>
      tpu.wait_indirect_dma semaphore(%arg35 : memref<!tpu.dma_semaphore, #tpu.memory_space<semaphore_mem>>) src(%dma_wait3A_247 : memref<10240x8xf32, #tpu.memory_space<vmem_shared>>) dst(%arg19 : memref<128x8xf32, #tpu.memory_space<vmem>>)
      %dma_start3A_248 = arith.constant 0 : i32
      %dma_start3A_249 = tpu.memref_slice %arg12[%add3A_241, %dma_start3A_248] : memref<80x128xi32, #tpu.memory_space<vmem>> -> memref<1x128xi32, #tpu.memory_space<vmem>>
      %dma_start3A_250 = tpu.memref_squeeze %dma_start3A_249 : memref<1x128xi32, #tpu.memory_space<vmem>> -> memref<128xi32, #tpu.memory_space<vmem>>
      %dma_start3A_251 = arith.constant 0 : i32
      %dma_start3A_252 = arith.constant 0 : i32
      %dma_start3A_253 = tpu.memref_slice %arg21[%dma_start3A_251, %dma_start3A_252] : memref<10240x8xf32, #tpu.memory_space<vmem_shared>> -> memref<10240x8xf32, #tpu.memory_space<vmem_shared>>
      tpu.enqueue_indirect_dma source(%arg19 : memref<128x8xf32, #tpu.memory_space<vmem>>) target(%dma_start3A_253 : memref<10240x8xf32, #tpu.memory_space<vmem_shared>>) offsets(%dma_start3A_250 : memref<128xi32, #tpu.memory_space<vmem>>) semaphore(%arg43 : memref<!tpu.dma_semaphore, #tpu.memory_space<semaphore_mem>>) {add = true}
      %mul3A_254 = arith.constant 8 : i32
      %mul3A_255 = arith.muli %scan3A_141, %mul3A_254 : i32
      %add3A_256 = arith.constant 7 : i32
      %add3A_257 = arith.addi %mul3A_255, %add3A_256 : i32
      %dma_wait3A_258 = arith.constant 0 : i32
      %dma_wait3A_259 = tpu.memref_slice %arg11[%add3A_257, %dma_wait3A_258] : memref<80x128xi32, #tpu.memory_space<vmem>> -> memref<1x128xi32, #tpu.memory_space<vmem>>
      %dma_wait3A_260 = tpu.memref_squeeze %dma_wait3A_259 : memref<1x128xi32, #tpu.memory_space<vmem>> -> memref<128xi32, #tpu.memory_space<vmem>>
      %dma_wait3A_261 = arith.constant 0 : i32
      %dma_wait3A_262 = arith.constant 0 : i32
      %dma_wait3A_263 = tpu.memref_slice %arg22[%dma_wait3A_261, %dma_wait3A_262] : memref<10240x8xf32, #tpu.memory_space<vmem_shared>> -> memref<10240x8xf32, #tpu.memory_space<vmem_shared>>
      tpu.wait_indirect_dma semaphore(%arg36 : memref<!tpu.dma_semaphore, #tpu.memory_space<semaphore_mem>>) src(%dma_wait3A_263 : memref<10240x8xf32, #tpu.memory_space<vmem_shared>>) dst(%arg20 : memref<128x8xf32, #tpu.memory_space<vmem>>)
      %dma_start3A_264 = arith.constant 0 : i32
      %dma_start3A_265 = tpu.memref_slice %arg12[%add3A_257, %dma_start3A_264] : memref<80x128xi32, #tpu.memory_space<vmem>> -> memref<1x128xi32, #tpu.memory_space<vmem>>
      %dma_start3A_266 = tpu.memref_squeeze %dma_start3A_265 : memref<1x128xi32, #tpu.memory_space<vmem>> -> memref<128xi32, #tpu.memory_space<vmem>>
      %dma_start3A_267 = arith.constant 0 : i32
      %dma_start3A_268 = arith.constant 0 : i32
      %dma_start3A_269 = tpu.memref_slice %arg21[%dma_start3A_267, %dma_start3A_268] : memref<10240x8xf32, #tpu.memory_space<vmem_shared>> -> memref<10240x8xf32, #tpu.memory_space<vmem_shared>>
      tpu.enqueue_indirect_dma source(%arg20 : memref<128x8xf32, #tpu.memory_space<vmem>>) target(%dma_start3A_269 : memref<10240x8xf32, #tpu.memory_space<vmem_shared>>) offsets(%dma_start3A_266 : memref<128xi32, #tpu.memory_space<vmem>>) semaphore(%arg44 : memref<!tpu.dma_semaphore, #tpu.memory_space<semaphore_mem>>) {add = true}
      %add3A_270 = arith.constant 1 : i32
      %add3A_271 = arith.addi %scan3A_141, %add3A_270 : i32
      %lt3A = arith.constant 10 : i32
      %lt3A_272 = arith.cmpi slt, %add3A_271, %lt3A : i32
      %convert_element_type3A_273 = arith.extui %lt3A_272 : i1 to i32
      %cond3A_274 = arith.constant 0 : i32
      %cond3A_275 = arith.cmpi ne, %convert_element_type3A_273, %cond3A_274 : i32
      scf.if %cond3A_275 {
        %mul3A_276 = arith.constant 8 : i32
        %mul3A_277 = arith.muli %scan3A_141, %mul3A_276 : i32
        %add3A_278 = arith.constant 0 : i32
        %add3A_279 = arith.addi %mul3A_277, %add3A_278 : i32
        %dma_wait3A_280 = arith.constant 0 : i32
        %dma_wait3A_281 = tpu.memref_slice %arg12[%add3A_279, %dma_wait3A_280] : memref<80x128xi32, #tpu.memory_space<vmem>> -> memref<1x128xi32, #tpu.memory_space<vmem>>
        %dma_wait3A_282 = tpu.memref_squeeze %dma_wait3A_281 : memref<1x128xi32, #tpu.memory_space<vmem>> -> memref<128xi32, #tpu.memory_space<vmem>>
        %dma_wait3A_283 = arith.constant 0 : i32
        %dma_wait3A_284 = arith.constant 0 : i32
        %dma_wait3A_285 = tpu.memref_slice %arg21[%dma_wait3A_283, %dma_wait3A_284] : memref<10240x8xf32, #tpu.memory_space<vmem_shared>> -> memref<10240x8xf32, #tpu.memory_space<vmem_shared>>
        tpu.wait_indirect_dma semaphore(%arg37 : memref<!tpu.dma_semaphore, #tpu.memory_space<semaphore_mem>>) src(%arg13 : memref<128x8xf32, #tpu.memory_space<vmem>>) dst(%dma_wait3A_285 : memref<10240x8xf32, #tpu.memory_space<vmem_shared>>)
        %add3A_286 = arith.constant 1 : i32
        %add3A_287 = arith.addi %scan3A_141, %add3A_286 : i32
        %mul3A_288 = arith.constant 8 : i32
        %mul3A_289 = arith.muli %add3A_287, %mul3A_288 : i32
        %add3A_290 = arith.constant 0 : i32
        %add3A_291 = arith.addi %mul3A_289, %add3A_290 : i32
        %dma_start3A_292 = arith.constant 0 : i32
        %dma_start3A_293 = tpu.memref_slice %arg11[%add3A_291, %dma_start3A_292] : memref<80x128xi32, #tpu.memory_space<vmem>> -> memref<1x128xi32, #tpu.memory_space<vmem>>
        %dma_start3A_294 = tpu.memref_squeeze %dma_start3A_293 : memref<1x128xi32, #tpu.memory_space<vmem>> -> memref<128xi32, #tpu.memory_space<vmem>>
        %dma_start3A_295 = arith.constant 0 : i32
        %dma_start3A_296 = arith.constant 0 : i32
        %dma_start3A_297 = tpu.memref_slice %arg22[%dma_start3A_295, %dma_start3A_296] : memref<10240x8xf32, #tpu.memory_space<vmem_shared>> -> memref<10240x8xf32, #tpu.memory_space<vmem_shared>>
        tpu.enqueue_indirect_dma source(%dma_start3A_297 : memref<10240x8xf32, #tpu.memory_space<vmem_shared>>) target(%arg13 : memref<128x8xf32, #tpu.memory_space<vmem>>) offsets(%dma_start3A_294 : memref<128xi32, #tpu.memory_space<vmem>>) semaphore(%arg29 : memref<!tpu.dma_semaphore, #tpu.memory_space<semaphore_mem>>)
        %mul3A_298 = arith.constant 8 : i32
        %mul3A_299 = arith.muli %scan3A_141, %mul3A_298 : i32
        %add3A_300 = arith.constant 1 : i32
        %add3A_301 = arith.addi %mul3A_299, %add3A_300 : i32
        %dma_wait3A_302 = arith.constant 0 : i32
        %dma_wait3A_303 = tpu.memref_slice %arg12[%add3A_301, %dma_wait3A_302] : memref<80x128xi32, #tpu.memory_space<vmem>> -> memref<1x128xi32, #tpu.memory_space<vmem>>
        %dma_wait3A_304 = tpu.memref_squeeze %dma_wait3A_303 : memref<1x128xi32, #tpu.memory_space<vmem>> -> memref<128xi32, #tpu.memory_space<vmem>>
        %dma_wait3A_305 = arith.constant 0 : i32
        %dma_wait3A_306 = arith.constant 0 : i32
        %dma_wait3A_307 = tpu.memref_slice %arg21[%dma_wait3A_305, %dma_wait3A_306] : memref<10240x8xf32, #tpu.memory_space<vmem_shared>> -> memref<10240x8xf32, #tpu.memory_space<vmem_shared>>
        tpu.wait_indirect_dma semaphore(%arg38 : memref<!tpu.dma_semaphore, #tpu.memory_space<semaphore_mem>>) src(%arg14 : memref<128x8xf32, #tpu.memory_space<vmem>>) dst(%dma_wait3A_307 : memref<10240x8xf32, #tpu.memory_space<vmem_shared>>)
        %add3A_308 = arith.constant 1 : i32
        %add3A_309 = arith.addi %scan3A_141, %add3A_308 : i32
        %mul3A_310 = arith.constant 8 : i32
        %mul3A_311 = arith.muli %add3A_309, %mul3A_310 : i32
        %add3A_312 = arith.constant 1 : i32
        %add3A_313 = arith.addi %mul3A_311, %add3A_312 : i32
        %dma_start3A_314 = arith.constant 0 : i32
        %dma_start3A_315 = tpu.memref_slice %arg11[%add3A_313, %dma_start3A_314] : memref<80x128xi32, #tpu.memory_space<vmem>> -> memref<1x128xi32, #tpu.memory_space<vmem>>
        %dma_start3A_316 = tpu.memref_squeeze %dma_start3A_315 : memref<1x128xi32, #tpu.memory_space<vmem>> -> memref<128xi32, #tpu.memory_space<vmem>>
        %dma_start3A_317 = arith.constant 0 : i32
        %dma_start3A_318 = arith.constant 0 : i32
        %dma_start3A_319 = tpu.memref_slice %arg22[%dma_start3A_317, %dma_start3A_318] : memref<10240x8xf32, #tpu.memory_space<vmem_shared>> -> memref<10240x8xf32, #tpu.memory_space<vmem_shared>>
        tpu.enqueue_indirect_dma source(%dma_start3A_319 : memref<10240x8xf32, #tpu.memory_space<vmem_shared>>) target(%arg14 : memref<128x8xf32, #tpu.memory_space<vmem>>) offsets(%dma_start3A_316 : memref<128xi32, #tpu.memory_space<vmem>>) semaphore(%arg30 : memref<!tpu.dma_semaphore, #tpu.memory_space<semaphore_mem>>)
        %mul3A_320 = arith.constant 8 : i32
        %mul3A_321 = arith.muli %scan3A_141, %mul3A_320 : i32
        %add3A_322 = arith.constant 2 : i32
        %add3A_323 = arith.addi %mul3A_321, %add3A_322 : i32
        %dma_wait3A_324 = arith.constant 0 : i32
        %dma_wait3A_325 = tpu.memref_slice %arg12[%add3A_323, %dma_wait3A_324] : memref<80x128xi32, #tpu.memory_space<vmem>> -> memref<1x128xi32, #tpu.memory_space<vmem>>
        %dma_wait3A_326 = tpu.memref_squeeze %dma_wait3A_325 : memref<1x128xi32, #tpu.memory_space<vmem>> -> memref<128xi32, #tpu.memory_space<vmem>>
        %dma_wait3A_327 = arith.constant 0 : i32
        %dma_wait3A_328 = arith.constant 0 : i32
        %dma_wait3A_329 = tpu.memref_slice %arg21[%dma_wait3A_327, %dma_wait3A_328] : memref<10240x8xf32, #tpu.memory_space<vmem_shared>> -> memref<10240x8xf32, #tpu.memory_space<vmem_shared>>
        tpu.wait_indirect_dma semaphore(%arg39 : memref<!tpu.dma_semaphore, #tpu.memory_space<semaphore_mem>>) src(%arg15 : memref<128x8xf32, #tpu.memory_space<vmem>>) dst(%dma_wait3A_329 : memref<10240x8xf32, #tpu.memory_space<vmem_shared>>)
        %add3A_330 = arith.constant 1 : i32
        %add3A_331 = arith.addi %scan3A_141, %add3A_330 : i32
        %mul3A_332 = arith.constant 8 : i32
        %mul3A_333 = arith.muli %add3A_331, %mul3A_332 : i32
        %add3A_334 = arith.constant 2 : i32
        %add3A_335 = arith.addi %mul3A_333, %add3A_334 : i32
        %dma_start3A_336 = arith.constant 0 : i32
        %dma_start3A_337 = tpu.memref_slice %arg11[%add3A_335, %dma_start3A_336] : memref<80x128xi32, #tpu.memory_space<vmem>> -> memref<1x128xi32, #tpu.memory_space<vmem>>
        %dma_start3A_338 = tpu.memref_squeeze %dma_start3A_337 : memref<1x128xi32, #tpu.memory_space<vmem>> -> memref<128xi32, #tpu.memory_space<vmem>>
        %dma_start3A_339 = arith.constant 0 : i32
        %dma_start3A_340 = arith.constant 0 : i32
        %dma_start3A_341 = tpu.memref_slice %arg22[%dma_start3A_339, %dma_start3A_340] : memref<10240x8xf32, #tpu.memory_space<vmem_shared>> -> memref<10240x8xf32, #tpu.memory_space<vmem_shared>>
        tpu.enqueue_indirect_dma source(%dma_start3A_341 : memref<10240x8xf32, #tpu.memory_space<vmem_shared>>) target(%arg15 : memref<128x8xf32, #tpu.memory_space<vmem>>) offsets(%dma_start3A_338 : memref<128xi32, #tpu.memory_space<vmem>>) semaphore(%arg31 : memref<!tpu.dma_semaphore, #tpu.memory_space<semaphore_mem>>)
        %mul3A_342 = arith.constant 8 : i32
        %mul3A_343 = arith.muli %scan3A_141, %mul3A_342 : i32
        %add3A_344 = arith.constant 3 : i32
        %add3A_345 = arith.addi %mul3A_343, %add3A_344 : i32
        %dma_wait3A_346 = arith.constant 0 : i32
        %dma_wait3A_347 = tpu.memref_slice %arg12[%add3A_345, %dma_wait3A_346] : memref<80x128xi32, #tpu.memory_space<vmem>> -> memref<1x128xi32, #tpu.memory_space<vmem>>
        %dma_wait3A_348 = tpu.memref_squeeze %dma_wait3A_347 : memref<1x128xi32, #tpu.memory_space<vmem>> -> memref<128xi32, #tpu.memory_space<vmem>>
        %dma_wait3A_349 = arith.constant 0 : i32
        %dma_wait3A_350 = arith.constant 0 : i32
        %dma_wait3A_351 = tpu.memref_slice %arg21[%dma_wait3A_349, %dma_wait3A_350] : memref<10240x8xf32, #tpu.memory_space<vmem_shared>> -> memref<10240x8xf32, #tpu.memory_space<vmem_shared>>
        tpu.wait_indirect_dma semaphore(%arg40 : memref<!tpu.dma_semaphore, #tpu.memory_space<semaphore_mem>>) src(%arg16 : memref<128x8xf32, #tpu.memory_space<vmem>>) dst(%dma_wait3A_351 : memref<10240x8xf32, #tpu.memory_space<vmem_shared>>)
        %add3A_352 = arith.constant 1 : i32
        %add3A_353 = arith.addi %scan3A_141, %add3A_352 : i32
        %mul3A_354 = arith.constant 8 : i32
        %mul3A_355 = arith.muli %add3A_353, %mul3A_354 : i32
        %add3A_356 = arith.constant 3 : i32
        %add3A_357 = arith.addi %mul3A_355, %add3A_356 : i32
        %dma_start3A_358 = arith.constant 0 : i32
        %dma_start3A_359 = tpu.memref_slice %arg11[%add3A_357, %dma_start3A_358] : memref<80x128xi32, #tpu.memory_space<vmem>> -> memref<1x128xi32, #tpu.memory_space<vmem>>
        %dma_start3A_360 = tpu.memref_squeeze %dma_start3A_359 : memref<1x128xi32, #tpu.memory_space<vmem>> -> memref<128xi32, #tpu.memory_space<vmem>>
        %dma_start3A_361 = arith.constant 0 : i32
        %dma_start3A_362 = arith.constant 0 : i32
        %dma_start3A_363 = tpu.memref_slice %arg22[%dma_start3A_361, %dma_start3A_362] : memref<10240x8xf32, #tpu.memory_space<vmem_shared>> -> memref<10240x8xf32, #tpu.memory_space<vmem_shared>>
        tpu.enqueue_indirect_dma source(%dma_start3A_363 : memref<10240x8xf32, #tpu.memory_space<vmem_shared>>) target(%arg16 : memref<128x8xf32, #tpu.memory_space<vmem>>) offsets(%dma_start3A_360 : memref<128xi32, #tpu.memory_space<vmem>>) semaphore(%arg32 : memref<!tpu.dma_semaphore, #tpu.memory_space<semaphore_mem>>)
        %mul3A_364 = arith.constant 8 : i32
        %mul3A_365 = arith.muli %scan3A_141, %mul3A_364 : i32
        %add3A_366 = arith.constant 4 : i32
        %add3A_367 = arith.addi %mul3A_365, %add3A_366 : i32
        %dma_wait3A_368 = arith.constant 0 : i32
        %dma_wait3A_369 = tpu.memref_slice %arg12[%add3A_367, %dma_wait3A_368] : memref<80x128xi32, #tpu.memory_space<vmem>> -> memref<1x128xi32, #tpu.memory_space<vmem>>
        %dma_wait3A_370 = tpu.memref_squeeze %dma_wait3A_369 : memref<1x128xi32, #tpu.memory_space<vmem>> -> memref<128xi32, #tpu.memory_space<vmem>>
        %dma_wait3A_371 = arith.constant 0 : i32
        %dma_wait3A_372 = arith.constant 0 : i32
        %dma_wait3A_373 = tpu.memref_slice %arg21[%dma_wait3A_371, %dma_wait3A_372] : memref<10240x8xf32, #tpu.memory_space<vmem_shared>> -> memref<10240x8xf32, #tpu.memory_space<vmem_shared>>
        tpu.wait_indirect_dma semaphore(%arg41 : memref<!tpu.dma_semaphore, #tpu.memory_space<semaphore_mem>>) src(%arg17 : memref<128x8xf32, #tpu.memory_space<vmem>>) dst(%dma_wait3A_373 : memref<10240x8xf32, #tpu.memory_space<vmem_shared>>)
        %add3A_374 = arith.constant 1 : i32
        %add3A_375 = arith.addi %scan3A_141, %add3A_374 : i32
        %mul3A_376 = arith.constant 8 : i32
        %mul3A_377 = arith.muli %add3A_375, %mul3A_376 : i32
        %add3A_378 = arith.constant 4 : i32
        %add3A_379 = arith.addi %mul3A_377, %add3A_378 : i32
        %dma_start3A_380 = arith.constant 0 : i32
        %dma_start3A_381 = tpu.memref_slice %arg11[%add3A_379, %dma_start3A_380] : memref<80x128xi32, #tpu.memory_space<vmem>> -> memref<1x128xi32, #tpu.memory_space<vmem>>
        %dma_start3A_382 = tpu.memref_squeeze %dma_start3A_381 : memref<1x128xi32, #tpu.memory_space<vmem>> -> memref<128xi32, #tpu.memory_space<vmem>>
        %dma_start3A_383 = arith.constant 0 : i32
        %dma_start3A_384 = arith.constant 0 : i32
        %dma_start3A_385 = tpu.memref_slice %arg22[%dma_start3A_383, %dma_start3A_384] : memref<10240x8xf32, #tpu.memory_space<vmem_shared>> -> memref<10240x8xf32, #tpu.memory_space<vmem_shared>>
        tpu.enqueue_indirect_dma source(%dma_start3A_385 : memref<10240x8xf32, #tpu.memory_space<vmem_shared>>) target(%arg17 : memref<128x8xf32, #tpu.memory_space<vmem>>) offsets(%dma_start3A_382 : memref<128xi32, #tpu.memory_space<vmem>>) semaphore(%arg33 : memref<!tpu.dma_semaphore, #tpu.memory_space<semaphore_mem>>)
        %mul3A_386 = arith.constant 8 : i32
        %mul3A_387 = arith.muli %scan3A_141, %mul3A_386 : i32
        %add3A_388 = arith.constant 5 : i32
        %add3A_389 = arith.addi %mul3A_387, %add3A_388 : i32
        %dma_wait3A_390 = arith.constant 0 : i32
        %dma_wait3A_391 = tpu.memref_slice %arg12[%add3A_389, %dma_wait3A_390] : memref<80x128xi32, #tpu.memory_space<vmem>> -> memref<1x128xi32, #tpu.memory_space<vmem>>
        %dma_wait3A_392 = tpu.memref_squeeze %dma_wait3A_391 : memref<1x128xi32, #tpu.memory_space<vmem>> -> memref<128xi32, #tpu.memory_space<vmem>>
        %dma_wait3A_393 = arith.constant 0 : i32
        %dma_wait3A_394 = arith.constant 0 : i32
        %dma_wait3A_395 = tpu.memref_slice %arg21[%dma_wait3A_393, %dma_wait3A_394] : memref<10240x8xf32, #tpu.memory_space<vmem_shared>> -> memref<10240x8xf32, #tpu.memory_space<vmem_shared>>
        tpu.wait_indirect_dma semaphore(%arg42 : memref<!tpu.dma_semaphore, #tpu.memory_space<semaphore_mem>>) src(%arg18 : memref<128x8xf32, #tpu.memory_space<vmem>>) dst(%dma_wait3A_395 : memref<10240x8xf32, #tpu.memory_space<vmem_shared>>)
        %add3A_396 = arith.constant 1 : i32
        %add3A_397 = arith.addi %scan3A_141, %add3A_396 : i32
        %mul3A_398 = arith.constant 8 : i32
        %mul3A_399 = arith.muli %add3A_397, %mul3A_398 : i32
        %add3A_400 = arith.constant 5 : i32
        %add3A_401 = arith.addi %mul3A_399, %add3A_400 : i32
        %dma_start3A_402 = arith.constant 0 : i32
        %dma_start3A_403 = tpu.memref_slice %arg11[%add3A_401, %dma_start3A_402] : memref<80x128xi32, #tpu.memory_space<vmem>> -> memref<1x128xi32, #tpu.memory_space<vmem>>
        %dma_start3A_404 = tpu.memref_squeeze %dma_start3A_403 : memref<1x128xi32, #tpu.memory_space<vmem>> -> memref<128xi32, #tpu.memory_space<vmem>>
        %dma_start3A_405 = arith.constant 0 : i32
        %dma_start3A_406 = arith.constant 0 : i32
        %dma_start3A_407 = tpu.memref_slice %arg22[%dma_start3A_405, %dma_start3A_406] : memref<10240x8xf32, #tpu.memory_space<vmem_shared>> -> memref<10240x8xf32, #tpu.memory_space<vmem_shared>>
        tpu.enqueue_indirect_dma source(%dma_start3A_407 : memref<10240x8xf32, #tpu.memory_space<vmem_shared>>) target(%arg18 : memref<128x8xf32, #tpu.memory_space<vmem>>) offsets(%dma_start3A_404 : memref<128xi32, #tpu.memory_space<vmem>>) semaphore(%arg34 : memref<!tpu.dma_semaphore, #tpu.memory_space<semaphore_mem>>)
        %mul3A_408 = arith.constant 8 : i32
        %mul3A_409 = arith.muli %scan3A_141, %mul3A_408 : i32
        %add3A_410 = arith.constant 6 : i32
        %add3A_411 = arith.addi %mul3A_409, %add3A_410 : i32
        %dma_wait3A_412 = arith.constant 0 : i32
        %dma_wait3A_413 = tpu.memref_slice %arg12[%add3A_411, %dma_wait3A_412] : memref<80x128xi32, #tpu.memory_space<vmem>> -> memref<1x128xi32, #tpu.memory_space<vmem>>
        %dma_wait3A_414 = tpu.memref_squeeze %dma_wait3A_413 : memref<1x128xi32, #tpu.memory_space<vmem>> -> memref<128xi32, #tpu.memory_space<vmem>>
        %dma_wait3A_415 = arith.constant 0 : i32
        %dma_wait3A_416 = arith.constant 0 : i32
        %dma_wait3A_417 = tpu.memref_slice %arg21[%dma_wait3A_415, %dma_wait3A_416] : memref<10240x8xf32, #tpu.memory_space<vmem_shared>> -> memref<10240x8xf32, #tpu.memory_space<vmem_shared>>
        tpu.wait_indirect_dma semaphore(%arg43 : memref<!tpu.dma_semaphore, #tpu.memory_space<semaphore_mem>>) src(%arg19 : memref<128x8xf32, #tpu.memory_space<vmem>>) dst(%dma_wait3A_417 : memref<10240x8xf32, #tpu.memory_space<vmem_shared>>)
        %add3A_418 = arith.constant 1 : i32
        %add3A_419 = arith.addi %scan3A_141, %add3A_418 : i32
        %mul3A_420 = arith.constant 8 : i32
        %mul3A_421 = arith.muli %add3A_419, %mul3A_420 : i32
        %add3A_422 = arith.constant 6 : i32
        %add3A_423 = arith.addi %mul3A_421, %add3A_422 : i32
        %dma_start3A_424 = arith.constant 0 : i32
        %dma_start3A_425 = tpu.memref_slice %arg11[%add3A_423, %dma_start3A_424] : memref<80x128xi32, #tpu.memory_space<vmem>> -> memref<1x128xi32, #tpu.memory_space<vmem>>
        %dma_start3A_426 = tpu.memref_squeeze %dma_start3A_425 : memref<1x128xi32, #tpu.memory_space<vmem>> -> memref<128xi32, #tpu.memory_space<vmem>>
        %dma_start3A_427 = arith.constant 0 : i32
        %dma_start3A_428 = arith.constant 0 : i32
        %dma_start3A_429 = tpu.memref_slice %arg22[%dma_start3A_427, %dma_start3A_428] : memref<10240x8xf32, #tpu.memory_space<vmem_shared>> -> memref<10240x8xf32, #tpu.memory_space<vmem_shared>>
        tpu.enqueue_indirect_dma source(%dma_start3A_429 : memref<10240x8xf32, #tpu.memory_space<vmem_shared>>) target(%arg19 : memref<128x8xf32, #tpu.memory_space<vmem>>) offsets(%dma_start3A_426 : memref<128xi32, #tpu.memory_space<vmem>>) semaphore(%arg35 : memref<!tpu.dma_semaphore, #tpu.memory_space<semaphore_mem>>)
        %mul3A_430 = arith.constant 8 : i32
        %mul3A_431 = arith.muli %scan3A_141, %mul3A_430 : i32
        %add3A_432 = arith.constant 7 : i32
        %add3A_433 = arith.addi %mul3A_431, %add3A_432 : i32
        %dma_wait3A_434 = arith.constant 0 : i32
        %dma_wait3A_435 = tpu.memref_slice %arg12[%add3A_433, %dma_wait3A_434] : memref<80x128xi32, #tpu.memory_space<vmem>> -> memref<1x128xi32, #tpu.memory_space<vmem>>
        %dma_wait3A_436 = tpu.memref_squeeze %dma_wait3A_435 : memref<1x128xi32, #tpu.memory_space<vmem>> -> memref<128xi32, #tpu.memory_space<vmem>>
        %dma_wait3A_437 = arith.constant 0 : i32
        %dma_wait3A_438 = arith.constant 0 : i32
        %dma_wait3A_439 = tpu.memref_slice %arg21[%dma_wait3A_437, %dma_wait3A_438] : memref<10240x8xf32, #tpu.memory_space<vmem_shared>> -> memref<10240x8xf32, #tpu.memory_space<vmem_shared>>
        tpu.wait_indirect_dma semaphore(%arg44 : memref<!tpu.dma_semaphore, #tpu.memory_space<semaphore_mem>>) src(%arg20 : memref<128x8xf32, #tpu.memory_space<vmem>>) dst(%dma_wait3A_439 : memref<10240x8xf32, #tpu.memory_space<vmem_shared>>)
        %add3A_440 = arith.constant 1 : i32
        %add3A_441 = arith.addi %scan3A_141, %add3A_440 : i32
        %mul3A_442 = arith.constant 8 : i32
        %mul3A_443 = arith.muli %add3A_441, %mul3A_442 : i32
        %add3A_444 = arith.constant 7 : i32
        %add3A_445 = arith.addi %mul3A_443, %add3A_444 : i32
        %dma_start3A_446 = arith.constant 0 : i32
        %dma_start3A_447 = tpu.memref_slice %arg11[%add3A_445, %dma_start3A_446] : memref<80x128xi32, #tpu.memory_space<vmem>> -> memref<1x128xi32, #tpu.memory_space<vmem>>
        %dma_start3A_448 = tpu.memref_squeeze %dma_start3A_447 : memref<1x128xi32, #tpu.memory_space<vmem>> -> memref<128xi32, #tpu.memory_space<vmem>>
        %dma_start3A_449 = arith.constant 0 : i32
        %dma_start3A_450 = arith.constant 0 : i32
        %dma_start3A_451 = tpu.memref_slice %arg22[%dma_start3A_449, %dma_start3A_450] : memref<10240x8xf32, #tpu.memory_space<vmem_shared>> -> memref<10240x8xf32, #tpu.memory_space<vmem_shared>>
        tpu.enqueue_indirect_dma source(%dma_start3A_451 : memref<10240x8xf32, #tpu.memory_space<vmem_shared>>) target(%arg20 : memref<128x8xf32, #tpu.memory_space<vmem>>) offsets(%dma_start3A_448 : memref<128xi32, #tpu.memory_space<vmem>>) semaphore(%arg36 : memref<!tpu.dma_semaphore, #tpu.memory_space<semaphore_mem>>)
      } else {
      }
    }
    %scan3A_84 = arith.constant 10 : i32
    %dma_wait3A = arith.constant 72 : i32
    %dma_wait3A_85 = arith.constant 0 : i32
    %dma_wait3A_86 = tpu.memref_slice %arg12[%dma_wait3A, %dma_wait3A_85] : memref<80x128xi32, #tpu.memory_space<vmem>> -> memref<1x128xi32, #tpu.memory_space<vmem>>
    %dma_wait3A_87 = tpu.memref_squeeze %dma_wait3A_86 : memref<1x128xi32, #tpu.memory_space<vmem>> -> memref<128xi32, #tpu.memory_space<vmem>>
    %dma_wait3A_88 = arith.constant 0 : i32
    %dma_wait3A_89 = arith.constant 0 : i32
    %dma_wait3A_90 = tpu.memref_slice %arg21[%dma_wait3A_88, %dma_wait3A_89] : memref<10240x8xf32, #tpu.memory_space<vmem_shared>> -> memref<10240x8xf32, #tpu.memory_space<vmem_shared>>
    tpu.wait_indirect_dma semaphore(%arg37 : memref<!tpu.dma_semaphore, #tpu.memory_space<semaphore_mem>>) src(%arg13 : memref<128x8xf32, #tpu.memory_space<vmem>>) dst(%dma_wait3A_90 : memref<10240x8xf32, #tpu.memory_space<vmem_shared>>)
    %dma_wait3A_91 = arith.constant 73 : i32
    %dma_wait3A_92 = arith.constant 0 : i32
    %dma_wait3A_93 = tpu.memref_slice %arg12[%dma_wait3A_91, %dma_wait3A_92] : memref<80x128xi32, #tpu.memory_space<vmem>> -> memref<1x128xi32, #tpu.memory_space<vmem>>
    %dma_wait3A_94 = tpu.memref_squeeze %dma_wait3A_93 : memref<1x128xi32, #tpu.memory_space<vmem>> -> memref<128xi32, #tpu.memory_space<vmem>>
    %dma_wait3A_95 = arith.constant 0 : i32
    %dma_wait3A_96 = arith.constant 0 : i32
    %dma_wait3A_97 = tpu.memref_slice %arg21[%dma_wait3A_95, %dma_wait3A_96] : memref<10240x8xf32, #tpu.memory_space<vmem_shared>> -> memref<10240x8xf32, #tpu.memory_space<vmem_shared>>
    tpu.wait_indirect_dma semaphore(%arg38 : memref<!tpu.dma_semaphore, #tpu.memory_space<semaphore_mem>>) src(%arg14 : memref<128x8xf32, #tpu.memory_space<vmem>>) dst(%dma_wait3A_97 : memref<10240x8xf32, #tpu.memory_space<vmem_shared>>)
    %dma_wait3A_98 = arith.constant 74 : i32
    %dma_wait3A_99 = arith.constant 0 : i32
    %dma_wait3A_100 = tpu.memref_slice %arg12[%dma_wait3A_98, %dma_wait3A_99] : memref<80x128xi32, #tpu.memory_space<vmem>> -> memref<1x128xi32, #tpu.memory_space<vmem>>
    %dma_wait3A_101 = tpu.memref_squeeze %dma_wait3A_100 : memref<1x128xi32, #tpu.memory_space<vmem>> -> memref<128xi32, #tpu.memory_space<vmem>>
    %dma_wait3A_102 = arith.constant 0 : i32
    %dma_wait3A_103 = arith.constant 0 : i32
    %dma_wait3A_104 = tpu.memref_slice %arg21[%dma_wait3A_102, %dma_wait3A_103] : memref<10240x8xf32, #tpu.memory_space<vmem_shared>> -> memref<10240x8xf32, #tpu.memory_space<vmem_shared>>
    tpu.wait_indirect_dma semaphore(%arg39 : memref<!tpu.dma_semaphore, #tpu.memory_space<semaphore_mem>>) src(%arg15 : memref<128x8xf32, #tpu.memory_space<vmem>>) dst(%dma_wait3A_104 : memref<10240x8xf32, #tpu.memory_space<vmem_shared>>)
    %dma_wait3A_105 = arith.constant 75 : i32
    %dma_wait3A_106 = arith.constant 0 : i32
    %dma_wait3A_107 = tpu.memref_slice %arg12[%dma_wait3A_105, %dma_wait3A_106] : memref<80x128xi32, #tpu.memory_space<vmem>> -> memref<1x128xi32, #tpu.memory_space<vmem>>
    %dma_wait3A_108 = tpu.memref_squeeze %dma_wait3A_107 : memref<1x128xi32, #tpu.memory_space<vmem>> -> memref<128xi32, #tpu.memory_space<vmem>>
    %dma_wait3A_109 = arith.constant 0 : i32
    %dma_wait3A_110 = arith.constant 0 : i32
    %dma_wait3A_111 = tpu.memref_slice %arg21[%dma_wait3A_109, %dma_wait3A_110] : memref<10240x8xf32, #tpu.memory_space<vmem_shared>> -> memref<10240x8xf32, #tpu.memory_space<vmem_shared>>
    tpu.wait_indirect_dma semaphore(%arg40 : memref<!tpu.dma_semaphore, #tpu.memory_space<semaphore_mem>>) src(%arg16 : memref<128x8xf32, #tpu.memory_space<vmem>>) dst(%dma_wait3A_111 : memref<10240x8xf32, #tpu.memory_space<vmem_shared>>)
    %dma_wait3A_112 = arith.constant 76 : i32
    %dma_wait3A_113 = arith.constant 0 : i32
    %dma_wait3A_114 = tpu.memref_slice %arg12[%dma_wait3A_112, %dma_wait3A_113] : memref<80x128xi32, #tpu.memory_space<vmem>> -> memref<1x128xi32, #tpu.memory_space<vmem>>
    %dma_wait3A_115 = tpu.memref_squeeze %dma_wait3A_114 : memref<1x128xi32, #tpu.memory_space<vmem>> -> memref<128xi32, #tpu.memory_space<vmem>>
    %dma_wait3A_116 = arith.constant 0 : i32
    %dma_wait3A_117 = arith.constant 0 : i32
    %dma_wait3A_118 = tpu.memref_slice %arg21[%dma_wait3A_116, %dma_wait3A_117] : memref<10240x8xf32, #tpu.memory_space<vmem_shared>> -> memref<10240x8xf32, #tpu.memory_space<vmem_shared>>
    tpu.wait_indirect_dma semaphore(%arg41 : memref<!tpu.dma_semaphore, #tpu.memory_space<semaphore_mem>>) src(%arg17 : memref<128x8xf32, #tpu.memory_space<vmem>>) dst(%dma_wait3A_118 : memref<10240x8xf32, #tpu.memory_space<vmem_shared>>)
    %dma_wait3A_119 = arith.constant 77 : i32
    %dma_wait3A_120 = arith.constant 0 : i32
    %dma_wait3A_121 = tpu.memref_slice %arg12[%dma_wait3A_119, %dma_wait3A_120] : memref<80x128xi32, #tpu.memory_space<vmem>> -> memref<1x128xi32, #tpu.memory_space<vmem>>
    %dma_wait3A_122 = tpu.memref_squeeze %dma_wait3A_121 : memref<1x128xi32, #tpu.memory_space<vmem>> -> memref<128xi32, #tpu.memory_space<vmem>>
    %dma_wait3A_123 = arith.constant 0 : i32
    %dma_wait3A_124 = arith.constant 0 : i32
    %dma_wait3A_125 = tpu.memref_slice %arg21[%dma_wait3A_123, %dma_wait3A_124] : memref<10240x8xf32, #tpu.memory_space<vmem_shared>> -> memref<10240x8xf32, #tpu.memory_space<vmem_shared>>
    tpu.wait_indirect_dma semaphore(%arg42 : memref<!tpu.dma_semaphore, #tpu.memory_space<semaphore_mem>>) src(%arg18 : memref<128x8xf32, #tpu.memory_space<vmem>>) dst(%dma_wait3A_125 : memref<10240x8xf32, #tpu.memory_space<vmem_shared>>)
    %dma_wait3A_126 = arith.constant 78 : i32
    %dma_wait3A_127 = arith.constant 0 : i32
    %dma_wait3A_128 = tpu.memref_slice %arg12[%dma_wait3A_126, %dma_wait3A_127] : memref<80x128xi32, #tpu.memory_space<vmem>> -> memref<1x128xi32, #tpu.memory_space<vmem>>
    %dma_wait3A_129 = tpu.memref_squeeze %dma_wait3A_128 : memref<1x128xi32, #tpu.memory_space<vmem>> -> memref<128xi32, #tpu.memory_space<vmem>>
    %dma_wait3A_130 = arith.constant 0 : i32
    %dma_wait3A_131 = arith.constant 0 : i32
    %dma_wait3A_132 = tpu.memref_slice %arg21[%dma_wait3A_130, %dma_wait3A_131] : memref<10240x8xf32, #tpu.memory_space<vmem_shared>> -> memref<10240x8xf32, #tpu.memory_space<vmem_shared>>
    tpu.wait_indirect_dma semaphore(%arg43 : memref<!tpu.dma_semaphore, #tpu.memory_space<semaphore_mem>>) src(%arg19 : memref<128x8xf32, #tpu.memory_space<vmem>>) dst(%dma_wait3A_132 : memref<10240x8xf32, #tpu.memory_space<vmem_shared>>)
    %dma_wait3A_133 = arith.constant 79 : i32
    %dma_wait3A_134 = arith.constant 0 : i32
    %dma_wait3A_135 = tpu.memref_slice %arg12[%dma_wait3A_133, %dma_wait3A_134] : memref<80x128xi32, #tpu.memory_space<vmem>> -> memref<1x128xi32, #tpu.memory_space<vmem>>
    %dma_wait3A_136 = tpu.memref_squeeze %dma_wait3A_135 : memref<1x128xi32, #tpu.memory_space<vmem>> -> memref<128xi32, #tpu.memory_space<vmem>>
    %dma_wait3A_137 = arith.constant 0 : i32
    %dma_wait3A_138 = arith.constant 0 : i32
    %dma_wait3A_139 = tpu.memref_slice %arg21[%dma_wait3A_137, %dma_wait3A_138] : memref<10240x8xf32, #tpu.memory_space<vmem_shared>> -> memref<10240x8xf32, #tpu.memory_space<vmem_shared>>
    tpu.wait_indirect_dma semaphore(%arg44 : memref<!tpu.dma_semaphore, #tpu.memory_space<semaphore_mem>>) src(%arg20 : memref<128x8xf32, #tpu.memory_space<vmem>>) dst(%dma_wait3A_139 : memref<10240x8xf32, #tpu.memory_space<vmem_shared>>)
    %barrier3A_140 = arith.constant 0 : index
    tpu.barrier barrier_id(%barrier3A_140)
    "tpu.region"() ({
      %run_scoped3A_141 = tpu.sem_alloc : memref<!tpu.dma_semaphore, #tpu.memory_space<semaphore_mem>>
      %dma_start3A_142 = arith.constant 0 : i32
      %dma_start3A_143 = tpu.memref_slice %arg9[%arg0, %mul3A_2, %dma_start3A_142] : memref<2x10240x8xf32, #tpu.memory_space<hbm>> -> memref<1x640x8xf32, #tpu.memory_space<hbm>>
      %dma_start3A_144 = tpu.memref_squeeze %dma_start3A_143 : memref<1x640x8xf32, #tpu.memory_space<hbm>> -> memref<640x8xf32, #tpu.memory_space<hbm>>
      %dma_start3A_145 = arith.constant 0 : i32
      %dma_start3A_146 = tpu.memref_slice %arg21[%mul3A_2, %dma_start3A_145] : memref<10240x8xf32, #tpu.memory_space<vmem_shared>> -> memref<640x8xf32, #tpu.memory_space<vmem_shared>>
      tpu.enqueue_dma source(%dma_start3A_146 : memref<640x8xf32, #tpu.memory_space<vmem_shared>>) target(%dma_start3A_144 : memref<640x8xf32, #tpu.memory_space<hbm>>) target_semaphore(%run_scoped3A_141 : memref<!tpu.dma_semaphore, #tpu.memory_space<semaphore_mem>>)
      %dma_wait3A_147 = arith.constant 0 : i32
      %dma_wait3A_148 = tpu.memref_slice %arg9[%arg0, %mul3A_2, %dma_wait3A_147] : memref<2x10240x8xf32, #tpu.memory_space<hbm>> -> memref<1x640x8xf32, #tpu.memory_space<hbm>>
      %dma_wait3A_149 = tpu.memref_squeeze %dma_wait3A_148 : memref<1x640x8xf32, #tpu.memory_space<hbm>> -> memref<640x8xf32, #tpu.memory_space<hbm>>
      %dma_wait3A_150 = arith.constant 0 : i32
      %dma_wait3A_151 = tpu.memref_slice %arg21[%mul3A_2, %dma_wait3A_150] : memref<10240x8xf32, #tpu.memory_space<vmem_shared>> -> memref<640x8xf32, #tpu.memory_space<vmem_shared>>
      tpu.wait_dma2 semaphore(%run_scoped3A_141 : memref<!tpu.dma_semaphore, #tpu.memory_space<semaphore_mem>>) src(%dma_wait3A_151 : memref<640x8xf32, #tpu.memory_space<vmem_shared>>) dst(%dma_wait3A_149 : memref<640x8xf32, #tpu.memory_space<hbm>>)
      tpu.yield
    }) : () -> ()
    return
  }
}

#map = affine_map<(d0, d1) -> (0)>
#map1 = affine_map<(d0, d1) -> (0, 0, 0)>
#map2 = affine_map<(d0, d1) -> (0, 0)>
module attributes {stable_mosaic.version = 14 : i64} {
  func.func @k(%arg0: i32, %arg1: i32, %arg2: memref<81920xf32, #tpu.memory_space<hbm>>, %arg3: memref<32x80x128xi32, #tpu.memory_space<hbm>>, %arg4: memref<32x80x128xi32, #tpu.memory_space<hbm>>, %arg5: memref<128x8xf32, #tpu.memory_space<hbm>>, %arg6: memref<10240x8xf32, #tpu.memory_space<hbm>>, %arg7: memref<2x10240x8xf32, #tpu.memory_space<hbm>>, %arg8: memref<10240x8xf32, #tpu.memory_space<hbm>>, %arg9: memref<10240xf32, #tpu.memory_space<hbm>>, %arg10: memref<80x128xi32, #tpu.memory_space<vmem>>, %arg11: memref<80x128xi32, #tpu.memory_space<vmem>>, %arg12: memref<160x128xi32, #tpu.memory_space<vmem>>, %arg13: memref<128x8xf32, #tpu.memory_space<vmem>>, %arg14: memref<128x8xf32, #tpu.memory_space<vmem>>, %arg15: memref<128x8xf32, #tpu.memory_space<vmem>>, %arg16: memref<128x8xf32, #tpu.memory_space<vmem>>, %arg17: memref<128x8xf32, #tpu.memory_space<vmem>>, %arg18: memref<128x8xf32, #tpu.memory_space<vmem>>, %arg19: memref<128x8xf32, #tpu.memory_space<vmem>>, %arg20: memref<128x8xf32, #tpu.memory_space<vmem>>, %arg21: memref<128x8xf32, #tpu.memory_space<vmem>>, %arg22: memref<10240x8xf32, #tpu.memory_space<vmem_shared>>, %arg23: memref<10240x8xf32, #tpu.memory_space<vmem_shared>>, %arg24: memref<10240x8xf32, #tpu.memory_space<vmem_shared>>, %arg25: memref<640x8xf32, #tpu.memory_space<vmem>>, %arg26: memref<5120xf32, #tpu.memory_space<vmem>>, %arg27: memref<640x8xf32, #tpu.memory_space<vmem>>, %arg28: memref<640xf32, #tpu.memory_space<vmem>>, %arg29: memref<!tpu.dma_semaphore, #tpu.memory_space<semaphore_mem>>, %arg30: memref<!tpu.dma_semaphore, #tpu.memory_space<semaphore_mem>>, %arg31: memref<!tpu.dma_semaphore, #tpu.memory_space<semaphore_mem>>, %arg32: memref<!tpu.dma_semaphore, #tpu.memory_space<semaphore_mem>>, %arg33: memref<!tpu.dma_semaphore, #tpu.memory_space<semaphore_mem>>, %arg34: memref<!tpu.dma_semaphore, #tpu.memory_space<semaphore_mem>>, %arg35: memref<!tpu.dma_semaphore, #tpu.memory_space<semaphore_mem>>, %arg36: memref<!tpu.dma_semaphore, #tpu.memory_space<semaphore_mem>>, %arg37: memref<!tpu.dma_semaphore, #tpu.memory_space<semaphore_mem>>, %arg38: memref<!tpu.dma_semaphore, #tpu.memory_space<semaphore_mem>>, %arg39: memref<!tpu.dma_semaphore, #tpu.memory_space<semaphore_mem>>, %arg40: memref<!tpu.dma_semaphore, #tpu.memory_space<semaphore_mem>>, %arg41: memref<!tpu.dma_semaphore, #tpu.memory_space<semaphore_mem>>, %arg42: memref<!tpu.dma_semaphore, #tpu.memory_space<semaphore_mem>>, %arg43: memref<!tpu.dma_semaphore, #tpu.memory_space<semaphore_mem>>, %arg44: memref<!tpu.dma_semaphore, #tpu.memory_space<semaphore_mem>>, %arg45: memref<!tpu.dma_semaphore, #tpu.memory_space<semaphore_mem>>) attributes {dimension_semantics = [#tpu.dimension_semantics<core_parallel>, #tpu.dimension_semantics<subcore_parallel>], iteration_bounds = array<i64: 2, 16>, scalar_prefetch = 0 : i64, scratch_operands = 36 : i64, tpu.core_type = #tpu.core_type<sc_vector_subcore>, window_params = [{transform_indices = #map}, {transform_indices = #map1}, {transform_indices = #map1}, {transform_indices = #map2}, {transform_indices = #map2}, {transform_indices = #map1}, {transform_indices = #map2}, {transform_indices = #map}]} {
    %mul3A = arith.constant 16 : i32
    %mul3A_0 = arith.muli %arg0, %mul3A : i32
    %add3A = arith.addi %mul3A_0, %arg1 : i32
    %mul3A_1 = arith.constant 640 : i32
    %mul3A_2 = arith.muli %arg1, %mul3A_1 : i32
    %mul3A_3 = arith.constant 640 : i32
    %mul3A_4 = arith.muli %arg1, %mul3A_3 : i32
    "tpu.region"() ({
      %run_scoped3A = tpu.sem_alloc : memref<!tpu.dma_semaphore, #tpu.memory_space<semaphore_mem>>
      %dma_start3A_155 = arith.constant 0 : i32
      %dma_start3A_156 = tpu.memref_slice %arg22[%mul3A_2, %dma_start3A_155] : memref<10240x8xf32, #tpu.memory_space<vmem_shared>> -> memref<640x8xf32, #tpu.memory_space<vmem_shared>>
      %dma_start3A_157 = arith.constant 0 : i32
      %dma_start3A_158 = tpu.memref_slice %arg6[%mul3A_2, %dma_start3A_157] : memref<10240x8xf32, #tpu.memory_space<hbm>> -> memref<640x8xf32, #tpu.memory_space<hbm>>
      tpu.enqueue_dma source(%dma_start3A_158 : memref<640x8xf32, #tpu.memory_space<hbm>>) target(%dma_start3A_156 : memref<640x8xf32, #tpu.memory_space<vmem_shared>>) target_semaphore(%run_scoped3A : memref<!tpu.dma_semaphore, #tpu.memory_space<semaphore_mem>>)
      %dma_wait3A_159 = arith.constant 0 : i32
      %dma_wait3A_160 = tpu.memref_slice %arg22[%mul3A_2, %dma_wait3A_159] : memref<10240x8xf32, #tpu.memory_space<vmem_shared>> -> memref<640x8xf32, #tpu.memory_space<vmem_shared>>
      %dma_wait3A_161 = arith.constant 0 : i32
      %dma_wait3A_162 = tpu.memref_slice %arg6[%mul3A_2, %dma_wait3A_161] : memref<10240x8xf32, #tpu.memory_space<hbm>> -> memref<640x8xf32, #tpu.memory_space<hbm>>
      tpu.wait_dma2 semaphore(%run_scoped3A : memref<!tpu.dma_semaphore, #tpu.memory_space<semaphore_mem>>) src(%dma_wait3A_162 : memref<640x8xf32, #tpu.memory_space<hbm>>) dst(%dma_wait3A_160 : memref<640x8xf32, #tpu.memory_space<vmem_shared>>)
      tpu.yield
    }) : () -> ()
    "tpu.region"() ({
      %run_scoped3A = tpu.sem_alloc : memref<!tpu.dma_semaphore, #tpu.memory_space<semaphore_mem>>
      %dma_start3A_155 = arith.constant 0 : i32
      %dma_start3A_156 = tpu.memref_slice %arg24[%mul3A_2, %dma_start3A_155] : memref<10240x8xf32, #tpu.memory_space<vmem_shared>> -> memref<640x8xf32, #tpu.memory_space<vmem_shared>>
      %dma_start3A_157 = arith.constant 0 : i32
      %dma_start3A_158 = tpu.memref_slice %arg6[%mul3A_2, %dma_start3A_157] : memref<10240x8xf32, #tpu.memory_space<hbm>> -> memref<640x8xf32, #tpu.memory_space<hbm>>
      tpu.enqueue_dma source(%dma_start3A_158 : memref<640x8xf32, #tpu.memory_space<hbm>>) target(%dma_start3A_156 : memref<640x8xf32, #tpu.memory_space<vmem_shared>>) target_semaphore(%run_scoped3A : memref<!tpu.dma_semaphore, #tpu.memory_space<semaphore_mem>>)
      %dma_wait3A_159 = arith.constant 0 : i32
      %dma_wait3A_160 = tpu.memref_slice %arg24[%mul3A_2, %dma_wait3A_159] : memref<10240x8xf32, #tpu.memory_space<vmem_shared>> -> memref<640x8xf32, #tpu.memory_space<vmem_shared>>
      %dma_wait3A_161 = arith.constant 0 : i32
      %dma_wait3A_162 = tpu.memref_slice %arg6[%mul3A_2, %dma_wait3A_161] : memref<10240x8xf32, #tpu.memory_space<hbm>> -> memref<640x8xf32, #tpu.memory_space<hbm>>
      tpu.wait_dma2 semaphore(%run_scoped3A : memref<!tpu.dma_semaphore, #tpu.memory_space<semaphore_mem>>) src(%dma_wait3A_162 : memref<640x8xf32, #tpu.memory_space<hbm>>) dst(%dma_wait3A_160 : memref<640x8xf32, #tpu.memory_space<vmem_shared>>)
      tpu.yield
    }) : () -> ()
    "tpu.region"() ({
      %run_scoped3A = tpu.sem_alloc : memref<!tpu.dma_semaphore, #tpu.memory_space<semaphore_mem>>
      tpu.enqueue_dma source(%arg5 : memref<128x8xf32, #tpu.memory_space<hbm>>) target(%arg13 : memref<128x8xf32, #tpu.memory_space<vmem>>) target_semaphore(%run_scoped3A : memref<!tpu.dma_semaphore, #tpu.memory_space<semaphore_mem>>)
      tpu.wait_dma2 semaphore(%run_scoped3A : memref<!tpu.dma_semaphore, #tpu.memory_space<semaphore_mem>>) src(%arg5 : memref<128x8xf32, #tpu.memory_space<hbm>>) dst(%arg13 : memref<128x8xf32, #tpu.memory_space<vmem>>)
      tpu.yield
    }) : () -> ()
    %mul3A_5 = arith.constant 2 : i32
    %mul3A_6 = arith.muli %mul3A_5, %arg1 : i32
    "tpu.region"() ({
      %run_scoped3A = tpu.sem_alloc : memref<!tpu.dma_semaphore, #tpu.memory_space<semaphore_mem>>
      %dma_start3A_155 = arith.constant 0 : i32
      %dma_start3A_156 = arith.constant 0 : i32
      %dma_start3A_157 = tpu.memref_slice %arg12[%dma_start3A_155, %dma_start3A_156] : memref<160x128xi32, #tpu.memory_space<vmem>> -> memref<80x128xi32, #tpu.memory_space<vmem>>
      %dma_start3A_158 = arith.constant 0 : i32
      %dma_start3A_159 = arith.constant 0 : i32
      %dma_start3A_160 = tpu.memref_slice %arg4[%mul3A_6, %dma_start3A_158, %dma_start3A_159] : memref<32x80x128xi32, #tpu.memory_space<hbm>> -> memref<1x80x128xi32, #tpu.memory_space<hbm>>
      %dma_start3A_161 = tpu.memref_squeeze %dma_start3A_160 : memref<1x80x128xi32, #tpu.memory_space<hbm>> -> memref<80x128xi32, #tpu.memory_space<hbm>>
      %dma_start3A_162 = arith.constant 0 : i32
      %dma_start3A_163 = arith.constant 0 : i32
      %dma_start3A_164 = tpu.memref_slice %arg12[%dma_start3A_162, %dma_start3A_163] : memref<160x128xi32, #tpu.memory_space<vmem>> -> memref<80x128xi32, #tpu.memory_space<vmem>>
      %dma_start3A_165 = arith.constant 0 : i32
      %dma_start3A_166 = arith.constant 0 : i32
      %dma_start3A_167 = tpu.memref_slice %arg4[%mul3A_6, %dma_start3A_165, %dma_start3A_166] : memref<32x80x128xi32, #tpu.memory_space<hbm>> -> memref<1x80x128xi32, #tpu.memory_space<hbm>>
      %dma_start3A_168 = tpu.memref_squeeze %dma_start3A_167 : memref<1x80x128xi32, #tpu.memory_space<hbm>> -> memref<80x128xi32, #tpu.memory_space<hbm>>
      tpu.enqueue_dma source(%dma_start3A_168 : memref<80x128xi32, #tpu.memory_space<hbm>>) target(%dma_start3A_164 : memref<80x128xi32, #tpu.memory_space<vmem>>) target_semaphore(%run_scoped3A : memref<!tpu.dma_semaphore, #tpu.memory_space<semaphore_mem>>)
      %dma_wait3A_169 = arith.constant 0 : i32
      %dma_wait3A_170 = arith.constant 0 : i32
      %dma_wait3A_171 = tpu.memref_slice %arg12[%dma_wait3A_169, %dma_wait3A_170] : memref<160x128xi32, #tpu.memory_space<vmem>> -> memref<80x128xi32, #tpu.memory_space<vmem>>
      %dma_wait3A_172 = arith.constant 0 : i32
      %dma_wait3A_173 = arith.constant 0 : i32
      %dma_wait3A_174 = tpu.memref_slice %arg4[%mul3A_6, %dma_wait3A_172, %dma_wait3A_173] : memref<32x80x128xi32, #tpu.memory_space<hbm>> -> memref<1x80x128xi32, #tpu.memory_space<hbm>>
      %dma_wait3A_175 = tpu.memref_squeeze %dma_wait3A_174 : memref<1x80x128xi32, #tpu.memory_space<hbm>> -> memref<80x128xi32, #tpu.memory_space<hbm>>
      %dma_wait3A_176 = arith.constant 0 : i32
      %dma_wait3A_177 = arith.constant 0 : i32
      %dma_wait3A_178 = tpu.memref_slice %arg12[%dma_wait3A_176, %dma_wait3A_177] : memref<160x128xi32, #tpu.memory_space<vmem>> -> memref<80x128xi32, #tpu.memory_space<vmem>>
      %dma_wait3A_179 = arith.constant 0 : i32
      %dma_wait3A_180 = arith.constant 0 : i32
      %dma_wait3A_181 = tpu.memref_slice %arg4[%mul3A_6, %dma_wait3A_179, %dma_wait3A_180] : memref<32x80x128xi32, #tpu.memory_space<hbm>> -> memref<1x80x128xi32, #tpu.memory_space<hbm>>
      %dma_wait3A_182 = tpu.memref_squeeze %dma_wait3A_181 : memref<1x80x128xi32, #tpu.memory_space<hbm>> -> memref<80x128xi32, #tpu.memory_space<hbm>>
      tpu.wait_dma2 semaphore(%run_scoped3A : memref<!tpu.dma_semaphore, #tpu.memory_space<semaphore_mem>>) src(%dma_wait3A_182 : memref<80x128xi32, #tpu.memory_space<hbm>>) dst(%dma_wait3A_178 : memref<80x128xi32, #tpu.memory_space<vmem>>)
      tpu.yield
    }) : () -> ()
    %mul3A_7 = arith.constant 2 : i32
    %mul3A_8 = arith.muli %mul3A_7, %arg1 : i32
    %add3A_9 = arith.constant 1 : i32
    %add3A_10 = arith.addi %mul3A_8, %add3A_9 : i32
    "tpu.region"() ({
      %run_scoped3A = tpu.sem_alloc : memref<!tpu.dma_semaphore, #tpu.memory_space<semaphore_mem>>
      %dma_start3A_155 = arith.constant 80 : i32
      %dma_start3A_156 = arith.constant 0 : i32
      %dma_start3A_157 = tpu.memref_slice %arg12[%dma_start3A_155, %dma_start3A_156] : memref<160x128xi32, #tpu.memory_space<vmem>> -> memref<80x128xi32, #tpu.memory_space<vmem>>
      %dma_start3A_158 = arith.constant 0 : i32
      %dma_start3A_159 = arith.constant 0 : i32
      %dma_start3A_160 = tpu.memref_slice %arg4[%add3A_10, %dma_start3A_158, %dma_start3A_159] : memref<32x80x128xi32, #tpu.memory_space<hbm>> -> memref<1x80x128xi32, #tpu.memory_space<hbm>>
      %dma_start3A_161 = tpu.memref_squeeze %dma_start3A_160 : memref<1x80x128xi32, #tpu.memory_space<hbm>> -> memref<80x128xi32, #tpu.memory_space<hbm>>
      %dma_start3A_162 = arith.constant 80 : i32
      %dma_start3A_163 = arith.constant 0 : i32
      %dma_start3A_164 = tpu.memref_slice %arg12[%dma_start3A_162, %dma_start3A_163] : memref<160x128xi32, #tpu.memory_space<vmem>> -> memref<80x128xi32, #tpu.memory_space<vmem>>
      %dma_start3A_165 = arith.constant 0 : i32
      %dma_start3A_166 = arith.constant 0 : i32
      %dma_start3A_167 = tpu.memref_slice %arg4[%add3A_10, %dma_start3A_165, %dma_start3A_166] : memref<32x80x128xi32, #tpu.memory_space<hbm>> -> memref<1x80x128xi32, #tpu.memory_space<hbm>>
      %dma_start3A_168 = tpu.memref_squeeze %dma_start3A_167 : memref<1x80x128xi32, #tpu.memory_space<hbm>> -> memref<80x128xi32, #tpu.memory_space<hbm>>
      tpu.enqueue_dma source(%dma_start3A_168 : memref<80x128xi32, #tpu.memory_space<hbm>>) target(%dma_start3A_164 : memref<80x128xi32, #tpu.memory_space<vmem>>) target_semaphore(%run_scoped3A : memref<!tpu.dma_semaphore, #tpu.memory_space<semaphore_mem>>)
      %dma_wait3A_169 = arith.constant 80 : i32
      %dma_wait3A_170 = arith.constant 0 : i32
      %dma_wait3A_171 = tpu.memref_slice %arg12[%dma_wait3A_169, %dma_wait3A_170] : memref<160x128xi32, #tpu.memory_space<vmem>> -> memref<80x128xi32, #tpu.memory_space<vmem>>
      %dma_wait3A_172 = arith.constant 0 : i32
      %dma_wait3A_173 = arith.constant 0 : i32
      %dma_wait3A_174 = tpu.memref_slice %arg4[%add3A_10, %dma_wait3A_172, %dma_wait3A_173] : memref<32x80x128xi32, #tpu.memory_space<hbm>> -> memref<1x80x128xi32, #tpu.memory_space<hbm>>
      %dma_wait3A_175 = tpu.memref_squeeze %dma_wait3A_174 : memref<1x80x128xi32, #tpu.memory_space<hbm>> -> memref<80x128xi32, #tpu.memory_space<hbm>>
      %dma_wait3A_176 = arith.constant 80 : i32
      %dma_wait3A_177 = arith.constant 0 : i32
      %dma_wait3A_178 = tpu.memref_slice %arg12[%dma_wait3A_176, %dma_wait3A_177] : memref<160x128xi32, #tpu.memory_space<vmem>> -> memref<80x128xi32, #tpu.memory_space<vmem>>
      %dma_wait3A_179 = arith.constant 0 : i32
      %dma_wait3A_180 = arith.constant 0 : i32
      %dma_wait3A_181 = tpu.memref_slice %arg4[%add3A_10, %dma_wait3A_179, %dma_wait3A_180] : memref<32x80x128xi32, #tpu.memory_space<hbm>> -> memref<1x80x128xi32, #tpu.memory_space<hbm>>
      %dma_wait3A_182 = tpu.memref_squeeze %dma_wait3A_181 : memref<1x80x128xi32, #tpu.memory_space<hbm>> -> memref<80x128xi32, #tpu.memory_space<hbm>>
      tpu.wait_dma2 semaphore(%run_scoped3A : memref<!tpu.dma_semaphore, #tpu.memory_space<semaphore_mem>>) src(%dma_wait3A_182 : memref<80x128xi32, #tpu.memory_space<hbm>>) dst(%dma_wait3A_178 : memref<80x128xi32, #tpu.memory_space<vmem>>)
      tpu.yield
    }) : () -> ()
    "tpu.region"() ({
      %run_scoped3A = tpu.sem_alloc : memref<!tpu.dma_semaphore, #tpu.memory_space<semaphore_mem>>
      %dma_start3A_155 = arith.constant 0 : i32
      %dma_start3A_156 = arith.constant 0 : i32
      %dma_start3A_157 = tpu.memref_slice %arg3[%add3A, %dma_start3A_155, %dma_start3A_156] : memref<32x80x128xi32, #tpu.memory_space<hbm>> -> memref<1x80x128xi32, #tpu.memory_space<hbm>>
      %dma_start3A_158 = tpu.memref_squeeze %dma_start3A_157 : memref<1x80x128xi32, #tpu.memory_space<hbm>> -> memref<80x128xi32, #tpu.memory_space<hbm>>
      %dma_start3A_159 = arith.constant 0 : i32
      %dma_start3A_160 = arith.constant 0 : i32
      %dma_start3A_161 = tpu.memref_slice %arg3[%add3A, %dma_start3A_159, %dma_start3A_160] : memref<32x80x128xi32, #tpu.memory_space<hbm>> -> memref<1x80x128xi32, #tpu.memory_space<hbm>>
      %dma_start3A_162 = tpu.memref_squeeze %dma_start3A_161 : memref<1x80x128xi32, #tpu.memory_space<hbm>> -> memref<80x128xi32, #tpu.memory_space<hbm>>
      tpu.enqueue_dma source(%dma_start3A_162 : memref<80x128xi32, #tpu.memory_space<hbm>>) target(%arg10 : memref<80x128xi32, #tpu.memory_space<vmem>>) target_semaphore(%run_scoped3A : memref<!tpu.dma_semaphore, #tpu.memory_space<semaphore_mem>>)
      %dma_wait3A_163 = arith.constant 0 : i32
      %dma_wait3A_164 = arith.constant 0 : i32
      %dma_wait3A_165 = tpu.memref_slice %arg3[%add3A, %dma_wait3A_163, %dma_wait3A_164] : memref<32x80x128xi32, #tpu.memory_space<hbm>> -> memref<1x80x128xi32, #tpu.memory_space<hbm>>
      %dma_wait3A_166 = tpu.memref_squeeze %dma_wait3A_165 : memref<1x80x128xi32, #tpu.memory_space<hbm>> -> memref<80x128xi32, #tpu.memory_space<hbm>>
      %dma_wait3A_167 = arith.constant 0 : i32
      %dma_wait3A_168 = arith.constant 0 : i32
      %dma_wait3A_169 = tpu.memref_slice %arg3[%add3A, %dma_wait3A_167, %dma_wait3A_168] : memref<32x80x128xi32, #tpu.memory_space<hbm>> -> memref<1x80x128xi32, #tpu.memory_space<hbm>>
      %dma_wait3A_170 = tpu.memref_squeeze %dma_wait3A_169 : memref<1x80x128xi32, #tpu.memory_space<hbm>> -> memref<80x128xi32, #tpu.memory_space<hbm>>
      tpu.wait_dma2 semaphore(%run_scoped3A : memref<!tpu.dma_semaphore, #tpu.memory_space<semaphore_mem>>) src(%dma_wait3A_170 : memref<80x128xi32, #tpu.memory_space<hbm>>) dst(%arg10 : memref<80x128xi32, #tpu.memory_space<vmem>>)
      tpu.yield
    }) : () -> ()
    "tpu.region"() ({
      %run_scoped3A = tpu.sem_alloc : memref<!tpu.dma_semaphore, #tpu.memory_space<semaphore_mem>>
      %dma_start3A_155 = arith.constant 0 : i32
      %dma_start3A_156 = arith.constant 0 : i32
      %dma_start3A_157 = tpu.memref_slice %arg4[%add3A, %dma_start3A_155, %dma_start3A_156] : memref<32x80x128xi32, #tpu.memory_space<hbm>> -> memref<1x80x128xi32, #tpu.memory_space<hbm>>
      %dma_start3A_158 = tpu.memref_squeeze %dma_start3A_157 : memref<1x80x128xi32, #tpu.memory_space<hbm>> -> memref<80x128xi32, #tpu.memory_space<hbm>>
      %dma_start3A_159 = arith.constant 0 : i32
      %dma_start3A_160 = arith.constant 0 : i32
      %dma_start3A_161 = tpu.memref_slice %arg4[%add3A, %dma_start3A_159, %dma_start3A_160] : memref<32x80x128xi32, #tpu.memory_space<hbm>> -> memref<1x80x128xi32, #tpu.memory_space<hbm>>
      %dma_start3A_162 = tpu.memref_squeeze %dma_start3A_161 : memref<1x80x128xi32, #tpu.memory_space<hbm>> -> memref<80x128xi32, #tpu.memory_space<hbm>>
      tpu.enqueue_dma source(%dma_start3A_162 : memref<80x128xi32, #tpu.memory_space<hbm>>) target(%arg11 : memref<80x128xi32, #tpu.memory_space<vmem>>) target_semaphore(%run_scoped3A : memref<!tpu.dma_semaphore, #tpu.memory_space<semaphore_mem>>)
      %dma_wait3A_163 = arith.constant 0 : i32
      %dma_wait3A_164 = arith.constant 0 : i32
      %dma_wait3A_165 = tpu.memref_slice %arg4[%add3A, %dma_wait3A_163, %dma_wait3A_164] : memref<32x80x128xi32, #tpu.memory_space<hbm>> -> memref<1x80x128xi32, #tpu.memory_space<hbm>>
      %dma_wait3A_166 = tpu.memref_squeeze %dma_wait3A_165 : memref<1x80x128xi32, #tpu.memory_space<hbm>> -> memref<80x128xi32, #tpu.memory_space<hbm>>
      %dma_wait3A_167 = arith.constant 0 : i32
      %dma_wait3A_168 = arith.constant 0 : i32
      %dma_wait3A_169 = tpu.memref_slice %arg4[%add3A, %dma_wait3A_167, %dma_wait3A_168] : memref<32x80x128xi32, #tpu.memory_space<hbm>> -> memref<1x80x128xi32, #tpu.memory_space<hbm>>
      %dma_wait3A_170 = tpu.memref_squeeze %dma_wait3A_169 : memref<1x80x128xi32, #tpu.memory_space<hbm>> -> memref<80x128xi32, #tpu.memory_space<hbm>>
      tpu.wait_dma2 semaphore(%run_scoped3A : memref<!tpu.dma_semaphore, #tpu.memory_space<semaphore_mem>>) src(%dma_wait3A_170 : memref<80x128xi32, #tpu.memory_space<hbm>>) dst(%arg11 : memref<80x128xi32, #tpu.memory_space<vmem>>)
      tpu.yield
    }) : () -> ()
    %mul3A_11 = arith.constant 8 : i32
    %mul3A_12 = arith.muli %mul3A_4, %mul3A_11 : i32
    "tpu.region"() ({
      %run_scoped3A = tpu.sem_alloc : memref<!tpu.dma_semaphore, #tpu.memory_space<semaphore_mem>>
      %dma_start3A_155 = tpu.memref_slice %arg2[%mul3A_12] : memref<81920xf32, #tpu.memory_space<hbm>> -> memref<5120xf32, #tpu.memory_space<hbm>>
      %dma_start3A_156 = tpu.memref_slice %arg2[%mul3A_12] : memref<81920xf32, #tpu.memory_space<hbm>> -> memref<5120xf32, #tpu.memory_space<hbm>>
      tpu.enqueue_dma source(%dma_start3A_156 : memref<5120xf32, #tpu.memory_space<hbm>>) target(%arg26 : memref<5120xf32, #tpu.memory_space<vmem>>) target_semaphore(%run_scoped3A : memref<!tpu.dma_semaphore, #tpu.memory_space<semaphore_mem>>)
      %dma_wait3A_157 = tpu.memref_slice %arg2[%mul3A_12] : memref<81920xf32, #tpu.memory_space<hbm>> -> memref<5120xf32, #tpu.memory_space<hbm>>
      %dma_wait3A_158 = tpu.memref_slice %arg2[%mul3A_12] : memref<81920xf32, #tpu.memory_space<hbm>> -> memref<5120xf32, #tpu.memory_space<hbm>>
      tpu.wait_dma2 semaphore(%run_scoped3A : memref<!tpu.dma_semaphore, #tpu.memory_space<semaphore_mem>>) src(%dma_wait3A_158 : memref<5120xf32, #tpu.memory_space<hbm>>) dst(%arg26 : memref<5120xf32, #tpu.memory_space<vmem>>)
      tpu.yield
    }) : () -> ()
    %barrier3A = arith.constant 0 : index
    tpu.barrier barrier_id(%barrier3A)
    %scan3A = arith.constant 0 : i32
    %scan3A_13 = arith.constant 0 : i32
    %scan3A_14 = arith.constant 160 : i32
    %scan3A_15 = arith.addi %scan3A_13, %scan3A_14 : i32
    %scan3A_16 = arith.constant 1 : i32
    scf.for %scan3A_155 = %scan3A_13 to %scan3A_15 step %scan3A_16  : i32 {
      %dma_start3A_156 = arith.constant 0 : i32
      %dma_start3A_157 = tpu.memref_slice %arg12[%scan3A_155, %dma_start3A_156] : memref<160x128xi32, #tpu.memory_space<vmem>> -> memref<1x128xi32, #tpu.memory_space<vmem>>
      %dma_start3A_158 = tpu.memref_squeeze %dma_start3A_157 : memref<1x128xi32, #tpu.memory_space<vmem>> -> memref<128xi32, #tpu.memory_space<vmem>>
      %dma_start3A_159 = arith.constant 0 : i32
      %dma_start3A_160 = arith.constant 0 : i32
      %dma_start3A_161 = tpu.memref_slice %arg24[%dma_start3A_159, %dma_start3A_160] : memref<10240x8xf32, #tpu.memory_space<vmem_shared>> -> memref<10240x8xf32, #tpu.memory_space<vmem_shared>>
      tpu.enqueue_indirect_dma source(%arg13 : memref<128x8xf32, #tpu.memory_space<vmem>>) target(%dma_start3A_161 : memref<10240x8xf32, #tpu.memory_space<vmem_shared>>) offsets(%dma_start3A_158 : memref<128xi32, #tpu.memory_space<vmem>>) semaphore(%arg29 : memref<!tpu.dma_semaphore, #tpu.memory_space<semaphore_mem>>) {add = true}
      %ge3A = arith.constant 16 : i32
      %ge3A_162 = arith.cmpi sge, %scan3A_155, %ge3A : i32
      %convert_element_type3A_163 = arith.extui %ge3A_162 : i1 to i32
      %cond3A_164 = arith.constant 0 : i32
      %cond3A_165 = arith.cmpi ne, %convert_element_type3A_163, %cond3A_164 : i32
      scf.if %cond3A_165 {
        %dma_wait3A_166 = arith.constant 0 : i32
        %dma_wait3A_167 = tpu.memref_slice %arg12[%scan3A_155, %dma_wait3A_166] : memref<160x128xi32, #tpu.memory_space<vmem>> -> memref<1x128xi32, #tpu.memory_space<vmem>>
        %dma_wait3A_168 = tpu.memref_squeeze %dma_wait3A_167 : memref<1x128xi32, #tpu.memory_space<vmem>> -> memref<128xi32, #tpu.memory_space<vmem>>
        %dma_wait3A_169 = arith.constant 0 : i32
        %dma_wait3A_170 = arith.constant 0 : i32
        %dma_wait3A_171 = tpu.memref_slice %arg24[%dma_wait3A_169, %dma_wait3A_170] : memref<10240x8xf32, #tpu.memory_space<vmem_shared>> -> memref<10240x8xf32, #tpu.memory_space<vmem_shared>>
        tpu.wait_indirect_dma semaphore(%arg29 : memref<!tpu.dma_semaphore, #tpu.memory_space<semaphore_mem>>) src(%arg13 : memref<128x8xf32, #tpu.memory_space<vmem>>) dst(%dma_wait3A_171 : memref<10240x8xf32, #tpu.memory_space<vmem_shared>>)
      } else {
      }
    }
    %scan3A_17 = arith.constant 160 : i32
    %scan3A_18 = arith.constant 0 : i32
    %scan3A_19 = arith.constant 0 : i32
    %scan3A_20 = arith.constant 16 : i32
    %scan3A_21 = arith.addi %scan3A_19, %scan3A_20 : i32
    %scan3A_22 = arith.constant 1 : i32
    scf.for %scan3A_155 = %scan3A_19 to %scan3A_21 step %scan3A_22  : i32 {
      %dma_wait3A_156 = arith.constant 0 : i32
      %dma_wait3A_157 = tpu.memref_slice %arg12[%scan3A_155, %dma_wait3A_156] : memref<160x128xi32, #tpu.memory_space<vmem>> -> memref<1x128xi32, #tpu.memory_space<vmem>>
      %dma_wait3A_158 = tpu.memref_squeeze %dma_wait3A_157 : memref<1x128xi32, #tpu.memory_space<vmem>> -> memref<128xi32, #tpu.memory_space<vmem>>
      %dma_wait3A_159 = arith.constant 0 : i32
      %dma_wait3A_160 = arith.constant 0 : i32
      %dma_wait3A_161 = tpu.memref_slice %arg24[%dma_wait3A_159, %dma_wait3A_160] : memref<10240x8xf32, #tpu.memory_space<vmem_shared>> -> memref<10240x8xf32, #tpu.memory_space<vmem_shared>>
      tpu.wait_indirect_dma semaphore(%arg29 : memref<!tpu.dma_semaphore, #tpu.memory_space<semaphore_mem>>) src(%arg13 : memref<128x8xf32, #tpu.memory_space<vmem>>) dst(%dma_wait3A_161 : memref<10240x8xf32, #tpu.memory_space<vmem_shared>>)
    }
    %scan3A_23 = arith.constant 16 : i32
    %barrier3A_24 = arith.constant 0 : index
    tpu.barrier barrier_id(%barrier3A_24)
    "tpu.region"() ({
      %run_scoped3A = tpu.sem_alloc : memref<!tpu.dma_semaphore, #tpu.memory_space<semaphore_mem>>
      %dma_start3A_155 = arith.constant 0 : i32
      %dma_start3A_156 = tpu.memref_slice %arg24[%mul3A_4, %dma_start3A_155] : memref<10240x8xf32, #tpu.memory_space<vmem_shared>> -> memref<640x8xf32, #tpu.memory_space<vmem_shared>>
      %dma_start3A_157 = arith.constant 0 : i32
      %dma_start3A_158 = tpu.memref_slice %arg24[%mul3A_4, %dma_start3A_157] : memref<10240x8xf32, #tpu.memory_space<vmem_shared>> -> memref<640x8xf32, #tpu.memory_space<vmem_shared>>
      tpu.enqueue_dma source(%dma_start3A_158 : memref<640x8xf32, #tpu.memory_space<vmem_shared>>) target(%arg25 : memref<640x8xf32, #tpu.memory_space<vmem>>) target_semaphore(%run_scoped3A : memref<!tpu.dma_semaphore, #tpu.memory_space<semaphore_mem>>)
      %dma_wait3A_159 = arith.constant 0 : i32
      %dma_wait3A_160 = tpu.memref_slice %arg24[%mul3A_4, %dma_wait3A_159] : memref<10240x8xf32, #tpu.memory_space<vmem_shared>> -> memref<640x8xf32, #tpu.memory_space<vmem_shared>>
      %dma_wait3A_161 = arith.constant 0 : i32
      %dma_wait3A_162 = tpu.memref_slice %arg24[%mul3A_4, %dma_wait3A_161] : memref<10240x8xf32, #tpu.memory_space<vmem_shared>> -> memref<640x8xf32, #tpu.memory_space<vmem_shared>>
      tpu.wait_dma2 semaphore(%run_scoped3A : memref<!tpu.dma_semaphore, #tpu.memory_space<semaphore_mem>>) src(%dma_wait3A_162 : memref<640x8xf32, #tpu.memory_space<vmem_shared>>) dst(%arg25 : memref<640x8xf32, #tpu.memory_space<vmem>>)
      tpu.yield
    }) : () -> ()
    %iota3A = tpu.iota {dimensions = array<i32: 0>} : vector<16xi32>
    %shift_right_arithmetic3A = arith.constant 3 : i32
    %shift_right_arithmetic3A_25 = vector.broadcast %shift_right_arithmetic3A : i32 to vector<16xi32>
    %shift_right_arithmetic3A_26 = arith.shrsi %iota3A, %shift_right_arithmetic3A_25 : vector<16xi32>
    %and3A = arith.constant 7 : i32
    %and3A_27 = vector.broadcast %and3A : i32 to vector<16xi32>
    %and3A_28 = arith.andi %iota3A, %and3A_27 : vector<16xi32>
    %scan3A_29 = arith.constant 0 : i32
    %scan3A_30 = arith.constant 0 : i32
    %scan3A_31 = arith.constant 320 : i32
    %scan3A_32 = arith.addi %scan3A_30, %scan3A_31 : i32
    %scan3A_33 = arith.constant 1 : i32
    scf.for %scan3A_155 = %scan3A_30 to %scan3A_32 step %scan3A_33  : i32 {
      %mul3A_156 = arith.constant 2 : i32
      %mul3A_157 = arith.muli %mul3A_156, %scan3A_155 : i32
      %add3A_158 = vector.broadcast %mul3A_157 : i32 to vector<16xi32>
      %add3A_159 = arith.addi %add3A_158, %shift_right_arithmetic3A_26 : vector<16xi32>
      %gather3A = tpu.vector_load_idx %arg25[%add3A_159, %and3A_28] : memref<640x8xf32, #tpu.memory_space<vmem>>[vector<16xi32>, vector<16xi32>], vector<16xf32>,
      %add3A_160 = arith.constant 1.000000e+00 : f32
      %add3A_161 = vector.broadcast %add3A_160 : f32 to vector<16xf32>
      %add3A_162 = arith.addf %gather3A, %add3A_161 : vector<16xf32>
      %bitcast3A = vector.bitcast %add3A_162 : vector<16xf32> to vector<16xi32>
      %shift_right_arithmetic3A_163 = arith.constant 1 : i32
      %shift_right_arithmetic3A_164 = vector.broadcast %shift_right_arithmetic3A_163 : i32 to vector<16xi32>
      %shift_right_arithmetic3A_165 = arith.shrsi %bitcast3A, %shift_right_arithmetic3A_164 : vector<16xi32>
      %sub3A = arith.constant 1597463007 : i32
      %sub3A_166 = vector.broadcast %sub3A : i32 to vector<16xi32>
      %sub3A_167 = arith.subi %sub3A_166, %shift_right_arithmetic3A_165 : vector<16xi32>
      %bitcast3A_168 = vector.bitcast %sub3A_167 : vector<16xi32> to vector<16xf32>
      %mul3A_169 = arith.constant 5.000000e-01 : f32
      %mul3A_170 = vector.broadcast %mul3A_169 : f32 to vector<16xf32>
      %mul3A_171 = arith.mulf %mul3A_170, %add3A_162 : vector<16xf32>
      %mul3A_172 = arith.mulf %mul3A_171, %bitcast3A_168 : vector<16xf32>
      %mul3A_173 = arith.mulf %mul3A_172, %bitcast3A_168 : vector<16xf32>
      %sub3A_174 = arith.constant 1.500000e+00 : f32
      %sub3A_175 = vector.broadcast %sub3A_174 : f32 to vector<16xf32>
      %sub3A_176 = arith.subf %sub3A_175, %mul3A_173 : vector<16xf32>
      %mul3A_177 = arith.mulf %bitcast3A_168, %sub3A_176 : vector<16xf32>
      %mul3A_178 = arith.constant 5.000000e-01 : f32
      %mul3A_179 = vector.broadcast %mul3A_178 : f32 to vector<16xf32>
      %mul3A_180 = arith.mulf %mul3A_179, %add3A_162 : vector<16xf32>
      %mul3A_181 = arith.mulf %mul3A_180, %mul3A_177 : vector<16xf32>
      %mul3A_182 = arith.mulf %mul3A_181, %mul3A_177 : vector<16xf32>
      %sub3A_183 = arith.constant 1.500000e+00 : f32
      %sub3A_184 = vector.broadcast %sub3A_183 : f32 to vector<16xf32>
      %sub3A_185 = arith.subf %sub3A_184, %mul3A_182 : vector<16xf32>
      %mul3A_186 = arith.mulf %mul3A_177, %sub3A_185 : vector<16xf32>
      %mul3A_187 = arith.constant 5.000000e-01 : f32
      %mul3A_188 = vector.broadcast %mul3A_187 : f32 to vector<16xf32>
      %mul3A_189 = arith.mulf %mul3A_188, %add3A_162 : vector<16xf32>
      %mul3A_190 = arith.mulf %mul3A_189, %mul3A_186 : vector<16xf32>
      %mul3A_191 = arith.mulf %mul3A_190, %mul3A_186 : vector<16xf32>
      %sub3A_192 = arith.constant 1.500000e+00 : f32
      %sub3A_193 = vector.broadcast %sub3A_192 : f32 to vector<16xf32>
      %sub3A_194 = arith.subf %sub3A_193, %mul3A_191 : vector<16xf32>
      %mul3A_195 = arith.mulf %mul3A_186, %sub3A_194 : vector<16xf32>
      %mul3A_196 = arith.constant 16 : i32
      %mul3A_197 = arith.muli %scan3A_155, %mul3A_196 : i32
      %get3A = arith.index_cast %mul3A_197 : i32 to index
      %get3A_198 = tpu.vector_load %arg26[%get3A] {strides = array<i32>} : memref<5120xf32, #tpu.memory_space<vmem>>, vector<16xf32>,
      %mul3A_199 = arith.constant 2 : i32
      %mul3A_200 = arith.muli %mul3A_199, %scan3A_155 : i32
      %add3A_201 = vector.broadcast %mul3A_200 : i32 to vector<16xi32>
      %add3A_202 = arith.addi %add3A_201, %shift_right_arithmetic3A_26 : vector<16xi32>
      %mul3A_203 = arith.mulf %get3A_198, %mul3A_195 : vector<16xf32>
      tpu.vector_store_idx %arg27[%add3A_202, %and3A_28], %mul3A_203 : memref<640x8xf32, #tpu.memory_space<vmem>>[vector<16xi32>, vector<16xi32>], vector<16xf32>,
      %mul3A_204 = arith.constant 2 : i32
      %mul3A_205 = arith.muli %mul3A_204, %scan3A_155 : i32
      %add3A_206 = vector.broadcast %mul3A_205 : i32 to vector<16xi32>
      %add3A_207 = arith.addi %add3A_206, %shift_right_arithmetic3A_26 : vector<16xi32>
      tpu.vector_store_idx %arg28[%add3A_207], %mul3A_195 : memref<640xf32, #tpu.memory_space<vmem>>[vector<16xi32>], vector<16xf32>,
    }
    %scan3A_34 = arith.constant 320 : i32
    "tpu.region"() ({
      %run_scoped3A = tpu.sem_alloc : memref<!tpu.dma_semaphore, #tpu.memory_space<semaphore_mem>>
      %dma_start3A_155 = arith.constant 0 : i32
      %dma_start3A_156 = tpu.memref_slice %arg23[%mul3A_4, %dma_start3A_155] : memref<10240x8xf32, #tpu.memory_space<vmem_shared>> -> memref<640x8xf32, #tpu.memory_space<vmem_shared>>
      %dma_start3A_157 = arith.constant 0 : i32
      %dma_start3A_158 = tpu.memref_slice %arg23[%mul3A_4, %dma_start3A_157] : memref<10240x8xf32, #tpu.memory_space<vmem_shared>> -> memref<640x8xf32, #tpu.memory_space<vmem_shared>>
      tpu.enqueue_dma source(%arg27 : memref<640x8xf32, #tpu.memory_space<vmem>>) target(%dma_start3A_158 : memref<640x8xf32, #tpu.memory_space<vmem_shared>>) target_semaphore(%run_scoped3A : memref<!tpu.dma_semaphore, #tpu.memory_space<semaphore_mem>>)
      %dma_wait3A_159 = arith.constant 0 : i32
      %dma_wait3A_160 = tpu.memref_slice %arg23[%mul3A_4, %dma_wait3A_159] : memref<10240x8xf32, #tpu.memory_space<vmem_shared>> -> memref<640x8xf32, #tpu.memory_space<vmem_shared>>
      %dma_wait3A_161 = arith.constant 0 : i32
      %dma_wait3A_162 = tpu.memref_slice %arg23[%mul3A_4, %dma_wait3A_161] : memref<10240x8xf32, #tpu.memory_space<vmem_shared>> -> memref<640x8xf32, #tpu.memory_space<vmem_shared>>
      tpu.wait_dma2 semaphore(%run_scoped3A : memref<!tpu.dma_semaphore, #tpu.memory_space<semaphore_mem>>) src(%arg27 : memref<640x8xf32, #tpu.memory_space<vmem>>) dst(%dma_wait3A_162 : memref<640x8xf32, #tpu.memory_space<vmem_shared>>)
      tpu.yield
    }) : () -> ()
    %eq3A = arith.constant 0 : i32
    %eq3A_35 = arith.cmpi eq, %arg0, %eq3A : i32
    %convert_element_type3A = arith.extui %eq3A_35 : i1 to i32
    %cond3A = arith.constant 0 : i32
    %cond3A_36 = arith.cmpi ne, %convert_element_type3A, %cond3A : i32
    scf.if %cond3A_36 {
      "tpu.region"() ({
        %run_scoped3A = tpu.sem_alloc : memref<!tpu.dma_semaphore, #tpu.memory_space<semaphore_mem>>
        %dma_start3A_155 = arith.constant 0 : i32
        %dma_start3A_156 = tpu.memref_slice %arg8[%mul3A_4, %dma_start3A_155] : memref<10240x8xf32, #tpu.memory_space<hbm>> -> memref<640x8xf32, #tpu.memory_space<hbm>>
        %dma_start3A_157 = arith.constant 0 : i32
        %dma_start3A_158 = tpu.memref_slice %arg8[%mul3A_4, %dma_start3A_157] : memref<10240x8xf32, #tpu.memory_space<hbm>> -> memref<640x8xf32, #tpu.memory_space<hbm>>
        tpu.enqueue_dma source(%arg27 : memref<640x8xf32, #tpu.memory_space<vmem>>) target(%dma_start3A_158 : memref<640x8xf32, #tpu.memory_space<hbm>>) target_semaphore(%run_scoped3A : memref<!tpu.dma_semaphore, #tpu.memory_space<semaphore_mem>>)
        %dma_wait3A_159 = arith.constant 0 : i32
        %dma_wait3A_160 = tpu.memref_slice %arg8[%mul3A_4, %dma_wait3A_159] : memref<10240x8xf32, #tpu.memory_space<hbm>> -> memref<640x8xf32, #tpu.memory_space<hbm>>
        %dma_wait3A_161 = arith.constant 0 : i32
        %dma_wait3A_162 = tpu.memref_slice %arg8[%mul3A_4, %dma_wait3A_161] : memref<10240x8xf32, #tpu.memory_space<hbm>> -> memref<640x8xf32, #tpu.memory_space<hbm>>
        tpu.wait_dma2 semaphore(%run_scoped3A : memref<!tpu.dma_semaphore, #tpu.memory_space<semaphore_mem>>) src(%arg27 : memref<640x8xf32, #tpu.memory_space<vmem>>) dst(%dma_wait3A_162 : memref<640x8xf32, #tpu.memory_space<hbm>>)
        tpu.yield
      }) : () -> ()
      "tpu.region"() ({
        %run_scoped3A = tpu.sem_alloc : memref<!tpu.dma_semaphore, #tpu.memory_space<semaphore_mem>>
        %dma_start3A_155 = tpu.memref_slice %arg9[%mul3A_4] : memref<10240xf32, #tpu.memory_space<hbm>> -> memref<640xf32, #tpu.memory_space<hbm>>
        %dma_start3A_156 = tpu.memref_slice %arg9[%mul3A_4] : memref<10240xf32, #tpu.memory_space<hbm>> -> memref<640xf32, #tpu.memory_space<hbm>>
        tpu.enqueue_dma source(%arg28 : memref<640xf32, #tpu.memory_space<vmem>>) target(%dma_start3A_156 : memref<640xf32, #tpu.memory_space<hbm>>) target_semaphore(%run_scoped3A : memref<!tpu.dma_semaphore, #tpu.memory_space<semaphore_mem>>)
        %dma_wait3A_157 = tpu.memref_slice %arg9[%mul3A_4] : memref<10240xf32, #tpu.memory_space<hbm>> -> memref<640xf32, #tpu.memory_space<hbm>>
        %dma_wait3A_158 = tpu.memref_slice %arg9[%mul3A_4] : memref<10240xf32, #tpu.memory_space<hbm>> -> memref<640xf32, #tpu.memory_space<hbm>>
        tpu.wait_dma2 semaphore(%run_scoped3A : memref<!tpu.dma_semaphore, #tpu.memory_space<semaphore_mem>>) src(%arg28 : memref<640xf32, #tpu.memory_space<vmem>>) dst(%dma_wait3A_158 : memref<640xf32, #tpu.memory_space<hbm>>)
        tpu.yield
      }) : () -> ()
    } else {
    }
    %barrier3A_37 = arith.constant 0 : index
    tpu.barrier barrier_id(%barrier3A_37)
    %dma_start3A = arith.constant 0 : i32
    %dma_start3A_38 = arith.constant 0 : i32
    %dma_start3A_39 = tpu.memref_slice %arg10[%dma_start3A, %dma_start3A_38] : memref<80x128xi32, #tpu.memory_space<vmem>> -> memref<1x128xi32, #tpu.memory_space<vmem>>
    %dma_start3A_40 = tpu.memref_squeeze %dma_start3A_39 : memref<1x128xi32, #tpu.memory_space<vmem>> -> memref<128xi32, #tpu.memory_space<vmem>>
    %dma_start3A_41 = arith.constant 0 : i32
    %dma_start3A_42 = arith.constant 0 : i32
    %dma_start3A_43 = tpu.memref_slice %arg23[%dma_start3A_41, %dma_start3A_42] : memref<10240x8xf32, #tpu.memory_space<vmem_shared>> -> memref<10240x8xf32, #tpu.memory_space<vmem_shared>>
    tpu.enqueue_indirect_dma source(%dma_start3A_43 : memref<10240x8xf32, #tpu.memory_space<vmem_shared>>) target(%arg14 : memref<128x8xf32, #tpu.memory_space<vmem>>) offsets(%dma_start3A_40 : memref<128xi32, #tpu.memory_space<vmem>>) semaphore(%arg30 : memref<!tpu.dma_semaphore, #tpu.memory_space<semaphore_mem>>)
    %dma_start3A_44 = arith.constant 1 : i32
    %dma_start3A_45 = arith.constant 0 : i32
    %dma_start3A_46 = tpu.memref_slice %arg10[%dma_start3A_44, %dma_start3A_45] : memref<80x128xi32, #tpu.memory_space<vmem>> -> memref<1x128xi32, #tpu.memory_space<vmem>>
    %dma_start3A_47 = tpu.memref_squeeze %dma_start3A_46 : memref<1x128xi32, #tpu.memory_space<vmem>> -> memref<128xi32, #tpu.memory_space<vmem>>
    %dma_start3A_48 = arith.constant 0 : i32
    %dma_start3A_49 = arith.constant 0 : i32
    %dma_start3A_50 = tpu.memref_slice %arg23[%dma_start3A_48, %dma_start3A_49] : memref<10240x8xf32, #tpu.memory_space<vmem_shared>> -> memref<10240x8xf32, #tpu.memory_space<vmem_shared>>
    tpu.enqueue_indirect_dma source(%dma_start3A_50 : memref<10240x8xf32, #tpu.memory_space<vmem_shared>>) target(%arg15 : memref<128x8xf32, #tpu.memory_space<vmem>>) offsets(%dma_start3A_47 : memref<128xi32, #tpu.memory_space<vmem>>) semaphore(%arg31 : memref<!tpu.dma_semaphore, #tpu.memory_space<semaphore_mem>>)
    %dma_start3A_51 = arith.constant 2 : i32
    %dma_start3A_52 = arith.constant 0 : i32
    %dma_start3A_53 = tpu.memref_slice %arg10[%dma_start3A_51, %dma_start3A_52] : memref<80x128xi32, #tpu.memory_space<vmem>> -> memref<1x128xi32, #tpu.memory_space<vmem>>
    %dma_start3A_54 = tpu.memref_squeeze %dma_start3A_53 : memref<1x128xi32, #tpu.memory_space<vmem>> -> memref<128xi32, #tpu.memory_space<vmem>>
    %dma_start3A_55 = arith.constant 0 : i32
    %dma_start3A_56 = arith.constant 0 : i32
    %dma_start3A_57 = tpu.memref_slice %arg23[%dma_start3A_55, %dma_start3A_56] : memref<10240x8xf32, #tpu.memory_space<vmem_shared>> -> memref<10240x8xf32, #tpu.memory_space<vmem_shared>>
    tpu.enqueue_indirect_dma source(%dma_start3A_57 : memref<10240x8xf32, #tpu.memory_space<vmem_shared>>) target(%arg16 : memref<128x8xf32, #tpu.memory_space<vmem>>) offsets(%dma_start3A_54 : memref<128xi32, #tpu.memory_space<vmem>>) semaphore(%arg32 : memref<!tpu.dma_semaphore, #tpu.memory_space<semaphore_mem>>)
    %dma_start3A_58 = arith.constant 3 : i32
    %dma_start3A_59 = arith.constant 0 : i32
    %dma_start3A_60 = tpu.memref_slice %arg10[%dma_start3A_58, %dma_start3A_59] : memref<80x128xi32, #tpu.memory_space<vmem>> -> memref<1x128xi32, #tpu.memory_space<vmem>>
    %dma_start3A_61 = tpu.memref_squeeze %dma_start3A_60 : memref<1x128xi32, #tpu.memory_space<vmem>> -> memref<128xi32, #tpu.memory_space<vmem>>
    %dma_start3A_62 = arith.constant 0 : i32
    %dma_start3A_63 = arith.constant 0 : i32
    %dma_start3A_64 = tpu.memref_slice %arg23[%dma_start3A_62, %dma_start3A_63] : memref<10240x8xf32, #tpu.memory_space<vmem_shared>> -> memref<10240x8xf32, #tpu.memory_space<vmem_shared>>
    tpu.enqueue_indirect_dma source(%dma_start3A_64 : memref<10240x8xf32, #tpu.memory_space<vmem_shared>>) target(%arg17 : memref<128x8xf32, #tpu.memory_space<vmem>>) offsets(%dma_start3A_61 : memref<128xi32, #tpu.memory_space<vmem>>) semaphore(%arg33 : memref<!tpu.dma_semaphore, #tpu.memory_space<semaphore_mem>>)
    %dma_start3A_65 = arith.constant 4 : i32
    %dma_start3A_66 = arith.constant 0 : i32
    %dma_start3A_67 = tpu.memref_slice %arg10[%dma_start3A_65, %dma_start3A_66] : memref<80x128xi32, #tpu.memory_space<vmem>> -> memref<1x128xi32, #tpu.memory_space<vmem>>
    %dma_start3A_68 = tpu.memref_squeeze %dma_start3A_67 : memref<1x128xi32, #tpu.memory_space<vmem>> -> memref<128xi32, #tpu.memory_space<vmem>>
    %dma_start3A_69 = arith.constant 0 : i32
    %dma_start3A_70 = arith.constant 0 : i32
    %dma_start3A_71 = tpu.memref_slice %arg23[%dma_start3A_69, %dma_start3A_70] : memref<10240x8xf32, #tpu.memory_space<vmem_shared>> -> memref<10240x8xf32, #tpu.memory_space<vmem_shared>>
    tpu.enqueue_indirect_dma source(%dma_start3A_71 : memref<10240x8xf32, #tpu.memory_space<vmem_shared>>) target(%arg18 : memref<128x8xf32, #tpu.memory_space<vmem>>) offsets(%dma_start3A_68 : memref<128xi32, #tpu.memory_space<vmem>>) semaphore(%arg34 : memref<!tpu.dma_semaphore, #tpu.memory_space<semaphore_mem>>)
    %dma_start3A_72 = arith.constant 5 : i32
    %dma_start3A_73 = arith.constant 0 : i32
    %dma_start3A_74 = tpu.memref_slice %arg10[%dma_start3A_72, %dma_start3A_73] : memref<80x128xi32, #tpu.memory_space<vmem>> -> memref<1x128xi32, #tpu.memory_space<vmem>>
    %dma_start3A_75 = tpu.memref_squeeze %dma_start3A_74 : memref<1x128xi32, #tpu.memory_space<vmem>> -> memref<128xi32, #tpu.memory_space<vmem>>
    %dma_start3A_76 = arith.constant 0 : i32
    %dma_start3A_77 = arith.constant 0 : i32
    %dma_start3A_78 = tpu.memref_slice %arg23[%dma_start3A_76, %dma_start3A_77] : memref<10240x8xf32, #tpu.memory_space<vmem_shared>> -> memref<10240x8xf32, #tpu.memory_space<vmem_shared>>
    tpu.enqueue_indirect_dma source(%dma_start3A_78 : memref<10240x8xf32, #tpu.memory_space<vmem_shared>>) target(%arg19 : memref<128x8xf32, #tpu.memory_space<vmem>>) offsets(%dma_start3A_75 : memref<128xi32, #tpu.memory_space<vmem>>) semaphore(%arg35 : memref<!tpu.dma_semaphore, #tpu.memory_space<semaphore_mem>>)
    %dma_start3A_79 = arith.constant 6 : i32
    %dma_start3A_80 = arith.constant 0 : i32
    %dma_start3A_81 = tpu.memref_slice %arg10[%dma_start3A_79, %dma_start3A_80] : memref<80x128xi32, #tpu.memory_space<vmem>> -> memref<1x128xi32, #tpu.memory_space<vmem>>
    %dma_start3A_82 = tpu.memref_squeeze %dma_start3A_81 : memref<1x128xi32, #tpu.memory_space<vmem>> -> memref<128xi32, #tpu.memory_space<vmem>>
    %dma_start3A_83 = arith.constant 0 : i32
    %dma_start3A_84 = arith.constant 0 : i32
    %dma_start3A_85 = tpu.memref_slice %arg23[%dma_start3A_83, %dma_start3A_84] : memref<10240x8xf32, #tpu.memory_space<vmem_shared>> -> memref<10240x8xf32, #tpu.memory_space<vmem_shared>>
    tpu.enqueue_indirect_dma source(%dma_start3A_85 : memref<10240x8xf32, #tpu.memory_space<vmem_shared>>) target(%arg20 : memref<128x8xf32, #tpu.memory_space<vmem>>) offsets(%dma_start3A_82 : memref<128xi32, #tpu.memory_space<vmem>>) semaphore(%arg36 : memref<!tpu.dma_semaphore, #tpu.memory_space<semaphore_mem>>)
    %dma_start3A_86 = arith.constant 7 : i32
    %dma_start3A_87 = arith.constant 0 : i32
    %dma_start3A_88 = tpu.memref_slice %arg10[%dma_start3A_86, %dma_start3A_87] : memref<80x128xi32, #tpu.memory_space<vmem>> -> memref<1x128xi32, #tpu.memory_space<vmem>>
    %dma_start3A_89 = tpu.memref_squeeze %dma_start3A_88 : memref<1x128xi32, #tpu.memory_space<vmem>> -> memref<128xi32, #tpu.memory_space<vmem>>
    %dma_start3A_90 = arith.constant 0 : i32
    %dma_start3A_91 = arith.constant 0 : i32
    %dma_start3A_92 = tpu.memref_slice %arg23[%dma_start3A_90, %dma_start3A_91] : memref<10240x8xf32, #tpu.memory_space<vmem_shared>> -> memref<10240x8xf32, #tpu.memory_space<vmem_shared>>
    tpu.enqueue_indirect_dma source(%dma_start3A_92 : memref<10240x8xf32, #tpu.memory_space<vmem_shared>>) target(%arg21 : memref<128x8xf32, #tpu.memory_space<vmem>>) offsets(%dma_start3A_89 : memref<128xi32, #tpu.memory_space<vmem>>) semaphore(%arg37 : memref<!tpu.dma_semaphore, #tpu.memory_space<semaphore_mem>>)
    %scan3A_93 = arith.constant 0 : i32
    %scan3A_94 = arith.constant 0 : i32
    %scan3A_95 = arith.constant 10 : i32
    %scan3A_96 = arith.addi %scan3A_94, %scan3A_95 : i32
    %scan3A_97 = arith.constant 1 : i32
    scf.for %scan3A_155 = %scan3A_94 to %scan3A_96 step %scan3A_97  : i32 {
      %mul3A_156 = arith.constant 8 : i32
      %mul3A_157 = arith.muli %scan3A_155, %mul3A_156 : i32
      %add3A_158 = arith.constant 0 : i32
      %add3A_159 = arith.addi %mul3A_157, %add3A_158 : i32
      %dma_wait3A_160 = arith.constant 0 : i32
      %dma_wait3A_161 = tpu.memref_slice %arg10[%add3A_159, %dma_wait3A_160] : memref<80x128xi32, #tpu.memory_space<vmem>> -> memref<1x128xi32, #tpu.memory_space<vmem>>
      %dma_wait3A_162 = tpu.memref_squeeze %dma_wait3A_161 : memref<1x128xi32, #tpu.memory_space<vmem>> -> memref<128xi32, #tpu.memory_space<vmem>>
      %dma_wait3A_163 = arith.constant 0 : i32
      %dma_wait3A_164 = arith.constant 0 : i32
      %dma_wait3A_165 = tpu.memref_slice %arg23[%dma_wait3A_163, %dma_wait3A_164] : memref<10240x8xf32, #tpu.memory_space<vmem_shared>> -> memref<10240x8xf32, #tpu.memory_space<vmem_shared>>
      tpu.wait_indirect_dma semaphore(%arg30 : memref<!tpu.dma_semaphore, #tpu.memory_space<semaphore_mem>>) src(%dma_wait3A_165 : memref<10240x8xf32, #tpu.memory_space<vmem_shared>>) dst(%arg14 : memref<128x8xf32, #tpu.memory_space<vmem>>)
      %dma_start3A_166 = arith.constant 0 : i32
      %dma_start3A_167 = tpu.memref_slice %arg11[%add3A_159, %dma_start3A_166] : memref<80x128xi32, #tpu.memory_space<vmem>> -> memref<1x128xi32, #tpu.memory_space<vmem>>
      %dma_start3A_168 = tpu.memref_squeeze %dma_start3A_167 : memref<1x128xi32, #tpu.memory_space<vmem>> -> memref<128xi32, #tpu.memory_space<vmem>>
      %dma_start3A_169 = arith.constant 0 : i32
      %dma_start3A_170 = arith.constant 0 : i32
      %dma_start3A_171 = tpu.memref_slice %arg22[%dma_start3A_169, %dma_start3A_170] : memref<10240x8xf32, #tpu.memory_space<vmem_shared>> -> memref<10240x8xf32, #tpu.memory_space<vmem_shared>>
      tpu.enqueue_indirect_dma source(%arg14 : memref<128x8xf32, #tpu.memory_space<vmem>>) target(%dma_start3A_171 : memref<10240x8xf32, #tpu.memory_space<vmem_shared>>) offsets(%dma_start3A_168 : memref<128xi32, #tpu.memory_space<vmem>>) semaphore(%arg38 : memref<!tpu.dma_semaphore, #tpu.memory_space<semaphore_mem>>) {add = true}
      %mul3A_172 = arith.constant 8 : i32
      %mul3A_173 = arith.muli %scan3A_155, %mul3A_172 : i32
      %add3A_174 = arith.constant 1 : i32
      %add3A_175 = arith.addi %mul3A_173, %add3A_174 : i32
      %dma_wait3A_176 = arith.constant 0 : i32
      %dma_wait3A_177 = tpu.memref_slice %arg10[%add3A_175, %dma_wait3A_176] : memref<80x128xi32, #tpu.memory_space<vmem>> -> memref<1x128xi32, #tpu.memory_space<vmem>>
      %dma_wait3A_178 = tpu.memref_squeeze %dma_wait3A_177 : memref<1x128xi32, #tpu.memory_space<vmem>> -> memref<128xi32, #tpu.memory_space<vmem>>
      %dma_wait3A_179 = arith.constant 0 : i32
      %dma_wait3A_180 = arith.constant 0 : i32
      %dma_wait3A_181 = tpu.memref_slice %arg23[%dma_wait3A_179, %dma_wait3A_180] : memref<10240x8xf32, #tpu.memory_space<vmem_shared>> -> memref<10240x8xf32, #tpu.memory_space<vmem_shared>>
      tpu.wait_indirect_dma semaphore(%arg31 : memref<!tpu.dma_semaphore, #tpu.memory_space<semaphore_mem>>) src(%dma_wait3A_181 : memref<10240x8xf32, #tpu.memory_space<vmem_shared>>) dst(%arg15 : memref<128x8xf32, #tpu.memory_space<vmem>>)
      %dma_start3A_182 = arith.constant 0 : i32
      %dma_start3A_183 = tpu.memref_slice %arg11[%add3A_175, %dma_start3A_182] : memref<80x128xi32, #tpu.memory_space<vmem>> -> memref<1x128xi32, #tpu.memory_space<vmem>>
      %dma_start3A_184 = tpu.memref_squeeze %dma_start3A_183 : memref<1x128xi32, #tpu.memory_space<vmem>> -> memref<128xi32, #tpu.memory_space<vmem>>
      %dma_start3A_185 = arith.constant 0 : i32
      %dma_start3A_186 = arith.constant 0 : i32
      %dma_start3A_187 = tpu.memref_slice %arg22[%dma_start3A_185, %dma_start3A_186] : memref<10240x8xf32, #tpu.memory_space<vmem_shared>> -> memref<10240x8xf32, #tpu.memory_space<vmem_shared>>
      tpu.enqueue_indirect_dma source(%arg15 : memref<128x8xf32, #tpu.memory_space<vmem>>) target(%dma_start3A_187 : memref<10240x8xf32, #tpu.memory_space<vmem_shared>>) offsets(%dma_start3A_184 : memref<128xi32, #tpu.memory_space<vmem>>) semaphore(%arg39 : memref<!tpu.dma_semaphore, #tpu.memory_space<semaphore_mem>>) {add = true}
      %mul3A_188 = arith.constant 8 : i32
      %mul3A_189 = arith.muli %scan3A_155, %mul3A_188 : i32
      %add3A_190 = arith.constant 2 : i32
      %add3A_191 = arith.addi %mul3A_189, %add3A_190 : i32
      %dma_wait3A_192 = arith.constant 0 : i32
      %dma_wait3A_193 = tpu.memref_slice %arg10[%add3A_191, %dma_wait3A_192] : memref<80x128xi32, #tpu.memory_space<vmem>> -> memref<1x128xi32, #tpu.memory_space<vmem>>
      %dma_wait3A_194 = tpu.memref_squeeze %dma_wait3A_193 : memref<1x128xi32, #tpu.memory_space<vmem>> -> memref<128xi32, #tpu.memory_space<vmem>>
      %dma_wait3A_195 = arith.constant 0 : i32
      %dma_wait3A_196 = arith.constant 0 : i32
      %dma_wait3A_197 = tpu.memref_slice %arg23[%dma_wait3A_195, %dma_wait3A_196] : memref<10240x8xf32, #tpu.memory_space<vmem_shared>> -> memref<10240x8xf32, #tpu.memory_space<vmem_shared>>
      tpu.wait_indirect_dma semaphore(%arg32 : memref<!tpu.dma_semaphore, #tpu.memory_space<semaphore_mem>>) src(%dma_wait3A_197 : memref<10240x8xf32, #tpu.memory_space<vmem_shared>>) dst(%arg16 : memref<128x8xf32, #tpu.memory_space<vmem>>)
      %dma_start3A_198 = arith.constant 0 : i32
      %dma_start3A_199 = tpu.memref_slice %arg11[%add3A_191, %dma_start3A_198] : memref<80x128xi32, #tpu.memory_space<vmem>> -> memref<1x128xi32, #tpu.memory_space<vmem>>
      %dma_start3A_200 = tpu.memref_squeeze %dma_start3A_199 : memref<1x128xi32, #tpu.memory_space<vmem>> -> memref<128xi32, #tpu.memory_space<vmem>>
      %dma_start3A_201 = arith.constant 0 : i32
      %dma_start3A_202 = arith.constant 0 : i32
      %dma_start3A_203 = tpu.memref_slice %arg22[%dma_start3A_201, %dma_start3A_202] : memref<10240x8xf32, #tpu.memory_space<vmem_shared>> -> memref<10240x8xf32, #tpu.memory_space<vmem_shared>>
      tpu.enqueue_indirect_dma source(%arg16 : memref<128x8xf32, #tpu.memory_space<vmem>>) target(%dma_start3A_203 : memref<10240x8xf32, #tpu.memory_space<vmem_shared>>) offsets(%dma_start3A_200 : memref<128xi32, #tpu.memory_space<vmem>>) semaphore(%arg40 : memref<!tpu.dma_semaphore, #tpu.memory_space<semaphore_mem>>) {add = true}
      %mul3A_204 = arith.constant 8 : i32
      %mul3A_205 = arith.muli %scan3A_155, %mul3A_204 : i32
      %add3A_206 = arith.constant 3 : i32
      %add3A_207 = arith.addi %mul3A_205, %add3A_206 : i32
      %dma_wait3A_208 = arith.constant 0 : i32
      %dma_wait3A_209 = tpu.memref_slice %arg10[%add3A_207, %dma_wait3A_208] : memref<80x128xi32, #tpu.memory_space<vmem>> -> memref<1x128xi32, #tpu.memory_space<vmem>>
      %dma_wait3A_210 = tpu.memref_squeeze %dma_wait3A_209 : memref<1x128xi32, #tpu.memory_space<vmem>> -> memref<128xi32, #tpu.memory_space<vmem>>
      %dma_wait3A_211 = arith.constant 0 : i32
      %dma_wait3A_212 = arith.constant 0 : i32
      %dma_wait3A_213 = tpu.memref_slice %arg23[%dma_wait3A_211, %dma_wait3A_212] : memref<10240x8xf32, #tpu.memory_space<vmem_shared>> -> memref<10240x8xf32, #tpu.memory_space<vmem_shared>>
      tpu.wait_indirect_dma semaphore(%arg33 : memref<!tpu.dma_semaphore, #tpu.memory_space<semaphore_mem>>) src(%dma_wait3A_213 : memref<10240x8xf32, #tpu.memory_space<vmem_shared>>) dst(%arg17 : memref<128x8xf32, #tpu.memory_space<vmem>>)
      %dma_start3A_214 = arith.constant 0 : i32
      %dma_start3A_215 = tpu.memref_slice %arg11[%add3A_207, %dma_start3A_214] : memref<80x128xi32, #tpu.memory_space<vmem>> -> memref<1x128xi32, #tpu.memory_space<vmem>>
      %dma_start3A_216 = tpu.memref_squeeze %dma_start3A_215 : memref<1x128xi32, #tpu.memory_space<vmem>> -> memref<128xi32, #tpu.memory_space<vmem>>
      %dma_start3A_217 = arith.constant 0 : i32
      %dma_start3A_218 = arith.constant 0 : i32
      %dma_start3A_219 = tpu.memref_slice %arg22[%dma_start3A_217, %dma_start3A_218] : memref<10240x8xf32, #tpu.memory_space<vmem_shared>> -> memref<10240x8xf32, #tpu.memory_space<vmem_shared>>
      tpu.enqueue_indirect_dma source(%arg17 : memref<128x8xf32, #tpu.memory_space<vmem>>) target(%dma_start3A_219 : memref<10240x8xf32, #tpu.memory_space<vmem_shared>>) offsets(%dma_start3A_216 : memref<128xi32, #tpu.memory_space<vmem>>) semaphore(%arg41 : memref<!tpu.dma_semaphore, #tpu.memory_space<semaphore_mem>>) {add = true}
      %mul3A_220 = arith.constant 8 : i32
      %mul3A_221 = arith.muli %scan3A_155, %mul3A_220 : i32
      %add3A_222 = arith.constant 4 : i32
      %add3A_223 = arith.addi %mul3A_221, %add3A_222 : i32
      %dma_wait3A_224 = arith.constant 0 : i32
      %dma_wait3A_225 = tpu.memref_slice %arg10[%add3A_223, %dma_wait3A_224] : memref<80x128xi32, #tpu.memory_space<vmem>> -> memref<1x128xi32, #tpu.memory_space<vmem>>
      %dma_wait3A_226 = tpu.memref_squeeze %dma_wait3A_225 : memref<1x128xi32, #tpu.memory_space<vmem>> -> memref<128xi32, #tpu.memory_space<vmem>>
      %dma_wait3A_227 = arith.constant 0 : i32
      %dma_wait3A_228 = arith.constant 0 : i32
      %dma_wait3A_229 = tpu.memref_slice %arg23[%dma_wait3A_227, %dma_wait3A_228] : memref<10240x8xf32, #tpu.memory_space<vmem_shared>> -> memref<10240x8xf32, #tpu.memory_space<vmem_shared>>
      tpu.wait_indirect_dma semaphore(%arg34 : memref<!tpu.dma_semaphore, #tpu.memory_space<semaphore_mem>>) src(%dma_wait3A_229 : memref<10240x8xf32, #tpu.memory_space<vmem_shared>>) dst(%arg18 : memref<128x8xf32, #tpu.memory_space<vmem>>)
      %dma_start3A_230 = arith.constant 0 : i32
      %dma_start3A_231 = tpu.memref_slice %arg11[%add3A_223, %dma_start3A_230] : memref<80x128xi32, #tpu.memory_space<vmem>> -> memref<1x128xi32, #tpu.memory_space<vmem>>
      %dma_start3A_232 = tpu.memref_squeeze %dma_start3A_231 : memref<1x128xi32, #tpu.memory_space<vmem>> -> memref<128xi32, #tpu.memory_space<vmem>>
      %dma_start3A_233 = arith.constant 0 : i32
      %dma_start3A_234 = arith.constant 0 : i32
      %dma_start3A_235 = tpu.memref_slice %arg22[%dma_start3A_233, %dma_start3A_234] : memref<10240x8xf32, #tpu.memory_space<vmem_shared>> -> memref<10240x8xf32, #tpu.memory_space<vmem_shared>>
      tpu.enqueue_indirect_dma source(%arg18 : memref<128x8xf32, #tpu.memory_space<vmem>>) target(%dma_start3A_235 : memref<10240x8xf32, #tpu.memory_space<vmem_shared>>) offsets(%dma_start3A_232 : memref<128xi32, #tpu.memory_space<vmem>>) semaphore(%arg42 : memref<!tpu.dma_semaphore, #tpu.memory_space<semaphore_mem>>) {add = true}
      %mul3A_236 = arith.constant 8 : i32
      %mul3A_237 = arith.muli %scan3A_155, %mul3A_236 : i32
      %add3A_238 = arith.constant 5 : i32
      %add3A_239 = arith.addi %mul3A_237, %add3A_238 : i32
      %dma_wait3A_240 = arith.constant 0 : i32
      %dma_wait3A_241 = tpu.memref_slice %arg10[%add3A_239, %dma_wait3A_240] : memref<80x128xi32, #tpu.memory_space<vmem>> -> memref<1x128xi32, #tpu.memory_space<vmem>>
      %dma_wait3A_242 = tpu.memref_squeeze %dma_wait3A_241 : memref<1x128xi32, #tpu.memory_space<vmem>> -> memref<128xi32, #tpu.memory_space<vmem>>
      %dma_wait3A_243 = arith.constant 0 : i32
      %dma_wait3A_244 = arith.constant 0 : i32
      %dma_wait3A_245 = tpu.memref_slice %arg23[%dma_wait3A_243, %dma_wait3A_244] : memref<10240x8xf32, #tpu.memory_space<vmem_shared>> -> memref<10240x8xf32, #tpu.memory_space<vmem_shared>>
      tpu.wait_indirect_dma semaphore(%arg35 : memref<!tpu.dma_semaphore, #tpu.memory_space<semaphore_mem>>) src(%dma_wait3A_245 : memref<10240x8xf32, #tpu.memory_space<vmem_shared>>) dst(%arg19 : memref<128x8xf32, #tpu.memory_space<vmem>>)
      %dma_start3A_246 = arith.constant 0 : i32
      %dma_start3A_247 = tpu.memref_slice %arg11[%add3A_239, %dma_start3A_246] : memref<80x128xi32, #tpu.memory_space<vmem>> -> memref<1x128xi32, #tpu.memory_space<vmem>>
      %dma_start3A_248 = tpu.memref_squeeze %dma_start3A_247 : memref<1x128xi32, #tpu.memory_space<vmem>> -> memref<128xi32, #tpu.memory_space<vmem>>
      %dma_start3A_249 = arith.constant 0 : i32
      %dma_start3A_250 = arith.constant 0 : i32
      %dma_start3A_251 = tpu.memref_slice %arg22[%dma_start3A_249, %dma_start3A_250] : memref<10240x8xf32, #tpu.memory_space<vmem_shared>> -> memref<10240x8xf32, #tpu.memory_space<vmem_shared>>
      tpu.enqueue_indirect_dma source(%arg19 : memref<128x8xf32, #tpu.memory_space<vmem>>) target(%dma_start3A_251 : memref<10240x8xf32, #tpu.memory_space<vmem_shared>>) offsets(%dma_start3A_248 : memref<128xi32, #tpu.memory_space<vmem>>) semaphore(%arg43 : memref<!tpu.dma_semaphore, #tpu.memory_space<semaphore_mem>>) {add = true}
      %mul3A_252 = arith.constant 8 : i32
      %mul3A_253 = arith.muli %scan3A_155, %mul3A_252 : i32
      %add3A_254 = arith.constant 6 : i32
      %add3A_255 = arith.addi %mul3A_253, %add3A_254 : i32
      %dma_wait3A_256 = arith.constant 0 : i32
      %dma_wait3A_257 = tpu.memref_slice %arg10[%add3A_255, %dma_wait3A_256] : memref<80x128xi32, #tpu.memory_space<vmem>> -> memref<1x128xi32, #tpu.memory_space<vmem>>
      %dma_wait3A_258 = tpu.memref_squeeze %dma_wait3A_257 : memref<1x128xi32, #tpu.memory_space<vmem>> -> memref<128xi32, #tpu.memory_space<vmem>>
      %dma_wait3A_259 = arith.constant 0 : i32
      %dma_wait3A_260 = arith.constant 0 : i32
      %dma_wait3A_261 = tpu.memref_slice %arg23[%dma_wait3A_259, %dma_wait3A_260] : memref<10240x8xf32, #tpu.memory_space<vmem_shared>> -> memref<10240x8xf32, #tpu.memory_space<vmem_shared>>
      tpu.wait_indirect_dma semaphore(%arg36 : memref<!tpu.dma_semaphore, #tpu.memory_space<semaphore_mem>>) src(%dma_wait3A_261 : memref<10240x8xf32, #tpu.memory_space<vmem_shared>>) dst(%arg20 : memref<128x8xf32, #tpu.memory_space<vmem>>)
      %dma_start3A_262 = arith.constant 0 : i32
      %dma_start3A_263 = tpu.memref_slice %arg11[%add3A_255, %dma_start3A_262] : memref<80x128xi32, #tpu.memory_space<vmem>> -> memref<1x128xi32, #tpu.memory_space<vmem>>
      %dma_start3A_264 = tpu.memref_squeeze %dma_start3A_263 : memref<1x128xi32, #tpu.memory_space<vmem>> -> memref<128xi32, #tpu.memory_space<vmem>>
      %dma_start3A_265 = arith.constant 0 : i32
      %dma_start3A_266 = arith.constant 0 : i32
      %dma_start3A_267 = tpu.memref_slice %arg22[%dma_start3A_265, %dma_start3A_266] : memref<10240x8xf32, #tpu.memory_space<vmem_shared>> -> memref<10240x8xf32, #tpu.memory_space<vmem_shared>>
      tpu.enqueue_indirect_dma source(%arg20 : memref<128x8xf32, #tpu.memory_space<vmem>>) target(%dma_start3A_267 : memref<10240x8xf32, #tpu.memory_space<vmem_shared>>) offsets(%dma_start3A_264 : memref<128xi32, #tpu.memory_space<vmem>>) semaphore(%arg44 : memref<!tpu.dma_semaphore, #tpu.memory_space<semaphore_mem>>) {add = true}
      %mul3A_268 = arith.constant 8 : i32
      %mul3A_269 = arith.muli %scan3A_155, %mul3A_268 : i32
      %add3A_270 = arith.constant 7 : i32
      %add3A_271 = arith.addi %mul3A_269, %add3A_270 : i32
      %dma_wait3A_272 = arith.constant 0 : i32
      %dma_wait3A_273 = tpu.memref_slice %arg10[%add3A_271, %dma_wait3A_272] : memref<80x128xi32, #tpu.memory_space<vmem>> -> memref<1x128xi32, #tpu.memory_space<vmem>>
      %dma_wait3A_274 = tpu.memref_squeeze %dma_wait3A_273 : memref<1x128xi32, #tpu.memory_space<vmem>> -> memref<128xi32, #tpu.memory_space<vmem>>
      %dma_wait3A_275 = arith.constant 0 : i32
      %dma_wait3A_276 = arith.constant 0 : i32
      %dma_wait3A_277 = tpu.memref_slice %arg23[%dma_wait3A_275, %dma_wait3A_276] : memref<10240x8xf32, #tpu.memory_space<vmem_shared>> -> memref<10240x8xf32, #tpu.memory_space<vmem_shared>>
      tpu.wait_indirect_dma semaphore(%arg37 : memref<!tpu.dma_semaphore, #tpu.memory_space<semaphore_mem>>) src(%dma_wait3A_277 : memref<10240x8xf32, #tpu.memory_space<vmem_shared>>) dst(%arg21 : memref<128x8xf32, #tpu.memory_space<vmem>>)
      %dma_start3A_278 = arith.constant 0 : i32
      %dma_start3A_279 = tpu.memref_slice %arg11[%add3A_271, %dma_start3A_278] : memref<80x128xi32, #tpu.memory_space<vmem>> -> memref<1x128xi32, #tpu.memory_space<vmem>>
      %dma_start3A_280 = tpu.memref_squeeze %dma_start3A_279 : memref<1x128xi32, #tpu.memory_space<vmem>> -> memref<128xi32, #tpu.memory_space<vmem>>
      %dma_start3A_281 = arith.constant 0 : i32
      %dma_start3A_282 = arith.constant 0 : i32
      %dma_start3A_283 = tpu.memref_slice %arg22[%dma_start3A_281, %dma_start3A_282] : memref<10240x8xf32, #tpu.memory_space<vmem_shared>> -> memref<10240x8xf32, #tpu.memory_space<vmem_shared>>
      tpu.enqueue_indirect_dma source(%arg21 : memref<128x8xf32, #tpu.memory_space<vmem>>) target(%dma_start3A_283 : memref<10240x8xf32, #tpu.memory_space<vmem_shared>>) offsets(%dma_start3A_280 : memref<128xi32, #tpu.memory_space<vmem>>) semaphore(%arg45 : memref<!tpu.dma_semaphore, #tpu.memory_space<semaphore_mem>>) {add = true}
      %add3A_284 = arith.constant 1 : i32
      %add3A_285 = arith.addi %scan3A_155, %add3A_284 : i32
      %lt3A = arith.constant 10 : i32
      %lt3A_286 = arith.cmpi slt, %add3A_285, %lt3A : i32
      %convert_element_type3A_287 = arith.extui %lt3A_286 : i1 to i32
      %cond3A_288 = arith.constant 0 : i32
      %cond3A_289 = arith.cmpi ne, %convert_element_type3A_287, %cond3A_288 : i32
      scf.if %cond3A_289 {
        %mul3A_290 = arith.constant 8 : i32
        %mul3A_291 = arith.muli %scan3A_155, %mul3A_290 : i32
        %add3A_292 = arith.constant 0 : i32
        %add3A_293 = arith.addi %mul3A_291, %add3A_292 : i32
        %dma_wait3A_294 = arith.constant 0 : i32
        %dma_wait3A_295 = tpu.memref_slice %arg11[%add3A_293, %dma_wait3A_294] : memref<80x128xi32, #tpu.memory_space<vmem>> -> memref<1x128xi32, #tpu.memory_space<vmem>>
        %dma_wait3A_296 = tpu.memref_squeeze %dma_wait3A_295 : memref<1x128xi32, #tpu.memory_space<vmem>> -> memref<128xi32, #tpu.memory_space<vmem>>
        %dma_wait3A_297 = arith.constant 0 : i32
        %dma_wait3A_298 = arith.constant 0 : i32
        %dma_wait3A_299 = tpu.memref_slice %arg22[%dma_wait3A_297, %dma_wait3A_298] : memref<10240x8xf32, #tpu.memory_space<vmem_shared>> -> memref<10240x8xf32, #tpu.memory_space<vmem_shared>>
        tpu.wait_indirect_dma semaphore(%arg38 : memref<!tpu.dma_semaphore, #tpu.memory_space<semaphore_mem>>) src(%arg14 : memref<128x8xf32, #tpu.memory_space<vmem>>) dst(%dma_wait3A_299 : memref<10240x8xf32, #tpu.memory_space<vmem_shared>>)
        %add3A_300 = arith.constant 1 : i32
        %add3A_301 = arith.addi %scan3A_155, %add3A_300 : i32
        %mul3A_302 = arith.constant 8 : i32
        %mul3A_303 = arith.muli %add3A_301, %mul3A_302 : i32
        %add3A_304 = arith.constant 0 : i32
        %add3A_305 = arith.addi %mul3A_303, %add3A_304 : i32
        %dma_start3A_306 = arith.constant 0 : i32
        %dma_start3A_307 = tpu.memref_slice %arg10[%add3A_305, %dma_start3A_306] : memref<80x128xi32, #tpu.memory_space<vmem>> -> memref<1x128xi32, #tpu.memory_space<vmem>>
        %dma_start3A_308 = tpu.memref_squeeze %dma_start3A_307 : memref<1x128xi32, #tpu.memory_space<vmem>> -> memref<128xi32, #tpu.memory_space<vmem>>
        %dma_start3A_309 = arith.constant 0 : i32
        %dma_start3A_310 = arith.constant 0 : i32
        %dma_start3A_311 = tpu.memref_slice %arg23[%dma_start3A_309, %dma_start3A_310] : memref<10240x8xf32, #tpu.memory_space<vmem_shared>> -> memref<10240x8xf32, #tpu.memory_space<vmem_shared>>
        tpu.enqueue_indirect_dma source(%dma_start3A_311 : memref<10240x8xf32, #tpu.memory_space<vmem_shared>>) target(%arg14 : memref<128x8xf32, #tpu.memory_space<vmem>>) offsets(%dma_start3A_308 : memref<128xi32, #tpu.memory_space<vmem>>) semaphore(%arg30 : memref<!tpu.dma_semaphore, #tpu.memory_space<semaphore_mem>>)
        %mul3A_312 = arith.constant 8 : i32
        %mul3A_313 = arith.muli %scan3A_155, %mul3A_312 : i32
        %add3A_314 = arith.constant 1 : i32
        %add3A_315 = arith.addi %mul3A_313, %add3A_314 : i32
        %dma_wait3A_316 = arith.constant 0 : i32
        %dma_wait3A_317 = tpu.memref_slice %arg11[%add3A_315, %dma_wait3A_316] : memref<80x128xi32, #tpu.memory_space<vmem>> -> memref<1x128xi32, #tpu.memory_space<vmem>>
        %dma_wait3A_318 = tpu.memref_squeeze %dma_wait3A_317 : memref<1x128xi32, #tpu.memory_space<vmem>> -> memref<128xi32, #tpu.memory_space<vmem>>
        %dma_wait3A_319 = arith.constant 0 : i32
        %dma_wait3A_320 = arith.constant 0 : i32
        %dma_wait3A_321 = tpu.memref_slice %arg22[%dma_wait3A_319, %dma_wait3A_320] : memref<10240x8xf32, #tpu.memory_space<vmem_shared>> -> memref<10240x8xf32, #tpu.memory_space<vmem_shared>>
        tpu.wait_indirect_dma semaphore(%arg39 : memref<!tpu.dma_semaphore, #tpu.memory_space<semaphore_mem>>) src(%arg15 : memref<128x8xf32, #tpu.memory_space<vmem>>) dst(%dma_wait3A_321 : memref<10240x8xf32, #tpu.memory_space<vmem_shared>>)
        %add3A_322 = arith.constant 1 : i32
        %add3A_323 = arith.addi %scan3A_155, %add3A_322 : i32
        %mul3A_324 = arith.constant 8 : i32
        %mul3A_325 = arith.muli %add3A_323, %mul3A_324 : i32
        %add3A_326 = arith.constant 1 : i32
        %add3A_327 = arith.addi %mul3A_325, %add3A_326 : i32
        %dma_start3A_328 = arith.constant 0 : i32
        %dma_start3A_329 = tpu.memref_slice %arg10[%add3A_327, %dma_start3A_328] : memref<80x128xi32, #tpu.memory_space<vmem>> -> memref<1x128xi32, #tpu.memory_space<vmem>>
        %dma_start3A_330 = tpu.memref_squeeze %dma_start3A_329 : memref<1x128xi32, #tpu.memory_space<vmem>> -> memref<128xi32, #tpu.memory_space<vmem>>
        %dma_start3A_331 = arith.constant 0 : i32
        %dma_start3A_332 = arith.constant 0 : i32
        %dma_start3A_333 = tpu.memref_slice %arg23[%dma_start3A_331, %dma_start3A_332] : memref<10240x8xf32, #tpu.memory_space<vmem_shared>> -> memref<10240x8xf32, #tpu.memory_space<vmem_shared>>
        tpu.enqueue_indirect_dma source(%dma_start3A_333 : memref<10240x8xf32, #tpu.memory_space<vmem_shared>>) target(%arg15 : memref<128x8xf32, #tpu.memory_space<vmem>>) offsets(%dma_start3A_330 : memref<128xi32, #tpu.memory_space<vmem>>) semaphore(%arg31 : memref<!tpu.dma_semaphore, #tpu.memory_space<semaphore_mem>>)
        %mul3A_334 = arith.constant 8 : i32
        %mul3A_335 = arith.muli %scan3A_155, %mul3A_334 : i32
        %add3A_336 = arith.constant 2 : i32
        %add3A_337 = arith.addi %mul3A_335, %add3A_336 : i32
        %dma_wait3A_338 = arith.constant 0 : i32
        %dma_wait3A_339 = tpu.memref_slice %arg11[%add3A_337, %dma_wait3A_338] : memref<80x128xi32, #tpu.memory_space<vmem>> -> memref<1x128xi32, #tpu.memory_space<vmem>>
        %dma_wait3A_340 = tpu.memref_squeeze %dma_wait3A_339 : memref<1x128xi32, #tpu.memory_space<vmem>> -> memref<128xi32, #tpu.memory_space<vmem>>
        %dma_wait3A_341 = arith.constant 0 : i32
        %dma_wait3A_342 = arith.constant 0 : i32
        %dma_wait3A_343 = tpu.memref_slice %arg22[%dma_wait3A_341, %dma_wait3A_342] : memref<10240x8xf32, #tpu.memory_space<vmem_shared>> -> memref<10240x8xf32, #tpu.memory_space<vmem_shared>>
        tpu.wait_indirect_dma semaphore(%arg40 : memref<!tpu.dma_semaphore, #tpu.memory_space<semaphore_mem>>) src(%arg16 : memref<128x8xf32, #tpu.memory_space<vmem>>) dst(%dma_wait3A_343 : memref<10240x8xf32, #tpu.memory_space<vmem_shared>>)
        %add3A_344 = arith.constant 1 : i32
        %add3A_345 = arith.addi %scan3A_155, %add3A_344 : i32
        %mul3A_346 = arith.constant 8 : i32
        %mul3A_347 = arith.muli %add3A_345, %mul3A_346 : i32
        %add3A_348 = arith.constant 2 : i32
        %add3A_349 = arith.addi %mul3A_347, %add3A_348 : i32
        %dma_start3A_350 = arith.constant 0 : i32
        %dma_start3A_351 = tpu.memref_slice %arg10[%add3A_349, %dma_start3A_350] : memref<80x128xi32, #tpu.memory_space<vmem>> -> memref<1x128xi32, #tpu.memory_space<vmem>>
        %dma_start3A_352 = tpu.memref_squeeze %dma_start3A_351 : memref<1x128xi32, #tpu.memory_space<vmem>> -> memref<128xi32, #tpu.memory_space<vmem>>
        %dma_start3A_353 = arith.constant 0 : i32
        %dma_start3A_354 = arith.constant 0 : i32
        %dma_start3A_355 = tpu.memref_slice %arg23[%dma_start3A_353, %dma_start3A_354] : memref<10240x8xf32, #tpu.memory_space<vmem_shared>> -> memref<10240x8xf32, #tpu.memory_space<vmem_shared>>
        tpu.enqueue_indirect_dma source(%dma_start3A_355 : memref<10240x8xf32, #tpu.memory_space<vmem_shared>>) target(%arg16 : memref<128x8xf32, #tpu.memory_space<vmem>>) offsets(%dma_start3A_352 : memref<128xi32, #tpu.memory_space<vmem>>) semaphore(%arg32 : memref<!tpu.dma_semaphore, #tpu.memory_space<semaphore_mem>>)
        %mul3A_356 = arith.constant 8 : i32
        %mul3A_357 = arith.muli %scan3A_155, %mul3A_356 : i32
        %add3A_358 = arith.constant 3 : i32
        %add3A_359 = arith.addi %mul3A_357, %add3A_358 : i32
        %dma_wait3A_360 = arith.constant 0 : i32
        %dma_wait3A_361 = tpu.memref_slice %arg11[%add3A_359, %dma_wait3A_360] : memref<80x128xi32, #tpu.memory_space<vmem>> -> memref<1x128xi32, #tpu.memory_space<vmem>>
        %dma_wait3A_362 = tpu.memref_squeeze %dma_wait3A_361 : memref<1x128xi32, #tpu.memory_space<vmem>> -> memref<128xi32, #tpu.memory_space<vmem>>
        %dma_wait3A_363 = arith.constant 0 : i32
        %dma_wait3A_364 = arith.constant 0 : i32
        %dma_wait3A_365 = tpu.memref_slice %arg22[%dma_wait3A_363, %dma_wait3A_364] : memref<10240x8xf32, #tpu.memory_space<vmem_shared>> -> memref<10240x8xf32, #tpu.memory_space<vmem_shared>>
        tpu.wait_indirect_dma semaphore(%arg41 : memref<!tpu.dma_semaphore, #tpu.memory_space<semaphore_mem>>) src(%arg17 : memref<128x8xf32, #tpu.memory_space<vmem>>) dst(%dma_wait3A_365 : memref<10240x8xf32, #tpu.memory_space<vmem_shared>>)
        %add3A_366 = arith.constant 1 : i32
        %add3A_367 = arith.addi %scan3A_155, %add3A_366 : i32
        %mul3A_368 = arith.constant 8 : i32
        %mul3A_369 = arith.muli %add3A_367, %mul3A_368 : i32
        %add3A_370 = arith.constant 3 : i32
        %add3A_371 = arith.addi %mul3A_369, %add3A_370 : i32
        %dma_start3A_372 = arith.constant 0 : i32
        %dma_start3A_373 = tpu.memref_slice %arg10[%add3A_371, %dma_start3A_372] : memref<80x128xi32, #tpu.memory_space<vmem>> -> memref<1x128xi32, #tpu.memory_space<vmem>>
        %dma_start3A_374 = tpu.memref_squeeze %dma_start3A_373 : memref<1x128xi32, #tpu.memory_space<vmem>> -> memref<128xi32, #tpu.memory_space<vmem>>
        %dma_start3A_375 = arith.constant 0 : i32
        %dma_start3A_376 = arith.constant 0 : i32
        %dma_start3A_377 = tpu.memref_slice %arg23[%dma_start3A_375, %dma_start3A_376] : memref<10240x8xf32, #tpu.memory_space<vmem_shared>> -> memref<10240x8xf32, #tpu.memory_space<vmem_shared>>
        tpu.enqueue_indirect_dma source(%dma_start3A_377 : memref<10240x8xf32, #tpu.memory_space<vmem_shared>>) target(%arg17 : memref<128x8xf32, #tpu.memory_space<vmem>>) offsets(%dma_start3A_374 : memref<128xi32, #tpu.memory_space<vmem>>) semaphore(%arg33 : memref<!tpu.dma_semaphore, #tpu.memory_space<semaphore_mem>>)
        %mul3A_378 = arith.constant 8 : i32
        %mul3A_379 = arith.muli %scan3A_155, %mul3A_378 : i32
        %add3A_380 = arith.constant 4 : i32
        %add3A_381 = arith.addi %mul3A_379, %add3A_380 : i32
        %dma_wait3A_382 = arith.constant 0 : i32
        %dma_wait3A_383 = tpu.memref_slice %arg11[%add3A_381, %dma_wait3A_382] : memref<80x128xi32, #tpu.memory_space<vmem>> -> memref<1x128xi32, #tpu.memory_space<vmem>>
        %dma_wait3A_384 = tpu.memref_squeeze %dma_wait3A_383 : memref<1x128xi32, #tpu.memory_space<vmem>> -> memref<128xi32, #tpu.memory_space<vmem>>
        %dma_wait3A_385 = arith.constant 0 : i32
        %dma_wait3A_386 = arith.constant 0 : i32
        %dma_wait3A_387 = tpu.memref_slice %arg22[%dma_wait3A_385, %dma_wait3A_386] : memref<10240x8xf32, #tpu.memory_space<vmem_shared>> -> memref<10240x8xf32, #tpu.memory_space<vmem_shared>>
        tpu.wait_indirect_dma semaphore(%arg42 : memref<!tpu.dma_semaphore, #tpu.memory_space<semaphore_mem>>) src(%arg18 : memref<128x8xf32, #tpu.memory_space<vmem>>) dst(%dma_wait3A_387 : memref<10240x8xf32, #tpu.memory_space<vmem_shared>>)
        %add3A_388 = arith.constant 1 : i32
        %add3A_389 = arith.addi %scan3A_155, %add3A_388 : i32
        %mul3A_390 = arith.constant 8 : i32
        %mul3A_391 = arith.muli %add3A_389, %mul3A_390 : i32
        %add3A_392 = arith.constant 4 : i32
        %add3A_393 = arith.addi %mul3A_391, %add3A_392 : i32
        %dma_start3A_394 = arith.constant 0 : i32
        %dma_start3A_395 = tpu.memref_slice %arg10[%add3A_393, %dma_start3A_394] : memref<80x128xi32, #tpu.memory_space<vmem>> -> memref<1x128xi32, #tpu.memory_space<vmem>>
        %dma_start3A_396 = tpu.memref_squeeze %dma_start3A_395 : memref<1x128xi32, #tpu.memory_space<vmem>> -> memref<128xi32, #tpu.memory_space<vmem>>
        %dma_start3A_397 = arith.constant 0 : i32
        %dma_start3A_398 = arith.constant 0 : i32
        %dma_start3A_399 = tpu.memref_slice %arg23[%dma_start3A_397, %dma_start3A_398] : memref<10240x8xf32, #tpu.memory_space<vmem_shared>> -> memref<10240x8xf32, #tpu.memory_space<vmem_shared>>
        tpu.enqueue_indirect_dma source(%dma_start3A_399 : memref<10240x8xf32, #tpu.memory_space<vmem_shared>>) target(%arg18 : memref<128x8xf32, #tpu.memory_space<vmem>>) offsets(%dma_start3A_396 : memref<128xi32, #tpu.memory_space<vmem>>) semaphore(%arg34 : memref<!tpu.dma_semaphore, #tpu.memory_space<semaphore_mem>>)
        %mul3A_400 = arith.constant 8 : i32
        %mul3A_401 = arith.muli %scan3A_155, %mul3A_400 : i32
        %add3A_402 = arith.constant 5 : i32
        %add3A_403 = arith.addi %mul3A_401, %add3A_402 : i32
        %dma_wait3A_404 = arith.constant 0 : i32
        %dma_wait3A_405 = tpu.memref_slice %arg11[%add3A_403, %dma_wait3A_404] : memref<80x128xi32, #tpu.memory_space<vmem>> -> memref<1x128xi32, #tpu.memory_space<vmem>>
        %dma_wait3A_406 = tpu.memref_squeeze %dma_wait3A_405 : memref<1x128xi32, #tpu.memory_space<vmem>> -> memref<128xi32, #tpu.memory_space<vmem>>
        %dma_wait3A_407 = arith.constant 0 : i32
        %dma_wait3A_408 = arith.constant 0 : i32
        %dma_wait3A_409 = tpu.memref_slice %arg22[%dma_wait3A_407, %dma_wait3A_408] : memref<10240x8xf32, #tpu.memory_space<vmem_shared>> -> memref<10240x8xf32, #tpu.memory_space<vmem_shared>>
        tpu.wait_indirect_dma semaphore(%arg43 : memref<!tpu.dma_semaphore, #tpu.memory_space<semaphore_mem>>) src(%arg19 : memref<128x8xf32, #tpu.memory_space<vmem>>) dst(%dma_wait3A_409 : memref<10240x8xf32, #tpu.memory_space<vmem_shared>>)
        %add3A_410 = arith.constant 1 : i32
        %add3A_411 = arith.addi %scan3A_155, %add3A_410 : i32
        %mul3A_412 = arith.constant 8 : i32
        %mul3A_413 = arith.muli %add3A_411, %mul3A_412 : i32
        %add3A_414 = arith.constant 5 : i32
        %add3A_415 = arith.addi %mul3A_413, %add3A_414 : i32
        %dma_start3A_416 = arith.constant 0 : i32
        %dma_start3A_417 = tpu.memref_slice %arg10[%add3A_415, %dma_start3A_416] : memref<80x128xi32, #tpu.memory_space<vmem>> -> memref<1x128xi32, #tpu.memory_space<vmem>>
        %dma_start3A_418 = tpu.memref_squeeze %dma_start3A_417 : memref<1x128xi32, #tpu.memory_space<vmem>> -> memref<128xi32, #tpu.memory_space<vmem>>
        %dma_start3A_419 = arith.constant 0 : i32
        %dma_start3A_420 = arith.constant 0 : i32
        %dma_start3A_421 = tpu.memref_slice %arg23[%dma_start3A_419, %dma_start3A_420] : memref<10240x8xf32, #tpu.memory_space<vmem_shared>> -> memref<10240x8xf32, #tpu.memory_space<vmem_shared>>
        tpu.enqueue_indirect_dma source(%dma_start3A_421 : memref<10240x8xf32, #tpu.memory_space<vmem_shared>>) target(%arg19 : memref<128x8xf32, #tpu.memory_space<vmem>>) offsets(%dma_start3A_418 : memref<128xi32, #tpu.memory_space<vmem>>) semaphore(%arg35 : memref<!tpu.dma_semaphore, #tpu.memory_space<semaphore_mem>>)
        %mul3A_422 = arith.constant 8 : i32
        %mul3A_423 = arith.muli %scan3A_155, %mul3A_422 : i32
        %add3A_424 = arith.constant 6 : i32
        %add3A_425 = arith.addi %mul3A_423, %add3A_424 : i32
        %dma_wait3A_426 = arith.constant 0 : i32
        %dma_wait3A_427 = tpu.memref_slice %arg11[%add3A_425, %dma_wait3A_426] : memref<80x128xi32, #tpu.memory_space<vmem>> -> memref<1x128xi32, #tpu.memory_space<vmem>>
        %dma_wait3A_428 = tpu.memref_squeeze %dma_wait3A_427 : memref<1x128xi32, #tpu.memory_space<vmem>> -> memref<128xi32, #tpu.memory_space<vmem>>
        %dma_wait3A_429 = arith.constant 0 : i32
        %dma_wait3A_430 = arith.constant 0 : i32
        %dma_wait3A_431 = tpu.memref_slice %arg22[%dma_wait3A_429, %dma_wait3A_430] : memref<10240x8xf32, #tpu.memory_space<vmem_shared>> -> memref<10240x8xf32, #tpu.memory_space<vmem_shared>>
        tpu.wait_indirect_dma semaphore(%arg44 : memref<!tpu.dma_semaphore, #tpu.memory_space<semaphore_mem>>) src(%arg20 : memref<128x8xf32, #tpu.memory_space<vmem>>) dst(%dma_wait3A_431 : memref<10240x8xf32, #tpu.memory_space<vmem_shared>>)
        %add3A_432 = arith.constant 1 : i32
        %add3A_433 = arith.addi %scan3A_155, %add3A_432 : i32
        %mul3A_434 = arith.constant 8 : i32
        %mul3A_435 = arith.muli %add3A_433, %mul3A_434 : i32
        %add3A_436 = arith.constant 6 : i32
        %add3A_437 = arith.addi %mul3A_435, %add3A_436 : i32
        %dma_start3A_438 = arith.constant 0 : i32
        %dma_start3A_439 = tpu.memref_slice %arg10[%add3A_437, %dma_start3A_438] : memref<80x128xi32, #tpu.memory_space<vmem>> -> memref<1x128xi32, #tpu.memory_space<vmem>>
        %dma_start3A_440 = tpu.memref_squeeze %dma_start3A_439 : memref<1x128xi32, #tpu.memory_space<vmem>> -> memref<128xi32, #tpu.memory_space<vmem>>
        %dma_start3A_441 = arith.constant 0 : i32
        %dma_start3A_442 = arith.constant 0 : i32
        %dma_start3A_443 = tpu.memref_slice %arg23[%dma_start3A_441, %dma_start3A_442] : memref<10240x8xf32, #tpu.memory_space<vmem_shared>> -> memref<10240x8xf32, #tpu.memory_space<vmem_shared>>
        tpu.enqueue_indirect_dma source(%dma_start3A_443 : memref<10240x8xf32, #tpu.memory_space<vmem_shared>>) target(%arg20 : memref<128x8xf32, #tpu.memory_space<vmem>>) offsets(%dma_start3A_440 : memref<128xi32, #tpu.memory_space<vmem>>) semaphore(%arg36 : memref<!tpu.dma_semaphore, #tpu.memory_space<semaphore_mem>>)
        %mul3A_444 = arith.constant 8 : i32
        %mul3A_445 = arith.muli %scan3A_155, %mul3A_444 : i32
        %add3A_446 = arith.constant 7 : i32
        %add3A_447 = arith.addi %mul3A_445, %add3A_446 : i32
        %dma_wait3A_448 = arith.constant 0 : i32
        %dma_wait3A_449 = tpu.memref_slice %arg11[%add3A_447, %dma_wait3A_448] : memref<80x128xi32, #tpu.memory_space<vmem>> -> memref<1x128xi32, #tpu.memory_space<vmem>>
        %dma_wait3A_450 = tpu.memref_squeeze %dma_wait3A_449 : memref<1x128xi32, #tpu.memory_space<vmem>> -> memref<128xi32, #tpu.memory_space<vmem>>
        %dma_wait3A_451 = arith.constant 0 : i32
        %dma_wait3A_452 = arith.constant 0 : i32
        %dma_wait3A_453 = tpu.memref_slice %arg22[%dma_wait3A_451, %dma_wait3A_452] : memref<10240x8xf32, #tpu.memory_space<vmem_shared>> -> memref<10240x8xf32, #tpu.memory_space<vmem_shared>>
        tpu.wait_indirect_dma semaphore(%arg45 : memref<!tpu.dma_semaphore, #tpu.memory_space<semaphore_mem>>) src(%arg21 : memref<128x8xf32, #tpu.memory_space<vmem>>) dst(%dma_wait3A_453 : memref<10240x8xf32, #tpu.memory_space<vmem_shared>>)
        %add3A_454 = arith.constant 1 : i32
        %add3A_455 = arith.addi %scan3A_155, %add3A_454 : i32
        %mul3A_456 = arith.constant 8 : i32
        %mul3A_457 = arith.muli %add3A_455, %mul3A_456 : i32
        %add3A_458 = arith.constant 7 : i32
        %add3A_459 = arith.addi %mul3A_457, %add3A_458 : i32
        %dma_start3A_460 = arith.constant 0 : i32
        %dma_start3A_461 = tpu.memref_slice %arg10[%add3A_459, %dma_start3A_460] : memref<80x128xi32, #tpu.memory_space<vmem>> -> memref<1x128xi32, #tpu.memory_space<vmem>>
        %dma_start3A_462 = tpu.memref_squeeze %dma_start3A_461 : memref<1x128xi32, #tpu.memory_space<vmem>> -> memref<128xi32, #tpu.memory_space<vmem>>
        %dma_start3A_463 = arith.constant 0 : i32
        %dma_start3A_464 = arith.constant 0 : i32
        %dma_start3A_465 = tpu.memref_slice %arg23[%dma_start3A_463, %dma_start3A_464] : memref<10240x8xf32, #tpu.memory_space<vmem_shared>> -> memref<10240x8xf32, #tpu.memory_space<vmem_shared>>
        tpu.enqueue_indirect_dma source(%dma_start3A_465 : memref<10240x8xf32, #tpu.memory_space<vmem_shared>>) target(%arg21 : memref<128x8xf32, #tpu.memory_space<vmem>>) offsets(%dma_start3A_462 : memref<128xi32, #tpu.memory_space<vmem>>) semaphore(%arg37 : memref<!tpu.dma_semaphore, #tpu.memory_space<semaphore_mem>>)
      } else {
      }
    }
    %scan3A_98 = arith.constant 10 : i32
    %dma_wait3A = arith.constant 72 : i32
    %dma_wait3A_99 = arith.constant 0 : i32
    %dma_wait3A_100 = tpu.memref_slice %arg11[%dma_wait3A, %dma_wait3A_99] : memref<80x128xi32, #tpu.memory_space<vmem>> -> memref<1x128xi32, #tpu.memory_space<vmem>>
    %dma_wait3A_101 = tpu.memref_squeeze %dma_wait3A_100 : memref<1x128xi32, #tpu.memory_space<vmem>> -> memref<128xi32, #tpu.memory_space<vmem>>
    %dma_wait3A_102 = arith.constant 0 : i32
    %dma_wait3A_103 = arith.constant 0 : i32
    %dma_wait3A_104 = tpu.memref_slice %arg22[%dma_wait3A_102, %dma_wait3A_103] : memref<10240x8xf32, #tpu.memory_space<vmem_shared>> -> memref<10240x8xf32, #tpu.memory_space<vmem_shared>>
    tpu.wait_indirect_dma semaphore(%arg38 : memref<!tpu.dma_semaphore, #tpu.memory_space<semaphore_mem>>) src(%arg14 : memref<128x8xf32, #tpu.memory_space<vmem>>) dst(%dma_wait3A_104 : memref<10240x8xf32, #tpu.memory_space<vmem_shared>>)
    %dma_wait3A_105 = arith.constant 73 : i32
    %dma_wait3A_106 = arith.constant 0 : i32
    %dma_wait3A_107 = tpu.memref_slice %arg11[%dma_wait3A_105, %dma_wait3A_106] : memref<80x128xi32, #tpu.memory_space<vmem>> -> memref<1x128xi32, #tpu.memory_space<vmem>>
    %dma_wait3A_108 = tpu.memref_squeeze %dma_wait3A_107 : memref<1x128xi32, #tpu.memory_space<vmem>> -> memref<128xi32, #tpu.memory_space<vmem>>
    %dma_wait3A_109 = arith.constant 0 : i32
    %dma_wait3A_110 = arith.constant 0 : i32
    %dma_wait3A_111 = tpu.memref_slice %arg22[%dma_wait3A_109, %dma_wait3A_110] : memref<10240x8xf32, #tpu.memory_space<vmem_shared>> -> memref<10240x8xf32, #tpu.memory_space<vmem_shared>>
    tpu.wait_indirect_dma semaphore(%arg39 : memref<!tpu.dma_semaphore, #tpu.memory_space<semaphore_mem>>) src(%arg15 : memref<128x8xf32, #tpu.memory_space<vmem>>) dst(%dma_wait3A_111 : memref<10240x8xf32, #tpu.memory_space<vmem_shared>>)
    %dma_wait3A_112 = arith.constant 74 : i32
    %dma_wait3A_113 = arith.constant 0 : i32
    %dma_wait3A_114 = tpu.memref_slice %arg11[%dma_wait3A_112, %dma_wait3A_113] : memref<80x128xi32, #tpu.memory_space<vmem>> -> memref<1x128xi32, #tpu.memory_space<vmem>>
    %dma_wait3A_115 = tpu.memref_squeeze %dma_wait3A_114 : memref<1x128xi32, #tpu.memory_space<vmem>> -> memref<128xi32, #tpu.memory_space<vmem>>
    %dma_wait3A_116 = arith.constant 0 : i32
    %dma_wait3A_117 = arith.constant 0 : i32
    %dma_wait3A_118 = tpu.memref_slice %arg22[%dma_wait3A_116, %dma_wait3A_117] : memref<10240x8xf32, #tpu.memory_space<vmem_shared>> -> memref<10240x8xf32, #tpu.memory_space<vmem_shared>>
    tpu.wait_indirect_dma semaphore(%arg40 : memref<!tpu.dma_semaphore, #tpu.memory_space<semaphore_mem>>) src(%arg16 : memref<128x8xf32, #tpu.memory_space<vmem>>) dst(%dma_wait3A_118 : memref<10240x8xf32, #tpu.memory_space<vmem_shared>>)
    %dma_wait3A_119 = arith.constant 75 : i32
    %dma_wait3A_120 = arith.constant 0 : i32
    %dma_wait3A_121 = tpu.memref_slice %arg11[%dma_wait3A_119, %dma_wait3A_120] : memref<80x128xi32, #tpu.memory_space<vmem>> -> memref<1x128xi32, #tpu.memory_space<vmem>>
    %dma_wait3A_122 = tpu.memref_squeeze %dma_wait3A_121 : memref<1x128xi32, #tpu.memory_space<vmem>> -> memref<128xi32, #tpu.memory_space<vmem>>
    %dma_wait3A_123 = arith.constant 0 : i32
    %dma_wait3A_124 = arith.constant 0 : i32
    %dma_wait3A_125 = tpu.memref_slice %arg22[%dma_wait3A_123, %dma_wait3A_124] : memref<10240x8xf32, #tpu.memory_space<vmem_shared>> -> memref<10240x8xf32, #tpu.memory_space<vmem_shared>>
    tpu.wait_indirect_dma semaphore(%arg41 : memref<!tpu.dma_semaphore, #tpu.memory_space<semaphore_mem>>) src(%arg17 : memref<128x8xf32, #tpu.memory_space<vmem>>) dst(%dma_wait3A_125 : memref<10240x8xf32, #tpu.memory_space<vmem_shared>>)
    %dma_wait3A_126 = arith.constant 76 : i32
    %dma_wait3A_127 = arith.constant 0 : i32
    %dma_wait3A_128 = tpu.memref_slice %arg11[%dma_wait3A_126, %dma_wait3A_127] : memref<80x128xi32, #tpu.memory_space<vmem>> -> memref<1x128xi32, #tpu.memory_space<vmem>>
    %dma_wait3A_129 = tpu.memref_squeeze %dma_wait3A_128 : memref<1x128xi32, #tpu.memory_space<vmem>> -> memref<128xi32, #tpu.memory_space<vmem>>
    %dma_wait3A_130 = arith.constant 0 : i32
    %dma_wait3A_131 = arith.constant 0 : i32
    %dma_wait3A_132 = tpu.memref_slice %arg22[%dma_wait3A_130, %dma_wait3A_131] : memref<10240x8xf32, #tpu.memory_space<vmem_shared>> -> memref<10240x8xf32, #tpu.memory_space<vmem_shared>>
    tpu.wait_indirect_dma semaphore(%arg42 : memref<!tpu.dma_semaphore, #tpu.memory_space<semaphore_mem>>) src(%arg18 : memref<128x8xf32, #tpu.memory_space<vmem>>) dst(%dma_wait3A_132 : memref<10240x8xf32, #tpu.memory_space<vmem_shared>>)
    %dma_wait3A_133 = arith.constant 77 : i32
    %dma_wait3A_134 = arith.constant 0 : i32
    %dma_wait3A_135 = tpu.memref_slice %arg11[%dma_wait3A_133, %dma_wait3A_134] : memref<80x128xi32, #tpu.memory_space<vmem>> -> memref<1x128xi32, #tpu.memory_space<vmem>>
    %dma_wait3A_136 = tpu.memref_squeeze %dma_wait3A_135 : memref<1x128xi32, #tpu.memory_space<vmem>> -> memref<128xi32, #tpu.memory_space<vmem>>
    %dma_wait3A_137 = arith.constant 0 : i32
    %dma_wait3A_138 = arith.constant 0 : i32
    %dma_wait3A_139 = tpu.memref_slice %arg22[%dma_wait3A_137, %dma_wait3A_138] : memref<10240x8xf32, #tpu.memory_space<vmem_shared>> -> memref<10240x8xf32, #tpu.memory_space<vmem_shared>>
    tpu.wait_indirect_dma semaphore(%arg43 : memref<!tpu.dma_semaphore, #tpu.memory_space<semaphore_mem>>) src(%arg19 : memref<128x8xf32, #tpu.memory_space<vmem>>) dst(%dma_wait3A_139 : memref<10240x8xf32, #tpu.memory_space<vmem_shared>>)
    %dma_wait3A_140 = arith.constant 78 : i32
    %dma_wait3A_141 = arith.constant 0 : i32
    %dma_wait3A_142 = tpu.memref_slice %arg11[%dma_wait3A_140, %dma_wait3A_141] : memref<80x128xi32, #tpu.memory_space<vmem>> -> memref<1x128xi32, #tpu.memory_space<vmem>>
    %dma_wait3A_143 = tpu.memref_squeeze %dma_wait3A_142 : memref<1x128xi32, #tpu.memory_space<vmem>> -> memref<128xi32, #tpu.memory_space<vmem>>
    %dma_wait3A_144 = arith.constant 0 : i32
    %dma_wait3A_145 = arith.constant 0 : i32
    %dma_wait3A_146 = tpu.memref_slice %arg22[%dma_wait3A_144, %dma_wait3A_145] : memref<10240x8xf32, #tpu.memory_space<vmem_shared>> -> memref<10240x8xf32, #tpu.memory_space<vmem_shared>>
    tpu.wait_indirect_dma semaphore(%arg44 : memref<!tpu.dma_semaphore, #tpu.memory_space<semaphore_mem>>) src(%arg20 : memref<128x8xf32, #tpu.memory_space<vmem>>) dst(%dma_wait3A_146 : memref<10240x8xf32, #tpu.memory_space<vmem_shared>>)
    %dma_wait3A_147 = arith.constant 79 : i32
    %dma_wait3A_148 = arith.constant 0 : i32
    %dma_wait3A_149 = tpu.memref_slice %arg11[%dma_wait3A_147, %dma_wait3A_148] : memref<80x128xi32, #tpu.memory_space<vmem>> -> memref<1x128xi32, #tpu.memory_space<vmem>>
    %dma_wait3A_150 = tpu.memref_squeeze %dma_wait3A_149 : memref<1x128xi32, #tpu.memory_space<vmem>> -> memref<128xi32, #tpu.memory_space<vmem>>
    %dma_wait3A_151 = arith.constant 0 : i32
    %dma_wait3A_152 = arith.constant 0 : i32
    %dma_wait3A_153 = tpu.memref_slice %arg22[%dma_wait3A_151, %dma_wait3A_152] : memref<10240x8xf32, #tpu.memory_space<vmem_shared>> -> memref<10240x8xf32, #tpu.memory_space<vmem_shared>>
    tpu.wait_indirect_dma semaphore(%arg45 : memref<!tpu.dma_semaphore, #tpu.memory_space<semaphore_mem>>) src(%arg21 : memref<128x8xf32, #tpu.memory_space<vmem>>) dst(%dma_wait3A_153 : memref<10240x8xf32, #tpu.memory_space<vmem_shared>>)
    %barrier3A_154 = arith.constant 0 : index
    tpu.barrier barrier_id(%barrier3A_154)
    "tpu.region"() ({
      %run_scoped3A = tpu.sem_alloc : memref<!tpu.dma_semaphore, #tpu.memory_space<semaphore_mem>>
      %dma_start3A_155 = arith.constant 0 : i32
      %dma_start3A_156 = tpu.memref_slice %arg7[%arg0, %mul3A_2, %dma_start3A_155] : memref<2x10240x8xf32, #tpu.memory_space<hbm>> -> memref<1x640x8xf32, #tpu.memory_space<hbm>>
      %dma_start3A_157 = tpu.memref_squeeze %dma_start3A_156 : memref<1x640x8xf32, #tpu.memory_space<hbm>> -> memref<640x8xf32, #tpu.memory_space<hbm>>
      %dma_start3A_158 = arith.constant 0 : i32
      %dma_start3A_159 = tpu.memref_slice %arg22[%mul3A_2, %dma_start3A_158] : memref<10240x8xf32, #tpu.memory_space<vmem_shared>> -> memref<640x8xf32, #tpu.memory_space<vmem_shared>>
      tpu.enqueue_dma source(%dma_start3A_159 : memref<640x8xf32, #tpu.memory_space<vmem_shared>>) target(%dma_start3A_157 : memref<640x8xf32, #tpu.memory_space<hbm>>) target_semaphore(%run_scoped3A : memref<!tpu.dma_semaphore, #tpu.memory_space<semaphore_mem>>)
      %dma_wait3A_160 = arith.constant 0 : i32
      %dma_wait3A_161 = tpu.memref_slice %arg7[%arg0, %mul3A_2, %dma_wait3A_160] : memref<2x10240x8xf32, #tpu.memory_space<hbm>> -> memref<1x640x8xf32, #tpu.memory_space<hbm>>
      %dma_wait3A_162 = tpu.memref_squeeze %dma_wait3A_161 : memref<1x640x8xf32, #tpu.memory_space<hbm>> -> memref<640x8xf32, #tpu.memory_space<hbm>>
      %dma_wait3A_163 = arith.constant 0 : i32
      %dma_wait3A_164 = tpu.memref_slice %arg22[%mul3A_2, %dma_wait3A_163] : memref<10240x8xf32, #tpu.memory_space<vmem_shared>> -> memref<640x8xf32, #tpu.memory_space<vmem_shared>>
      tpu.wait_dma2 semaphore(%run_scoped3A : memref<!tpu.dma_semaphore, #tpu.memory_space<semaphore_mem>>) src(%dma_wait3A_164 : memref<640x8xf32, #tpu.memory_space<vmem_shared>>) dst(%dma_wait3A_162 : memref<640x8xf32, #tpu.memory_space<hbm>>)
      tpu.yield
    }) : () -> ()
    return
  }
}

module attributes {stable_mosaic.version = 14 : i64} {
  func.func @body(%arg0: i32, %arg1: memref<2000x128xf32, #tpu.memory_space<vmem>>, %arg2: memref<128x8xf32, #tpu.memory_space<vmem>>, %arg3: memref<2000x8xf32, #tpu.memory_space<vmem>>) attributes {dimension_semantics = [#tpu.dimension_semantics<arbitrary>], iteration_bounds = array<i64: 5>, scalar_prefetch = 0 : i64, scratch_operands = 0 : i64, tpu.core_type = #tpu.core_type<tc>, window_params = [{transform_indices = @transform_0, window_bounds = array<i64: 2000, 128>}, {pipeline_mode = #tpu.pipeline_mode<synchronous>, transform_indices = @transform_1, window_bounds = array<i64: 128, 8>}, {transform_indices = @transform_2, window_bounds = array<i64: 2000, 8>}]} {
    %get3A = arith.constant 0 : index
    %get3A_0 = arith.constant 0 : index
    %get3A_1 = vector.load %arg1[%get3A, %get3A_0] : memref<2000x128xf32, #tpu.memory_space<vmem>>, vector<2000x128xf32>
    %get3A_2 = arith.constant 0 : index
    %get3A_3 = arith.constant 0 : index
    %get3A_4 = vector.load %arg2[%get3A_2, %get3A_3] : memref<128x8xf32, #tpu.memory_space<vmem>>, vector<128x8xf32>
    %dot_general3A = arith.constant dense<0.000000e+00> : vector<2000x8xf32>
    %dot_general3A_5 = tpu.matmul %get3A_1, %get3A_4, %dot_general3A {dimension_numbers = #tpu.dot_dimension_numbers<[1], [0], [0], [1], [0, 0, 1, 1], [], []>, transpose_lhs_hint = false} : vector<2000x128xf32>, vector<128x8xf32>, vector<2000x8xf32> -> vector<2000x8xf32>
    %swap3A = arith.constant 0 : index
    %swap3A_6 = arith.constant 0 : index
    %swap3A_7 = vector.load %arg3[%swap3A, %swap3A_6] : memref<2000x8xf32, #tpu.memory_space<vmem>>, vector<2000x8xf32>
    tpu.vector_store %arg3[%swap3A, %swap3A_6], %dot_general3A_5 {strides = array<i32>} : memref<2000x8xf32, #tpu.memory_space<vmem>>, vector<2000x8xf32>,
    return
  }
  func.func @transform_0(%arg0: i32) -> (i32, i32) {
    %c0_i32 = arith.constant 0 : i32
    %c0_i32_0 = arith.constant 0 : i32
    return %arg0, %c0_i32 : i32, i32
  }
  func.func @transform_1(%arg0: i32) -> (i32, i32) {
    %c0_i32 = arith.constant 0 : i32
    %c0_i32_0 = arith.constant 0 : i32
    %c0_i32_1 = arith.constant 0 : i32
    return %c0_i32, %c0_i32_0 : i32, i32
  }
  func.func @transform_2(%arg0: i32) -> (i32, i32) {
    %c0_i32 = arith.constant 0 : i32
    %c0_i32_0 = arith.constant 0 : i32
    return %arg0, %c0_i32 : i32, i32
  }
}

module attributes {stable_mosaic.version = 14 : i64} {
  func.func @body(%arg0: i32, %arg1: memref<2000x8xf32, #tpu.memory_space<vmem>>, %arg2: memref<2000x8xf32, #tpu.memory_space<vmem>>, %arg3: memref<2000x8xf32, #tpu.memory_space<vmem>>, %arg4: memref<2000x1xf32, #tpu.memory_space<vmem>>, %arg5: memref<8x128xf32, #tpu.memory_space<vmem>>, %arg6: memref<1x128xf32, #tpu.memory_space<vmem>>, %arg7: memref<2000x128xf32, #tpu.memory_space<vmem>>) attributes {dimension_semantics = [#tpu.dimension_semantics<arbitrary>], iteration_bounds = array<i64: 5>, scalar_prefetch = 0 : i64, scratch_operands = 0 : i64, tpu.core_type = #tpu.core_type<tc>, window_params = [{transform_indices = @transform_0, window_bounds = array<i64: 2000, 8>}, {transform_indices = @transform_1, window_bounds = array<i64: 2000, 8>}, {transform_indices = @transform_2, window_bounds = array<i64: 2000, 8>}, {transform_indices = @transform_3, window_bounds = array<i64: 2000, 1>}, {pipeline_mode = #tpu.pipeline_mode<synchronous>, transform_indices = @transform_4, window_bounds = array<i64: 8, 128>}, {pipeline_mode = #tpu.pipeline_mode<synchronous>, transform_indices = @transform_5, window_bounds = array<i64: 1, 128>}, {transform_indices = @transform_6, window_bounds = array<i64: 2000, 128>}]} {
    %get3A = arith.constant 0 : index
    %get3A_0 = arith.constant 0 : index
    %get3A_1 = vector.load %arg4[%get3A, %get3A_0] : memref<2000x1xf32, #tpu.memory_space<vmem>>, vector<2000x1xf32>
    %get3A_2 = arith.constant 0 : index
    %get3A_3 = arith.constant 0 : index
    %get3A_4 = vector.load %arg1[%get3A_2, %get3A_3] : memref<2000x8xf32, #tpu.memory_space<vmem>>, vector<2000x8xf32>
    %get3A_5 = arith.constant 0 : index
    %get3A_6 = arith.constant 0 : index
    %get3A_7 = vector.load %arg2[%get3A_5, %get3A_6] : memref<2000x8xf32, #tpu.memory_space<vmem>>, vector<2000x8xf32>
    %add3A = arith.addf %get3A_4, %get3A_7 : vector<2000x8xf32>
    %get3A_8 = arith.constant 0 : index
    %get3A_9 = arith.constant 0 : index
    %get3A_10 = vector.load %arg3[%get3A_8, %get3A_9] : memref<2000x8xf32, #tpu.memory_space<vmem>>, vector<2000x8xf32>
    %add3A_11 = arith.addf %add3A, %get3A_10 : vector<2000x8xf32>
    %mul3A = vector.broadcast %get3A_1 : vector<2000x1xf32> to vector<2000x8xf32>
    %mul3A_12 = arith.mulf %mul3A, %add3A_11 : vector<2000x8xf32>
    %get3A_13 = arith.constant 0 : index
    %get3A_14 = arith.constant 0 : index
    %get3A_15 = vector.load %arg5[%get3A_13, %get3A_14] : memref<8x128xf32, #tpu.memory_space<vmem>>, vector<8x128xf32>
    %dot_general3A = arith.constant dense<0.000000e+00> : vector<2000x128xf32>
    %dot_general3A_16 = tpu.matmul %mul3A_12, %get3A_15, %dot_general3A {dimension_numbers = #tpu.dot_dimension_numbers<[1], [0], [0], [1], [0, 0, 1, 1], [], []>, transpose_lhs_hint = false} : vector<2000x8xf32>, vector<8x128xf32>, vector<2000x128xf32> -> vector<2000x128xf32>
    %get3A_17 = arith.constant 0 : index
    %get3A_18 = arith.constant 0 : index
    %get3A_19 = vector.load %arg6[%get3A_17, %get3A_18] : memref<1x128xf32, #tpu.memory_space<vmem>>, vector<1x128xf32>
    %add3A_20 = vector.broadcast %get3A_19 : vector<1x128xf32> to vector<2000x128xf32>
    %add3A_21 = arith.addf %dot_general3A_16, %add3A_20 : vector<2000x128xf32>
    %swap3A = arith.constant 0 : index
    %swap3A_22 = arith.constant 0 : index
    %swap3A_23 = vector.load %arg7[%swap3A, %swap3A_22] : memref<2000x128xf32, #tpu.memory_space<vmem>>, vector<2000x128xf32>
    tpu.vector_store %arg7[%swap3A, %swap3A_22], %add3A_21 {strides = array<i32>} : memref<2000x128xf32, #tpu.memory_space<vmem>>, vector<2000x128xf32>,
    return
  }
  func.func @transform_0(%arg0: i32) -> (i32, i32) {
    %c0_i32 = arith.constant 0 : i32
    %c0_i32_0 = arith.constant 0 : i32
    return %arg0, %c0_i32 : i32, i32
  }
  func.func @transform_1(%arg0: i32) -> (i32, i32) {
    %c0_i32 = arith.constant 0 : i32
    %c0_i32_0 = arith.constant 0 : i32
    return %arg0, %c0_i32 : i32, i32
  }
  func.func @transform_2(%arg0: i32) -> (i32, i32) {
    %c0_i32 = arith.constant 0 : i32
    %c0_i32_0 = arith.constant 0 : i32
    return %arg0, %c0_i32 : i32, i32
  }
  func.func @transform_3(%arg0: i32) -> (i32, i32) {
    %c0_i32 = arith.constant 0 : i32
    %c0_i32_0 = arith.constant 0 : i32
    return %arg0, %c0_i32 : i32, i32
  }
  func.func @transform_4(%arg0: i32) -> (i32, i32) {
    %c0_i32 = arith.constant 0 : i32
    %c0_i32_0 = arith.constant 0 : i32
    %c0_i32_1 = arith.constant 0 : i32
    return %c0_i32, %c0_i32_0 : i32, i32
  }
  func.func @transform_5(%arg0: i32) -> (i32, i32) {
    %c0_i32 = arith.constant 0 : i32
    %c0_i32_0 = arith.constant 0 : i32
    %c0_i32_1 = arith.constant 0 : i32
    return %c0_i32, %c0_i32_0 : i32, i32
  }
  func.func @transform_6(%arg0: i32) -> (i32, i32) {
    %c0_i32 = arith.constant 0 : i32
    %c0_i32_0 = arith.constant 0 : i32
    return %arg0, %c0_i32 : i32, i32
  }
}

</mosaic_0001>

<sc_bundles>
// kernel: kernel.6.cloned.1.call-start
scs
__scs_entry_jumppad:
0x0: {  	(pc) =	sbr.rel $0x88, $3  }
0x1: {  	(tag) =	ssettag $0x0;
	lr =	simm.s32 $0x1  }
0x2: {  	[smem:$0x3F9B] =	sst lr;
	_ =	strace $0xD0000000  }
0x3: {  	_ = 	snop  }
0x4: {  	_ = 	snop  }
0x5: {  	_ = 	snop  }
0x6: {  	_ = 	snop  }
0x7: {  	_ = 	snop  }
__scs_overlays_trampoline_lowered:
0x8: {  	[smem:$0x3FAA] =	sst s0  }
0x9: {  	[smem:$0x3FAB] =	sst s1  }
0xa: {  	[smem:$0x3FAC] =	sst s2  }
0xb: {  	[smem:$0x3FAD] =	sst s3  }
0xc: {  	[smem:$0x3FAE] =	sst s4  }
0xd: {  	[smem:$0x3FAF] =	sst s5  }
0xe: {  	[smem:$0x3FB0] =	sst s6  }
0xf: {  	[smem:$0x3FB1] =	sst s7  }
0x10: {  	[smem:$0x3FB2] =	sst s8  }
0x11: {  	[smem:$0x3FB3] =	sst s9;
	s0 =	simm.s32 @!p0 $0x0  }
0x12: {  	s1 =	sld [smem:$0x3F99];
	s0 =	simm.s32 @p0 $0x1  }
0x13: {  	[smem:$0x3FB4] =	sst s0;
	s0 =	simm.s32 @!p1 $0x0  }
0x14: {  	s2 =	sld [smem:$0x3F98];
	s0 =	simm.s32 @p1 $0x1  }
0x15: {  	[smem:$0x3FB5] =	sst s0;
	s0 =	simm.s32 @!p2 $0x0  }
0x16: {  	s3 =	sld [smem:$0x3FDB];
	s0 =	simm.s32 @p2 $0x1  }
0x17: {  	s4 =	simm.s32 $0x1BF5;
	[smem:$0x3FB7] =	sst s0  }
0x18: {  	s0 =	sld [smem:$0x3F9A];
	_ =	swait.ge [sflag:s4], $0x0  }
0x19: {  	s7 =	sld [smem:$0x3F9B]  }
0x1a: {  	s8 =	sadd.s32 $0xFFFFE003, lr  }
0x1b: {  	s9 =	sadd.s32 $0xFFFFFEF7, lr;
	s5 =	simm.s32 $0xFFFFFFFF;
	p2 =	slt.u32 s8, $0xFFFFF086  }
0x1c: {  	p1 =	slt.u32 s9, $0xF7A;
	s5 =	simm.s32 @!p2 $0x0  }
0x1d: {  	s5 =	simm.s32 @p1 $0x1;
	p0 =	seq.s32 s7, s2  }
0x1e: {  	s7 =	smul.u32 @!p0 $0xF7A, s2;
	p2 =	seq.s32 @!p0 s5, $0x0  }
0x1f: {  	s9 =	smul.u32 $0xF7A, s1;
	s8 =	simm.s32 @!p0 $0x1BF5;
	p2 =	por !p2, p0  }
0x20: {  	[sflag:s8] =	ssyncset.s32 @!p0 $0xFFFFF086;
	s6 =	sadd.s32 @!p0 s3, s7;
	s7 =	simm.s32 @!p0 $0x108  }
0x21: {  	s3 =	sadd.s32 s3, s9;
	s6 =	sadd.s32 @!p0 $0x88, s6;
	s7 =	simm.s32 @p2 $0x1082  }
0x22: {  	[simem:s7], [sflag:s8] =	dma.local @!p0 [hbm:s6], $0xF7A  }
0x23: {  	s9 =	sor.u32 $0xD0000000, s2;
	s6 =	simm.s32 $0x108;
	_ =	swait.ge @!p0 [sflag:s8], $0x0  }
0x24: {  	s3 =	sadd.s32 $0x88, s3;
	s6 =	simm.s32 @!p1 $0x1082;
	[sflag:s4] =	ssyncset.s32 $0xFFFFF086  }
0x25: {  	[simem:s6], [sflag:s4] =	dma.local [hbm:s3], $0xF7A  }
0x26: {  	[smem:$0x3F9B] =	sst s1;
	(tag) =	ssettag s2;
	_ =	strace s9  }
0x27: {  	s1 =	sld [smem:$0x3FAB]  }
0x28: {  	s2 =	sld [smem:$0x3FAC]  }
0x29: {  	s4 =	sld [smem:$0x3FAE]  }
0x2a: {  	p0 =	seq.s32 s5, $0x0;
	s5 =	sld [smem:$0x3FAF]  }
0x2b: {  	s6 =	sld [smem:$0x3FB0]  }
0x2c: {  	s7 =	sld [smem:$0x3FB1]  }
0x2d: {  	s3 =	simm.s32 $0x108;
	s8 =	sld [smem:$0x3FB2]  }
0x2e: {  	s3 =	simm.s32 @!p0 $0x1082;
	s9 =	sld [smem:$0x3FB3]  }
0x2f: {  	lr =	sadd.s32 s0, s3;
	s0 =	sld [smem:$0x3FAA]  }
0x30: {  	s3 =	sld [smem:$0x3FAD]  }
0x31: {  	[smem:$0x3FB6] =	sst s10  }
0x32: {  	s10 =	sld [smem:$0x3FB4];
	_ =	sdelay $0x3  }
0x33: {  	p0 =	seq.s32 s10, $0x1;
	s10 =	sld [smem:$0x3FB6];
	_ =	sdelay $0x3  }
0x34: {  	[smem:$0x3FB6] =	sst s10  }
0x35: {  	s10 =	sld [smem:$0x3FB5];
	_ =	sdelay $0x3  }
0x36: {  	p1 =	seq.s32 s10, $0x1;
	s10 =	sld [smem:$0x3FB6];
	_ =	sdelay $0x3  }
0x37: {  	[smem:$0x3FB6] =	sst s10  }
0x38: {  	s10 =	sld [smem:$0x3FB7]  }
0x39: {  	_ = 	snop;
	(pc) =	sbr.ind lr, $3  }
0x3a: {  	_ = 	snop  }
0x3b: {  	_ = 	snop  }
0x3c: {  	p2 =	seq.s32 s10, $0x1;
	s10 =	sld [smem:$0x3FB6]  }
0x3d: {  	_ =	shalt  }
0x3e: {  	_ =	shalt  }
0x3f: {  	_ =	shalt  }
0x40: {  	_ =	shalt  }
0x41: {  	_ =	shalt  }
0x42: {  	_ =	shalt  }
0x43: {  	_ =	shalt  }
0x44: {  	_ =	shalt  }
0x45: {  	_ =	shalt  }
0x46: {  	_ =	shalt  }
0x47: {  	_ =	shalt  }
0x48: {  	_ =	shalt  }
0x49: {  	_ =	shalt  }
0x4a: {  	_ =	shalt  }
0x4b: {  	_ =	shalt  }
0x4c: {  	_ =	shalt  }
0x4d: {  	_ =	shalt  }
0x4e: {  	_ =	shalt  }
0x4f: {  	_ =	shalt  }
0x50: {  	_ =	shalt  }
0x51: {  	_ =	shalt  }
0x52: {  	_ =	shalt  }
0x53: {  	_ =	shalt  }
0x54: {  	_ =	shalt  }
0x55: {  	_ =	shalt  }
0x56: {  	_ =	shalt  }
0x57: {  	_ =	shalt  }
0x58: {  	_ =	shalt  }
0x59: {  	_ =	shalt  }
0x5a: {  	_ =	shalt  }
0x5b: {  	_ =	shalt  }
0x5c: {  	_ =	shalt  }
0x5d: {  	_ =	shalt  }
0x5e: {  	_ =	shalt  }
0x5f: {  	_ =	shalt  }
0x60: {  	_ =	shalt  }
0x61: {  	_ =	shalt  }
0x62: {  	_ =	shalt  }
0x63: {  	_ =	shalt  }
0x64: {  	_ =	shalt  }
0x65: {  	_ =	shalt  }
0x66: {  	_ =	shalt  }
0x67: {  	_ =	shalt  }
0x68: {  	_ =	shalt  }
0x69: {  	_ =	shalt  }
0x6a: {  	_ =	shalt  }
0x6b: {  	_ =	shalt  }
0x6c: {  	_ =	shalt  }
0x6d: {  	_ =	shalt  }
0x6e: {  	_ =	shalt  }
0x6f: {  	_ =	shalt  }
0x70: {  	_ =	shalt  }
0x71: {  	_ =	shalt  }
0x72: {  	_ =	shalt  }
0x73: {  	_ =	shalt  }
0x74: {  	_ =	shalt  }
0x75: {  	_ =	shalt  }
0x76: {  	_ =	shalt  }
0x77: {  	_ =	shalt  }
0x78: {  	_ =	shalt  }
0x79: {  	_ =	shalt  }
0x7a: {  	_ =	shalt  }
0x7b: {  	_ =	shalt  }
0x7c: {  	_ =	shalt  }
0x7d: {  	_ =	shalt  }
0x7e: {  	_ =	shalt  }
0x7f: {  	_ =	shalt  }
0x80: {  	_ =	shalt  }
0x81: {  	_ =	shalt  }
0x82: {  	_ =	shalt  }
0x83: {  	_ =	shalt  }
0x84: {  	_ =	shalt  }
0x85: {  	_ =	shalt  }
0x86: {  	_ =	shalt  }
0x87: {  	_ =	shalt  }
.Lfunc_end0:
.L_simem_size_0:
called_computation_lowered:
.L_overlay_start_0:
0x88: {  	s2 =	sld [smem:$0x3FD9]  }
0x89: {  	s3 =	sld [smem:$0x3FFE];
	_ =	sdelay $0x1  }
0x8a: {  	s1 =	srdreg.scid  }
0x8b: {  	s0 =	sand.u32 $0x1, s1  }
0x8c: {  	s17 =	sshll.u32 s0, $0xA;
	s2 =	sadd.s32 s3, s2  }
0x8d: {  	s2 =	sadd.s32 s2, s17  }
0x8e: {  	[smem:$0x3FC2] =	sst s2  }
0x8f: {  	_ = 	snop  }
0x90: {  	s2 =	sld [smem:$0x3FD0];
	(tm) =	ssettm $0x1  }
0x91: {  	s18 =	sld [smem:$0x3FFB];
	_ =	sdelay $0x3  }
0x92: {  	_ =	strace s18  }
0x93: {  	s3 =	sld [smem:$0x3FFC];
	_ =	sdelay $0x3  }
0x94: {  	_ =	strace s3  }
0x95: {  	s3 =	sld [smem:$0x3FFD];
	_ =	sdelay $0x3  }
0x96: {  	_ =	strace s3  }
0x97: {  	_ =	strace $0x8FFFFFFF  }
0x98: {  	s19 =	sld [smem:$0x3FDB];
	_ =	sdelay $0x1  }
0x99: {  	s4 =	simm.s32 $_scs_section_size  }
0x9a: {  	s5 =	simm.s32 $_size__tile_overlayer_lowered;
	s6 =	simm.s32 $_tile_overlayer_lowered  }
0x9b: {  	s22 =	simm.s32 $0x1BFF;
	s21 =	sshll.u32 s6, $0x1;
	s3 =	sadd.s32 s4, s19  }
0x9c: {  	s7 =	simm.s32 $0x0;
	s20 =	sshll.u32 s5, $0x1;
	s5 =	sadd.s32 s21, s3  }
0x9d: {  	[timem:s7], [sflag:s22] =	dma.local [hbm:s5], s20  }
0x9e: {  	_ =	swait.ge [sflag:s22], s20  }
0x9f: {  	s4 =	ssub.s32 $0x0, s20;
	[sflag:s22] =	ssyncset.done $0x0  }
0xa0: {  	[sflag:s22] =	ssyncadd.s32 s4;
	_ =	sdelay $0x1  }
0xa1: {  	s23 =	simm.s32 $0x1B8B  }
0xa2: {  	_ =	swait.ge [sflag:s23], $0x1  }
0xa3: {  	[sflag:s23] =	ssyncset.done $0x0  }
0xa4: {  	s25 =	simm.s32 $0x1B8E;
	s24 =	sld [smem:$0x3FFE];
	[sflag:s23] =	ssyncadd.s32 $0xFFFFFFFF  }
0xa5: {  	s26 =	simm.s32 $execute0_lowered;
	[smem:$0x3FD2] =	sst s25  }
0xa6: {  	s5 =	sshll.u32 s26, $0x1;
	_ =	strace $0x80000046;
	[dreg:$0x1] =	wrdreg $0xFFFFFFFF  }
0xa7: {  	s28 =	simm.s32 $_size_execute0_lowered;
	s3 =	sadd.s32 s3, s5;
	[dreg:$0x0] =	wrdreg $0x0  }
0xa8: {  	s5 =	sshll.u32 s28, $0x1;
	[dreg:$0x2] =	wrdreg s3  }
0xa9: {  	[dreg:$0x3] =	wrdreg s5  }
0xaa: {  	[dreg:$0x4] =	wrdreg $0xC0  }
0xab: {  	_ =	task [dreg:s7], $0x5FFFF  }
0xac: {  	[dreg:$0x1] =	wrdreg $0xFFFFFFFF  }
0xad: {  	[dreg:$0x0] =	wrdreg $0x60  }
0xae: {  	[dreg:$0x2] =	wrdreg s24  }
0xaf: {  	[dreg:$0x3] =	wrdreg s2  }
0xb0: {  	[dreg:$0x4] =	wrdreg $0xC4000  }
0xb1: {  	[dreg:$0x5] =	wrdreg $0xEC000  }
0xb2: {  	[dreg:$0x6] =	wrdreg $0xD8000  }
0xb3: {  	[dreg:$0x7] =	wrdreg $0x9  }
0xb4: {  	_ =	task.clear_ibuf [dreg:s7], $0x8FFFF;
	_ =	strace $0x90000046  }
0xb5: {  	s29 =	simm.s32 $0x9;
	_ =	strace $0x80000048  }
0xb6: {  	_ =	swait.ge [sflag:s29], $0x1  }
0xb7: {  	[sflag:s29] =	ssyncadd.s32 $0xFFFFFFFF  }
0xb8: {  	_ =	strace $0x90000048  }
0xb9: {  	_ =	sfence  }
0xba: {  	s30 =	sld [smem:$0x0];
	_ =	sdelay $0x2  }
0xbb: {  	s31 =	sshll.u32 s1, $0xD;
	s1 =	sshrl.u32 s1, $0x2  }
0xbc: {  	s3 =	sand.u32 $0x4000, s31;
	s1 =	sadd.s32 s1, s30  }
0xbd: {  	s0 =	sor.u32 s3, s0;
	s1 =	sshll.u32 s1, $0x11  }
0xbe: {  	s0 =	sor.u32 s1, s0  }
0xbf: {  	s0 =	sadd.s32 $0x8F2B, s0  }
0xc0: {  	[sflag:s0] =	ssyncadd.remote.s32 $0x1  }
0xc1: {  	_ =	sfence.sel $0xFFFF  }
0xc2: {  	[dreg:$0x0] =	wrdreg $0xFFFFFFFF;
	(pc) =	sbr.abs _section_cstart, $3  }
0xc3: {  	[dreg:$0x1] =	wrdreg $0xFFFFFFFF  }
0xc4: {  	_ =	task.clear_ibuf [dreg:s7], $0x2FFFF;
	_ =	strace $0x9FFFFFFF  }
0xc5: {  	(tm) =	ssettm $0x7FFFFFFF  }
tec
execute0_lowered:
.L_overlay_start_1:
0x0: {  	(tag) =	ssettag $0x1  }
0x1: {  	s0 =	rddreg [dreg:$0x0]  }
0x2: {  	s1 =	rddreg [dreg:$0x1]  }
0x3: {  	s2 =	rddreg [dreg:$0x2]  }
0x4: {  	s16 =	rddreg [dreg:$0x3]  }
0x5: {  	s4 =	rddreg [dreg:$0x4];
	s15 =	stileid.u32  }
0x6: {  	s5 =	srdreg.scid;
	s7 =	simm.s32 $0x0;
	s28 =	simm.s32 $0x80  }
0x7: {  	s29 =	simm.s32 $0x10;
	s3 =	smul.u32 $0x280, s15;
	s5 =	sand.u32 $0x1, s5  }
0x8: {  	s6 =	smul.u32 $0x1400, s15;
	[smem:$0x7FF] =	sst s7;
	s8 =	sadd.s32 $0x4200, s0  }
0x9: {  	s9 =	sadd.s32 $0x10A00, s0;
	s13 =	smul.u32 $0x50, s15;
	s18 =	sshll.u32 s15, $0x6  }
0xa: {  	s12 =	smul.u32 $0x14000, s5;
	_ =	strace $0x80000047;
	[dreg:$0x6] =	wrdreg s9  }
0xb: {  	s11 =	ssub.s32 $0x2, s5;
	s17 =	sshll.u32 s5, $0x4;
	s23 =	sor.u32 $0x1C12, s18  }
0xc: {  	p0 =	sne.s32 s5, $0x0;
	s18 =	simm.s32 $0x7;
	s5 =	simm.s32 $0xD  }
0xd: {  	s3 =	sadd.s32 s3, s0;
	s10 =	sshrl.u32 s6, $0x3;
	s14 =	sshrl.u32 s11, $0x1  }
0xe: {  	s19 =	sadd.s32 s6, s16;
	s22 =	sadd.s32 s6, s4;
	s16 =	simm.s32 $0x5  }
0xf: {  	[dreg:$0x8] =	wrdreg s23;
	s7 =	sadd.s32 s6, s12;
	s10 =	sadd.s32 s10, s0  }
0x10: {  	s9 =	ssub.s32 s11, s14;
	s12 =	smul.u32 $0x5000, s15;
	s11 =	sor.u32 s15, s17  }
0x11: {  	s15 =	smul.u32 $0xA00, s15;
	s21 =	sadd.s32 $0x1A00, s3;
	[dreg:$0xf] =	wrdreg s22  }
0x12: {  	[dreg:$0x9] =	wrdreg s19;
	s30 =	sshrl.u32 s19, $0x3;
	s17 =	simm.s32 $0x6  }
0x13: {  	s19 =	simm.s32 $0x8;
	s22 =	simm.s32 $0x9;
	s3 =	simm.s32 $0x11  }
0x14: {  	s7 =	sshrl.u32 s7, $0x3;
	s14 =	sadd.s32 $0xE200, s10;
	s11 =	smul.u32 $0x500, s11  }
0x15: {  	[dreg:$0xe] =	wrdreg s21;
	s24 =	sadd.s32 $0x15C00, s10;
	s26 =	smax.u32 s9, $0x1  }
0x16: {  	[dreg:$0x15] =	wrdreg s30;
	s10 =	simm.s32 $0xB800;
	s9 =	simm.s32 $0xA  }
0x17: {  	s21 =	simm.s32 $0xF;
	s7 =	sadd.s32 s7, s0;
	[dreg:$0x7] =	wrdreg s14  }
0x18: {  	s0 =	sadd.s32 s13, s0;
	s13 =	sadd.s32 s6, s2;
	[dreg:$0x10] =	wrdreg s24  }
0x19: {  	s12 =	sshrl.u32 s12, $0x3;
	s15 =	sadd.s32 s8, s15;
	[dreg:$0x13] =	wrdreg s26  }
0x1a: {  	s24 =	simm.s32 $0xA800;
	s26 =	simm.s32 $0xAC00;
	s6 =	simm.s32 $0xB400  }
0x1b: {  	s14 =	simm.s32 $0x3;
	s12 =	sadd.s32 s8, s12;
	[dreg:$0xa] =	wrdreg s15  }
0x1c: {  	s1 =	sadd.s32 s1, s11;
	s20 =	sadd.s32 s8, s11;
	s0 =	sadd.s32 $0x18400, s0  }
0x1d: {  	s25 =	sadd.s32 $0x10C00, s7;
	s31 =	sshrl.u32 s13, $0x3;
	[dreg:$0xc] =	wrdreg s1  }
0x1e: {  	s11 =	simm.s32 $0xBC00;
	s13 =	simm.s32 $0x2;
	[dreg:$0xd] =	wrdreg s20  }
0x1f: {  	s15 =	simm.s32 $0x4;
	s7 =	simm.s32 $0xB;
	[dreg:$0x11] =	wrdreg s0  }
0x20: {  	s8 =	simm.s32 $0xE;
	s12 =	sadd.s32 $0x500, s12;
	[dreg:$0x12] =	wrdreg s25  }
0x21: {  	v1 =	vlaneseq.u32;
	s25 =	simm.s32 $0xB000;
	s20 =	simm.s32 $0xC;
	[dreg:$0x14] =	wrdreg s31  }
0x22: {  	v0 =	vshrl.u32 v1, $0x3;
	v1 =	vand.u32 $0x7, v1;
	s1 =	simm.s32 $0x0;
	[dreg:$0xb] =	wrdreg s12;
	s12 =	simm.s32 $0xC000  }
.LBB2_1:
0x23: {  	[dreg:$0x16] =	wrdreg s1  }
0x24: {  	s1 =	rddreg [dreg:$0x7];
	s0 =	simm.s32 $0x12  }
0x25: {  	[spmem:s31], [sflag:s23] =	dma.local [hbm:s1], $0x280  }
0x26: {  	_ =	swait.ge [sflag:s0], $0x280  }
0x27: {  	[sflag:s0] =	ssyncset.done $0x0  }
0x28: {  	s31 =	rddreg [dreg:$0x15];
	[sflag:s0] =	ssyncadd.s32 $0xFFFFFD80  }
0x29: {  	[spmem:s31], [sflag:s23] =	dma.local [hbm:s1], $0x280  }
0x2a: {  	_ =	swait.ge [sflag:s0], $0x280  }
0x2b: {  	s31 =	simm.s32 $0x0;
	[sflag:s0] =	ssyncset.done $0x0  }
0x2c: {  	s1 =	simm.s32 $0xA000;
	s23 =	rddreg [dreg:$0x6];
	[sflag:s0] =	ssyncadd.s32 $0xFFFFFD80  }
0x2d: {  	[tilespmem:s1], [sflag:$0x12] =	stream.linear.gather [hbm4b:s23+s31], $0x400, $0x38;
	[tilespmem:$0x13E80] =	vst v63  }
0x2e: {  	_ =	swait.ge [sflag:s0], $0x400  }
0x2f: {  	s30 =	simm.s32 $0x0;
	[sflag:s0] =	ssyncset.done $0x0  }
0x30: {  	s23 =	simm.s32 $0x5000;
	s31 =	rddreg [dreg:$0xa];
	[sflag:s0] =	ssyncadd.s32 $0xFFFFFC00  }
0x31: {  	[tilespmem:s23], [sflag:$0x12] =	stream.linear.gather [hbm4b:s31+s30], $0x2800, $0x38;
	[tilespmem:$0x13E80] =	vst v63  }
0x32: {  	_ =	swait.ge [sflag:s0], $0x2800  }
0x33: {  	s30 =	simm.s32 $0x7800;
	[sflag:s0] =	ssyncset.done $0x0  }
0x34: {  	s31 =	rddreg [dreg:$0xb];
	[sflag:s0] =	ssyncadd.s32 $0xFFFFD800;
	s0 =	simm.s32 $0x0  }
0x35: {  	[tilespmem:s30], [sflag:$0x12] =	stream.linear.gather [hbm4b:s31+s0], $0x2800, $0x38;
	[tilespmem:$0x13E80] =	vst v63  }
0x36: {  	s30 =	simm.s32 $0x12  }
0x37: {  	_ =	swait.ge [sflag:s30], $0x2800  }
0x38: {  	[sflag:s30] =	ssyncset.done $0x0  }
0x39: {  	s0 =	simm.s32 $0x0;
	s31 =	rddreg [dreg:$0xc];
	[sflag:s30] =	ssyncadd.s32 $0xFFFFD800  }
0x3a: {  	[tilespmem:s0], [sflag:$0x12] =	stream.linear.gather [hbm4b:s31+s0], $0x2800, $0x38;
	[tilespmem:$0x13E80] =	vst v63  }
0x3b: {  	_ =	swait.ge [sflag:s30], $0x2800  }
0x3c: {  	s0 =	simm.s32 $0x0;
	[sflag:s30] =	ssyncset.done $0x0  }
0x3d: {  	s31 =	rddreg [dreg:$0xd];
	[sflag:s30] =	ssyncadd.s32 $0xFFFFD800;
	s30 =	simm.s32 $0x2800  }
0x3e: {  	[tilespmem:s30], [sflag:$0x12] =	stream.linear.gather [hbm4b:s31+s0], $0x2800, $0x38;
	[tilespmem:$0x13E80] =	vst v63  }
0x3f: {  	s0 =	simm.s32 $0x12  }
0x40: {  	_ =	swait.ge [sflag:s0], $0x2800  }
0x41: {  	s30 =	simm.s32 $0x11400;
	[sflag:s0] =	ssyncset.done $0x0  }
0x42: {  	s31 =	rddreg [dreg:$0xe];
	[sflag:s0] =	ssyncadd.s32 $0xFFFFD800;
	s0 =	simm.s32 $0x0  }
0x43: {  	[tilespmem:s30], [sflag:$0x12] =	stream.linear.gather [hbm4b:s31+s0], $0x1400, $0x38;
	[tilespmem:$0x13E80] =	vst v63  }
0x44: {  	s0 =	simm.s32 $0x12  }
0x45: {  	_ =	swait.ge [sflag:s0], $0x1400  }
0x46: {  	[sflag:s0] =	ssyncset.done $0x0  }
0x47: {  	[sflag:s0] =	ssyncadd.s32 $0xFFFFEC00  }
0x48: {  	p1 =	por $0x1, $0x1;
	[bflag:$0x0] =	sbarrier.arrive $0xFFFF  }
0x49: {  	s31 =	simm.s32 @!p1 $0x1;
	s0 =	rddreg [dreg:$0x3]  }
0x4a: {  	[spmem:s0] =	stream.indirect.scatter.add.f32 [tilespmem:s1], [sflag:$0x1], $0x8, s23, s28, $0xb8;
	[tilespmem:$0x13E80] =	vst v63  }
0x4b: {  	_ =	swait.ge @!p1 [sflag:s31], $0x400  }
0x4c: {  	s30 =	simm.s32 $0x1;
	[sflag:s31] =	ssyncset.done @!p1 $0x0  }
.LBB2_2:
0x4d: {  	[sflag:s31] =	ssyncadd.s32 @!p1 $0xFFFFFC00  }
0x4e: {  	s23 =	sadd.s32 $0x80, s23;
	s31 =	smov.u32 s30;
	s30 =	sadd.s32 $0x1, s30  }
0x4f: {  	p2 =	sne.s32 s30, $0xA0  }
0x50: {  	[spmem:s0] =	stream.indirect.scatter.add.f32 [tilespmem:s1], [sflag:$0x1], $0x8, s23, s28, $0xb8;
	[tilespmem:$0x13E80] =	vst v63  }
.Ltmp0:
0x51: {  	_ = 	snop;
	(pc) =	sbr.rel @p2 .LBB2_2-.Ltmp0, $4  }
0x52: {  	p1 =	slt.u32 s31, $0x10  }
0x53: {  	s31 =	simm.s32 @!p1 $0x1  }
0x54: {  	_ =	swait.ge @!p1 [sflag:s31], $0x400  }
0x55: {  	[sflag:s31] =	ssyncset.done @!p1 $0x0  }
0x56: {  	[sflag:s31] =	ssyncadd.s32 @!p1 $0xFFFFFC00;
	s0 =	simm.s32 $0x1  }
0x57: {  	_ =	swait.ge [sflag:s0], $0x400  }
0x58: {  	[sflag:s0] =	ssyncset.done $0x0  }
0x59: {  	[sflag:s0] =	ssyncadd.s32 $0xFFFFFC00  }
0x5a: {  	_ =	swait.ge [sflag:s0], $0x400  }
0x5b: {  	[sflag:s0] =	ssyncset.done $0x0  }
0x5c: {  	[sflag:s0] =	ssyncadd.s32 $0xFFFFFC00  }
0x5d: {  	_ =	swait.ge [sflag:s0], $0x400  }
0x5e: {  	[sflag:s0] =	ssyncset.done $0x0  }
0x5f: {  	[sflag:s0] =	ssyncadd.s32 $0xFFFFFC00  }
0x60: {  	_ =	swait.ge [sflag:s0], $0x400  }
0x61: {  	[sflag:s0] =	ssyncset.done $0x0  }
0x62: {  	[sflag:s0] =	ssyncadd.s32 $0xFFFFFC00  }
0x63: {  	_ =	swait.ge [sflag:s0], $0x400  }
0x64: {  	[sflag:s0] =	ssyncset.done $0x0  }
0x65: {  	[sflag:s0] =	ssyncadd.s32 $0xFFFFFC00  }
0x66: {  	_ =	swait.ge [sflag:s0], $0x400  }
0x67: {  	[sflag:s0] =	ssyncset.done $0x0  }
0x68: {  	[sflag:s0] =	ssyncadd.s32 $0xFFFFFC00  }
0x69: {  	_ =	swait.ge [sflag:s0], $0x400  }
0x6a: {  	[sflag:s0] =	ssyncset.done $0x0  }
0x6b: {  	[sflag:s0] =	ssyncadd.s32 $0xFFFFFC00  }
0x6c: {  	_ =	swait.ge [sflag:s0], $0x400  }
0x6d: {  	[sflag:s0] =	ssyncset.done $0x0  }
0x6e: {  	[sflag:s0] =	ssyncadd.s32 $0xFFFFFC00  }
0x6f: {  	_ =	swait.ge [sflag:s0], $0x400  }
0x70: {  	[sflag:s0] =	ssyncset.done $0x0  }
0x71: {  	[sflag:s0] =	ssyncadd.s32 $0xFFFFFC00  }
0x72: {  	_ =	swait.ge [sflag:s0], $0x400  }
0x73: {  	[sflag:s0] =	ssyncset.done $0x0  }
0x74: {  	[sflag:s0] =	ssyncadd.s32 $0xFFFFFC00  }
0x75: {  	_ =	swait.ge [sflag:s0], $0x400  }
0x76: {  	[sflag:s0] =	ssyncset.done $0x0  }
0x77: {  	[sflag:s0] =	ssyncadd.s32 $0xFFFFFC00  }
0x78: {  	_ =	swait.ge [sflag:s0], $0x400  }
0x79: {  	[sflag:s0] =	ssyncset.done $0x0  }
0x7a: {  	[sflag:s0] =	ssyncadd.s32 $0xFFFFFC00  }
0x7b: {  	_ =	swait.ge [sflag:s0], $0x400  }
0x7c: {  	[sflag:s0] =	ssyncset.done $0x0  }
0x7d: {  	[sflag:s0] =	ssyncadd.s32 $0xFFFFFC00  }
0x7e: {  	_ =	swait.ge [sflag:s0], $0x400  }
0x7f: {  	[sflag:s0] =	ssyncset.done $0x0  }
0x80: {  	[sflag:s0] =	ssyncadd.s32 $0xFFFFFC00  }
0x81: {  	_ =	swait.ge [sflag:s0], $0x400  }
0x82: {  	[sflag:s0] =	ssyncset.done $0x0  }
0x83: {  	[sflag:s0] =	ssyncadd.s32 $0xFFFFFC00  }
0x84: {  	_ =	swait.ge [sflag:s0], $0x400  }
0x85: {  	[sflag:s0] =	ssyncset.done $0x0  }
0x86: {  	s23 =	simm.s32 $0x0;
	[sflag:s0] =	ssyncadd.s32 $0xFFFFFC00  }
0x87: {  	v2 =	vor.u32 s23, v0;
	[bflag:$0x0] =	sbarrier.arrive $0xFFFF  }
0x88: {  	s1 =	simm.s32 $0x10000;
	v3 =	vshll.u32 v2, $0x3;
	s23 =	rddreg [dreg:$0x9]  }
0x89: {  	v3 =	vor.u32 v1, v3;
	[tilespmem:s1], [sflag:$0x12] =	stream.linear.gather [spmem:s23], $0x1400, $0x38;
	[tilespmem:$0x13E80] =	vst v63  }
0x8a: {  	s23 =	simm.s32 $0x12  }
0x8b: {  	_ =	swait.ge [sflag:s23], $0x1400  }
0x8c: {  	[sflag:s23] =	ssyncset.done $0x0  }
0x8d: {  	[sflag:s23] =	ssyncadd.s32 $0xFFFFEC00  }
0x8e: {  	v4 =	vld.idx.msk [tilespmem:v3+s1+$0x0], $0xffff;
	_ =	sdelay $0x4  }
0x8f: {  	v4 =	vadd.f32 $1.000000000e+00, v4;
	_ =	sdelay $0x1  }
0x90: {  	v5 =	vshra.s32 v4, $0x1;
	v4 =	vmul.f32 $5.000000000e-01, v4  }
0x91: {  	v5 =	vsub.s32 $0x5F3759DF, v5  }
0x92: {  	v6 =	vmul.f32 v5, v4;
	_ =	sdelay $0x1  }
0x93: {  	v6 =	vmul.f32 v5, v6;
	_ =	sdelay $0x1  }
0x94: {  	v6 =	vsub.f32 $1.500000000e+00, v6;
	_ =	sdelay $0x1  }
0x95: {  	v5 =	vmul.f32 v5, v6;
	_ =	sdelay $0x1  }
0x96: {  	v6 =	vmul.f32 v5, v4;
	_ =	sdelay $0x1  }
0x97: {  	v6 =	vmul.f32 v6, v5;
	_ =	sdelay $0x1  }
0x98: {  	v6 =	vsub.f32 $1.500000000e+00, v6;
	_ =	sdelay $0x1  }
0x99: {  	v6 =	vmul.f32 v6, v5;
	_ =	sdelay $0x1  }
0x9a: {  	v4 =	vmul.f32 v6, v4;
	_ =	sdelay $0x1  }
0x9b: {  	s23 =	simm.s32 $0x11400;
	v4 =	vmul.f32 v4, v6  }
0x9c: {  	v5 =	vld [tilespmem:s23+$0x0]  }
0x9d: {  	s30 =	simm.s32 $0x2;
	v8 =	vsub.f32 $1.500000000e+00, v4  }
0x9e: {  	v4 =	vor.u32 s30, v0  }
0x9f: {  	s31 =	simm.s32 $0x13C00;
	s0 =	simm.s32 $0x12800;
	s30 =	simm.s32 $0x4;
	v7 =	vshll.u32 v4, $0x3;
	v6 =	vmul.f32 v8, v6  }
.LBB2_4:
0xa0: {  	p1 =	sne.s32 s30, $0x27E;
	v7 =	vor.u32 v1, v7  }
0xa1: {  	v5 =	vmul.f32 v6, v5;
	_ =	sdelay $0x1  }
0xa2: {  	[tilespmem:v3+s0+$0x0] =	vst.idx.msk $0xffff, v5;
	v3 =	vmov v7  }
0xa3: {  	[tilespmem:v2+s31+$0x0] =	vst.idx.msk $0xffff, v6;
	v2 =	vmov v4  }
0xa4: {  	v4 =	vld.idx.msk [tilespmem:v7+s1+$0x0], $0xffff;
	_ =	sdelay $0x5  }
0xa5: {  	v4 =	vadd.f32 $1.000000000e+00, v4;
	_ =	sdelay $0x1  }
0xa6: {  	v5 =	vshra.s32 v4, $0x1;
	v4 =	vmul.f32 $5.000000000e-01, v4  }
0xa7: {  	v5 =	vsub.s32 $0x5F3759DF, v5  }
0xa8: {  	v6 =	vmul.f32 v5, v4;
	_ =	sdelay $0x1  }
0xa9: {  	v6 =	vmul.f32 v5, v6;
	_ =	sdelay $0x1  }
0xaa: {  	v6 =	vsub.f32 $1.500000000e+00, v6;
	_ =	sdelay $0x1  }
0xab: {  	v5 =	vmul.f32 v5, v6;
	_ =	sdelay $0x1  }
0xac: {  	v6 =	vmul.f32 v5, v4;
	_ =	sdelay $0x1  }
0xad: {  	v6 =	vmul.f32 v6, v5;
	_ =	sdelay $0x1  }
0xae: {  	v6 =	vsub.f32 $1.500000000e+00, v6;
	_ =	sdelay $0x1  }
0xaf: {  	v6 =	vmul.f32 v6, v5;
	_ =	sdelay $0x1  }
0xb0: {  	v4 =	vmul.f32 v6, v4;
	_ =	sdelay $0x1  }
.Ltmp1:
0xb1: {  	s23 =	sadd.s32 $0x10, s23;
	v4 =	vmul.f32 v4, v6;
	(pc) =	sbr.rel @p1 .LBB2_4-.Ltmp1, $4  }
0xb2: {  	v5 =	vld [tilespmem:s23+$0x0]  }
0xb3: {  	v8 =	vsub.f32 $1.500000000e+00, v4  }
0xb4: {  	v4 =	vor.u32 s30, v0  }
0xb5: {  	s30 =	sadd.s32 $0x2, s30;
	v7 =	vshll.u32 v4, $0x3;
	v6 =	vmul.f32 v8, v6  }
0xb6: {  	_ = 	snop  }
0xb7: {  	v7 =	vor.u32 v1, v7  }
0xb8: {  	v5 =	vmul.f32 v6, v5;
	_ =	sdelay $0x1  }
0xb9: {  	[tilespmem:v3+s0+$0x0] =	vst.idx.msk $0xffff, v5  }
0xba: {  	[tilespmem:v2+s31+$0x0] =	vst.idx.msk $0xffff, v6  }
0xbb: {  	v2 =	vld.idx.msk [tilespmem:v7+s1+$0x0], $0xffff;
	_ =	sdelay $0x4  }
0xbc: {  	v2 =	vadd.f32 $1.000000000e+00, v2;
	_ =	sdelay $0x1  }
0xbd: {  	v3 =	vshra.s32 v2, $0x1;
	v2 =	vmul.f32 $5.000000000e-01, v2  }
0xbe: {  	v3 =	vsub.s32 $0x5F3759DF, v3  }
0xbf: {  	v62 =	vmul.f32 v3, v2;
	_ =	sdelay $0x1  }
0xc0: {  	v5 =	vmul.f32 v3, v62;
	_ =	sdelay $0x1  }
0xc1: {  	v5 =	vsub.f32 $1.500000000e+00, v5;
	_ =	sdelay $0x1  }
0xc2: {  	v3 =	vmul.f32 v3, v5;
	_ =	sdelay $0x1  }
0xc3: {  	v5 =	vmul.f32 v3, v2;
	_ =	sdelay $0x1  }
0xc4: {  	v5 =	vmul.f32 v5, v3;
	_ =	sdelay $0x1  }
0xc5: {  	v5 =	vsub.f32 $1.500000000e+00, v5;
	_ =	sdelay $0x1  }
0xc6: {  	v3 =	vmul.f32 v5, v3;
	_ =	sdelay $0x1  }
0xc7: {  	v2 =	vmul.f32 v3, v2;
	_ =	sdelay $0x1  }
0xc8: {  	s23 =	sadd.s32 $0x10, s23;
	v2 =	vmul.f32 v2, v3  }
0xc9: {  	v63 =	vld [tilespmem:s23+$0x0]  }
0xca: {  	v2 =	vsub.f32 $1.500000000e+00, v2;
	_ =	sdelay $0x1  }
0xcb: {  	v2 =	vmul.f32 v2, v3;
	_ =	sdelay $0x1  }
0xcc: {  	v3 =	vmul.f32 v2, v63;
	_ =	sdelay $0x1  }
0xcd: {  	[tilespmem:v7+s0+$0x0] =	vst.idx.msk $0xffff, v3  }
0xce: {  	s23 =	rddreg [dreg:$0xf];
	s0 =	simm.s32 $0x12800;
	[tilespmem:v4+s31+$0x0] =	vst.idx.msk $0xffff, v2;
	s31 =	simm.s32 $0x12  }
0xcf: {  	[spmem:s23] =	stream.linear.scatter [tilespmem:s0], [sflag:$0x12], $0x1400, $0x38;
	[tilespmem:$0x13E80] =	vst v63  }
0xd0: {  	_ =	swait.ge [sflag:s31], $0x1400  }
0xd1: {  	s30 =	simm.s32 @!p0 $0x12800;
	[sflag:s31] =	ssyncset.done $0x0  }
0xd2: {  	s23 =	simm.s32 @!p0 $0x0;
	s0 =	rddreg [dreg:$0x10];
	[sflag:s31] =	ssyncadd.s32 $0xFFFFEC00  }
0xd3: {  	[hbm4b:s0+s23] =	stream.linear.scatter @!p0 [tilespmem:s30], [sflag:$0x12], $0x1400, $0x38;
	[tilespmem:$0x13E80] =	vst v63  }
0xd4: {  	s30 =	simm.s32 @!p0 $0x12  }
0xd5: {  	_ =	swait.ge @!p0 [sflag:s30], $0x1400  }
0xd6: {  	[sflag:s30] =	ssyncset.done @!p0 $0x0  }
0xd7: {  	s31 =	simm.s32 @!p0 $0x13C00;
	s0 =	rddreg [dreg:$0x11];
	[sflag:s30] =	ssyncadd.s32 @!p0 $0xFFFFEC00  }
0xd8: {  	[hbm4b:s0+s23] =	stream.linear.scatter @!p0 [tilespmem:s31], [sflag:$0x12], $0x280, $0x38;
	[tilespmem:$0x13E80] =	vst v63  }
0xd9: {  	_ =	swait.ge @!p0 [sflag:s30], $0x280  }
0xda: {  	[sflag:s30] =	ssyncset.done @!p0 $0x0  }
0xdb: {  	[sflag:s30] =	ssyncadd.s32 @!p0 $0xFFFFFD80  }
0xdc: {  	s1 =	simm.s32 $0x0;
	s0 =	simm.s32 $0xA400;
	[bflag:$0x0] =	sbarrier.arrive $0xFFFF  }
0xdd: {  	[tilespmem:s0], [sflag:$0x2] =	stream.indirect.gather [spmem:s4], $0x8, s1, s28, $0xb8;
	[tilespmem:$0x13E80] =	vst v63  }
0xde: {  	_ = 	snop  }
0xdf: {  	[tilespmem:s24], [sflag:$0x3] =	stream.indirect.gather [spmem:s4], $0x8, s28, s28, $0xb8;
	[tilespmem:$0x13E80] =	vst v63  }
0xe0: {  	s31 =	simm.s32 $0x100  }
0xe1: {  	[tilespmem:s26], [sflag:$0x4] =	stream.indirect.gather [spmem:s4], $0x8, s31, s28, $0xb8;
	[tilespmem:$0x13E80] =	vst v63  }
0xe2: {  	s23 =	simm.s32 $0x180  }
0xe3: {  	[tilespmem:s25], [sflag:$0x5] =	stream.indirect.gather [spmem:s4], $0x8, s23, s28, $0xb8;
	[tilespmem:$0x13E80] =	vst v63  }
0xe4: {  	s31 =	simm.s32 $0x200  }
0xe5: {  	[tilespmem:s6], [sflag:$0x6] =	stream.indirect.gather [spmem:s4], $0x8, s31, s28, $0xb8;
	[tilespmem:$0x13E80] =	vst v63  }
0xe6: {  	s23 =	simm.s32 $0x280  }
0xe7: {  	[tilespmem:s10], [sflag:$0x7] =	stream.indirect.gather [spmem:s4], $0x8, s23, s28, $0xb8;
	[tilespmem:$0x13E80] =	vst v63  }
0xe8: {  	s31 =	simm.s32 $0x300  }
0xe9: {  	[tilespmem:s11], [sflag:$0x8] =	stream.indirect.gather [spmem:s4], $0x8, s31, s28, $0xb8;
	[tilespmem:$0x13E80] =	vst v63  }
0xea: {  	s23 =	simm.s32 $0x380  }
0xeb: {  	[tilespmem:s12], [sflag:$0x9] =	stream.indirect.gather [spmem:s4], $0x8, s23, s28, $0xb8;
	[tilespmem:$0x13E80] =	vst v63  }
0xec: {  	_ =	swait.ge [sflag:s13], $0x400  }
0xed: {  	[sflag:s13] =	ssyncset.done $0x0  }
0xee: {  	s31 =	simm.s32 $0x2800;
	[sflag:s13] =	ssyncadd.s32 $0xFFFFFC00  }
0xef: {  	[spmem:s2] =	stream.indirect.scatter.add.f32 [tilespmem:s0], [sflag:$0xA], $0x8, s31, s28, $0xb8;
	[tilespmem:$0x13E80] =	vst v63  }
0xf0: {  	_ =	swait.ge [sflag:s14], $0x400  }
0xf1: {  	[sflag:s14] =	ssyncset.done $0x0  }
0xf2: {  	s1 =	simm.s32 $0x2880;
	[sflag:s14] =	ssyncadd.s32 $0xFFFFFC00  }
0xf3: {  	[spmem:s2] =	stream.indirect.scatter.add.f32 [tilespmem:s24], [sflag:$0xB], $0x8, s1, s28, $0xb8;
	[tilespmem:$0x13E80] =	vst v63  }
0xf4: {  	_ =	swait.ge [sflag:s15], $0x400  }
0xf5: {  	[sflag:s15] =	ssyncset.done $0x0  }
0xf6: {  	s31 =	simm.s32 $0x2900;
	[sflag:s15] =	ssyncadd.s32 $0xFFFFFC00  }
0xf7: {  	[spmem:s2] =	stream.indirect.scatter.add.f32 [tilespmem:s26], [sflag:$0xC], $0x8, s31, s28, $0xb8;
	[tilespmem:$0x13E80] =	vst v63  }
0xf8: {  	_ =	swait.ge [sflag:s16], $0x400  }
0xf9: {  	[sflag:s16] =	ssyncset.done $0x0  }
0xfa: {  	s1 =	simm.s32 $0x2980;
	[sflag:s16] =	ssyncadd.s32 $0xFFFFFC00  }
0xfb: {  	[spmem:s2] =	stream.indirect.scatter.add.f32 [tilespmem:s25], [sflag:$0xD], $0x8, s1, s28, $0xb8;
	[tilespmem:$0x13E80] =	vst v63  }
0xfc: {  	_ =	swait.ge [sflag:s17], $0x400  }
0xfd: {  	[sflag:s17] =	ssyncset.done $0x0  }
0xfe: {  	s31 =	simm.s32 $0x2A00;
	[sflag:s17] =	ssyncadd.s32 $0xFFFFFC00  }
0xff: {  	[spmem:s2] =	stream.indirect.scatter.add.f32 [tilespmem:s6], [sflag:$0xE], $0x8, s31, s28, $0xb8;
	[tilespmem:$0x13E80] =	vst v63  }
0x100: {  	_ =	swait.ge [sflag:s18], $0x400  }
0x101: {  	[sflag:s18] =	ssyncset.done $0x0  }
0x102: {  	s1 =	simm.s32 $0x2A80;
	[sflag:s18] =	ssyncadd.s32 $0xFFFFFC00  }
0x103: {  	[spmem:s2] =	stream.indirect.scatter.add.f32 [tilespmem:s10], [sflag:$0xF], $0x8, s1, s28, $0xb8;
	[tilespmem:$0x13E80] =	vst v63  }
0x104: {  	_ =	swait.ge [sflag:s19], $0x400  }
0x105: {  	[sflag:s19] =	ssyncset.done $0x0  }
0x106: {  	s31 =	simm.s32 $0x2B00;
	[sflag:s19] =	ssyncadd.s32 $0xFFFFFC00  }
0x107: {  	[spmem:s2] =	stream.indirect.scatter.add.f32 [tilespmem:s11], [sflag:$0x10], $0x8, s31, s28, $0xb8;
	[tilespmem:$0x13E80] =	vst v63  }
0x108: {  	_ =	swait.ge [sflag:s22], $0x400  }
0x109: {  	[sflag:s22] =	ssyncset.done $0x0  }
0x10a: {  	s1 =	simm.s32 $0x2B80;
	[sflag:s22] =	ssyncadd.s32 $0xFFFFFC00  }
0x10b: {  	[spmem:s2] =	stream.indirect.scatter.add.f32 [tilespmem:s12], [sflag:$0x11], $0x8, s1, s28, $0xb8;
	[tilespmem:$0x13E80] =	vst v63  }
0x10c: {  	_ =	swait.ge [sflag:s9], $0x400  }
0x10d: {  	[sflag:s9] =	ssyncset.done $0x0  }
0x10e: {  	s31 =	simm.s32 $0x400;
	[sflag:s9] =	ssyncadd.s32 $0xFFFFFC00  }
0x10f: {  	[tilespmem:s0], [sflag:$0x2] =	stream.indirect.gather [spmem:s4], $0x8, s31, s28, $0xb8;
	[tilespmem:$0x13E80] =	vst v63  }
0x110: {  	_ =	swait.ge [sflag:s7], $0x400  }
0x111: {  	[sflag:s7] =	ssyncset.done $0x0  }
0x112: {  	s1 =	simm.s32 $0x480;
	[sflag:s7] =	ssyncadd.s32 $0xFFFFFC00  }
0x113: {  	[tilespmem:s24], [sflag:$0x3] =	stream.indirect.gather [spmem:s4], $0x8, s1, s28, $0xb8;
	[tilespmem:$0x13E80] =	vst v63  }
0x114: {  	_ =	swait.ge [sflag:s20], $0x400  }
0x115: {  	[sflag:s20] =	ssyncset.done $0x0  }
0x116: {  	s31 =	simm.s32 $0x500;
	[sflag:s20] =	ssyncadd.s32 $0xFFFFFC00  }
0x117: {  	[tilespmem:s26], [sflag:$0x4] =	stream.indirect.gather [spmem:s4], $0x8, s31, s28, $0xb8;
	[tilespmem:$0x13E80] =	vst v63  }
0x118: {  	_ =	swait.ge [sflag:s5], $0x400  }
0x119: {  	[sflag:s5] =	ssyncset.done $0x0  }
0x11a: {  	s1 =	simm.s32 $0x580;
	[sflag:s5] =	ssyncadd.s32 $0xFFFFFC00  }
0x11b: {  	[tilespmem:s25], [sflag:$0x5] =	stream.indirect.gather [spmem:s4], $0x8, s1, s28, $0xb8;
	[tilespmem:$0x13E80] =	vst v63  }
0x11c: {  	_ =	swait.ge [sflag:s8], $0x400  }
0x11d: {  	[sflag:s8] =	ssyncset.done $0x0  }
0x11e: {  	s31 =	simm.s32 $0x600;
	[sflag:s8] =	ssyncadd.s32 $0xFFFFFC00  }
0x11f: {  	[tilespmem:s6], [sflag:$0x6] =	stream.indirect.gather [spmem:s4], $0x8, s31, s28, $0xb8;
	[tilespmem:$0x13E80] =	vst v63  }
0x120: {  	_ =	swait.ge [sflag:s21], $0x400  }
0x121: {  	[sflag:s21] =	ssyncset.done $0x0  }
0x122: {  	s1 =	simm.s32 $0x680;
	[sflag:s21] =	ssyncadd.s32 $0xFFFFFC00  }
0x123: {  	[tilespmem:s10], [sflag:$0x7] =	stream.indirect.gather [spmem:s4], $0x8, s1, s28, $0xb8;
	[tilespmem:$0x13E80] =	vst v63  }
0x124: {  	_ =	swait.ge [sflag:s29], $0x400  }
0x125: {  	[sflag:s29] =	ssyncset.done $0x0  }
0x126: {  	s31 =	simm.s32 $0x700;
	[sflag:s29] =	ssyncadd.s32 $0xFFFFFC00  }
0x127: {  	[tilespmem:s11], [sflag:$0x8] =	stream.indirect.gather [spmem:s4], $0x8, s31, s28, $0xb8;
	[tilespmem:$0x13E80] =	vst v63  }
0x128: {  	_ =	swait.ge [sflag:s3], $0x400  }
0x129: {  	[sflag:s3] =	ssyncset.done $0x0  }
0x12a: {  	s30 =	simm.s32 $0x780;
	s23 =	simm.s32 $0x1000;
	[sflag:s3] =	ssyncadd.s32 $0xFFFFFC00  }
.LBB2_6:
0x12b: {  	[tilespmem:s12], [sflag:$0x9] =	stream.indirect.gather [spmem:s4], $0x8, s30, s28, $0xb8;
	[tilespmem:$0x13E80] =	vst v63  }
0x12c: {  	s30 =	smov.u32 s23  }
0x12d: {  	p1 =	sne.s32 s23, $0x8000;
	s23 =	sadd.s32 $0x1000, s23;
	_ =	swait.ge [sflag:s13], $0x400  }
0x12e: {  	s30 =	sshra.s32 s30, $0x2;
	[sflag:s13] =	ssyncset.done $0x0  }
0x12f: {  	s31 =	sadd.s32 $0x2800, s30;
	[sflag:s13] =	ssyncadd.s32 $0xFFFFFC00  }
0x130: {  	[spmem:s2] =	stream.indirect.scatter.add.f32 [tilespmem:s0], [sflag:$0xA], $0x8, s31, s28, $0xb8;
	[tilespmem:$0x13E80] =	vst v63  }
0x131: {  	_ =	swait.ge [sflag:s14], $0x400  }
0x132: {  	[sflag:s14] =	ssyncset.done $0x0  }
0x133: {  	s31 =	sadd.s32 $0x2880, s30;
	[sflag:s14] =	ssyncadd.s32 $0xFFFFFC00  }
0x134: {  	[spmem:s2] =	stream.indirect.scatter.add.f32 [tilespmem:s24], [sflag:$0xB], $0x8, s31, s28, $0xb8;
	[tilespmem:$0x13E80] =	vst v63  }
0x135: {  	_ =	swait.ge [sflag:s15], $0x400  }
0x136: {  	[sflag:s15] =	ssyncset.done $0x0  }
0x137: {  	s31 =	sadd.s32 $0x2900, s30;
	[sflag:s15] =	ssyncadd.s32 $0xFFFFFC00  }
0x138: {  	[spmem:s2] =	stream.indirect.scatter.add.f32 [tilespmem:s26], [sflag:$0xC], $0x8, s31, s28, $0xb8;
	[tilespmem:$0x13E80] =	vst v63  }
0x139: {  	_ =	swait.ge [sflag:s16], $0x400  }
0x13a: {  	[sflag:s16] =	ssyncset.done $0x0  }
0x13b: {  	s31 =	sadd.s32 $0x2980, s30;
	[sflag:s16] =	ssyncadd.s32 $0xFFFFFC00  }
0x13c: {  	[spmem:s2] =	stream.indirect.scatter.add.f32 [tilespmem:s25], [sflag:$0xD], $0x8, s31, s28, $0xb8;
	[tilespmem:$0x13E80] =	vst v63  }
0x13d: {  	_ =	swait.ge [sflag:s17], $0x400  }
0x13e: {  	[sflag:s17] =	ssyncset.done $0x0  }
0x13f: {  	s31 =	sadd.s32 $0x2A00, s30;
	[sflag:s17] =	ssyncadd.s32 $0xFFFFFC00  }
0x140: {  	[spmem:s2] =	stream.indirect.scatter.add.f32 [tilespmem:s6], [sflag:$0xE], $0x8, s31, s28, $0xb8;
	[tilespmem:$0x13E80] =	vst v63  }
0x141: {  	_ =	swait.ge [sflag:s18], $0x400  }
0x142: {  	[sflag:s18] =	ssyncset.done $0x0  }
0x143: {  	s31 =	sadd.s32 $0x2A80, s30;
	[sflag:s18] =	ssyncadd.s32 $0xFFFFFC00  }
0x144: {  	[spmem:s2] =	stream.indirect.scatter.add.f32 [tilespmem:s10], [sflag:$0xF], $0x8, s31, s28, $0xb8;
	[tilespmem:$0x13E80] =	vst v63  }
0x145: {  	_ =	swait.ge [sflag:s19], $0x400  }
0x146: {  	[sflag:s19] =	ssyncset.done $0x0  }
0x147: {  	s31 =	sadd.s32 $0x2B00, s30;
	[sflag:s19] =	ssyncadd.s32 $0xFFFFFC00  }
0x148: {  	[spmem:s2] =	stream.indirect.scatter.add.f32 [tilespmem:s11], [sflag:$0x10], $0x8, s31, s28, $0xb8;
	[tilespmem:$0x13E80] =	vst v63  }
0x149: {  	_ =	swait.ge [sflag:s22], $0x400  }
0x14a: {  	[sflag:s22] =	ssyncset.done $0x0  }
0x14b: {  	s31 =	sadd.s32 $0x2B80, s30;
	[sflag:s22] =	ssyncadd.s32 $0xFFFFFC00  }
0x14c: {  	[spmem:s2] =	stream.indirect.scatter.add.f32 [tilespmem:s12], [sflag:$0x11], $0x8, s31, s28, $0xb8;
	[tilespmem:$0x13E80] =	vst v63  }
0x14d: {  	_ =	swait.ge [sflag:s9], $0x400  }
0x14e: {  	[sflag:s9] =	ssyncset.done $0x0  }
0x14f: {  	s31 =	sadd.s32 $0x400, s30;
	[sflag:s9] =	ssyncadd.s32 $0xFFFFFC00  }
0x150: {  	[tilespmem:s0], [sflag:$0x2] =	stream.indirect.gather [spmem:s4], $0x8, s31, s28, $0xb8;
	[tilespmem:$0x13E80] =	vst v63  }
0x151: {  	_ =	swait.ge [sflag:s7], $0x400  }
0x152: {  	[sflag:s7] =	ssyncset.done $0x0  }
0x153: {  	s31 =	sadd.s32 $0x480, s30;
	[sflag:s7] =	ssyncadd.s32 $0xFFFFFC00  }
0x154: {  	[tilespmem:s24], [sflag:$0x3] =	stream.indirect.gather [spmem:s4], $0x8, s31, s28, $0xb8;
	[tilespmem:$0x13E80] =	vst v63  }
0x155: {  	_ =	swait.ge [sflag:s20], $0x400  }
0x156: {  	[sflag:s20] =	ssyncset.done $0x0  }
0x157: {  	s31 =	sadd.s32 $0x500, s30;
	[sflag:s20] =	ssyncadd.s32 $0xFFFFFC00  }
0x158: {  	[tilespmem:s26], [sflag:$0x4] =	stream.indirect.gather [spmem:s4], $0x8, s31, s28, $0xb8;
	[tilespmem:$0x13E80] =	vst v63  }
0x159: {  	_ =	swait.ge [sflag:s5], $0x400  }
0x15a: {  	[sflag:s5] =	ssyncset.done $0x0  }
0x15b: {  	s31 =	sadd.s32 $0x580, s30;
	[sflag:s5] =	ssyncadd.s32 $0xFFFFFC00  }
0x15c: {  	[tilespmem:s25], [sflag:$0x5] =	stream.indirect.gather [spmem:s4], $0x8, s31, s28, $0xb8;
	[tilespmem:$0x13E80] =	vst v63  }
0x15d: {  	_ =	swait.ge [sflag:s8], $0x400  }
0x15e: {  	[sflag:s8] =	ssyncset.done $0x0  }
0x15f: {  	s31 =	sadd.s32 $0x600, s30;
	[sflag:s8] =	ssyncadd.s32 $0xFFFFFC00  }
0x160: {  	[tilespmem:s6], [sflag:$0x6] =	stream.indirect.gather [spmem:s4], $0x8, s31, s28, $0xb8;
	[tilespmem:$0x13E80] =	vst v63  }
0x161: {  	_ =	swait.ge [sflag:s21], $0x400  }
0x162: {  	[sflag:s21] =	ssyncset.done $0x0  }
0x163: {  	s31 =	sadd.s32 $0x680, s30;
	[sflag:s21] =	ssyncadd.s32 $0xFFFFFC00  }
0x164: {  	[tilespmem:s10], [sflag:$0x7] =	stream.indirect.gather [spmem:s4], $0x8, s31, s28, $0xb8;
	[tilespmem:$0x13E80] =	vst v63  }
0x165: {  	_ =	swait.ge [sflag:s29], $0x400  }
0x166: {  	[sflag:s29] =	ssyncset.done $0x0  }
.Ltmp2:
0x167: {  	s31 =	sadd.s32 $0x700, s30;
	[sflag:s29] =	ssyncadd.s32 $0xFFFFFC00;
	(pc) =	sbr.rel @p1 .LBB2_6-.Ltmp2, $4  }
0x168: {  	[tilespmem:s11], [sflag:$0x8] =	stream.indirect.gather [spmem:s4], $0x8, s31, s28, $0xb8;
	[tilespmem:$0x13E80] =	vst v63  }
0x169: {  	_ =	swait.ge [sflag:s3], $0x400  }
0x16a: {  	[sflag:s3] =	ssyncset.done $0x0  }
0x16b: {  	s30 =	sadd.s32 $0x780, s30;
	[sflag:s3] =	ssyncadd.s32 $0xFFFFFC00  }
0x16c: {  	[tilespmem:s12], [sflag:$0x9] =	stream.indirect.gather [spmem:s4], $0x8, s30, s28, $0xb8;
	[tilespmem:$0x13E80] =	vst v63  }
0x16d: {  	_ =	swait.ge [sflag:s13], $0x400  }
0x16e: {  	[sflag:s13] =	ssyncset.done $0x0  }
0x16f: {  	s1 =	simm.s32 $0x4C00;
	[sflag:s13] =	ssyncadd.s32 $0xFFFFFC00  }
0x170: {  	[spmem:s2] =	stream.indirect.scatter.add.f32 [tilespmem:s0], [sflag:$0xA], $0x8, s1, s28, $0xb8;
	[tilespmem:$0x13E80] =	vst v63  }
0x171: {  	_ =	swait.ge [sflag:s14], $0x400  }
0x172: {  	[sflag:s14] =	ssyncset.done $0x0  }
0x173: {  	s23 =	simm.s32 $0x4C80;
	[sflag:s14] =	ssyncadd.s32 $0xFFFFFC00  }
0x174: {  	[spmem:s2] =	stream.indirect.scatter.add.f32 [tilespmem:s24], [sflag:$0xB], $0x8, s23, s28, $0xb8;
	[tilespmem:$0x13E80] =	vst v63  }
0x175: {  	_ =	swait.ge [sflag:s15], $0x400  }
0x176: {  	[sflag:s15] =	ssyncset.done $0x0  }
0x177: {  	s30 =	simm.s32 $0x4D00;
	[sflag:s15] =	ssyncadd.s32 $0xFFFFFC00  }
0x178: {  	[spmem:s2] =	stream.indirect.scatter.add.f32 [tilespmem:s26], [sflag:$0xC], $0x8, s30, s28, $0xb8;
	[tilespmem:$0x13E80] =	vst v63  }
0x179: {  	_ =	swait.ge [sflag:s16], $0x400  }
0x17a: {  	[sflag:s16] =	ssyncset.done $0x0  }
0x17b: {  	s1 =	simm.s32 $0x4D80;
	[sflag:s16] =	ssyncadd.s32 $0xFFFFFC00  }
0x17c: {  	[spmem:s2] =	stream.indirect.scatter.add.f32 [tilespmem:s25], [sflag:$0xD], $0x8, s1, s28, $0xb8;
	[tilespmem:$0x13E80] =	vst v63  }
0x17d: {  	_ =	swait.ge [sflag:s17], $0x400  }
0x17e: {  	[sflag:s17] =	ssyncset.done $0x0  }
0x17f: {  	s23 =	simm.s32 $0x4E00;
	[sflag:s17] =	ssyncadd.s32 $0xFFFFFC00  }
0x180: {  	[spmem:s2] =	stream.indirect.scatter.add.f32 [tilespmem:s6], [sflag:$0xE], $0x8, s23, s28, $0xb8;
	[tilespmem:$0x13E80] =	vst v63  }
0x181: {  	_ =	swait.ge [sflag:s18], $0x400  }
0x182: {  	[sflag:s18] =	ssyncset.done $0x0  }
0x183: {  	s30 =	simm.s32 $0x4E80;
	[sflag:s18] =	ssyncadd.s32 $0xFFFFFC00  }
0x184: {  	[spmem:s2] =	stream.indirect.scatter.add.f32 [tilespmem:s10], [sflag:$0xF], $0x8, s30, s28, $0xb8;
	[tilespmem:$0x13E80] =	vst v63  }
0x185: {  	_ =	swait.ge [sflag:s19], $0x400  }
0x186: {  	[sflag:s19] =	ssyncset.done $0x0  }
0x187: {  	s1 =	simm.s32 $0x4F00;
	[sflag:s19] =	ssyncadd.s32 $0xFFFFFC00  }
0x188: {  	[spmem:s2] =	stream.indirect.scatter.add.f32 [tilespmem:s11], [sflag:$0x10], $0x8, s1, s28, $0xb8;
	[tilespmem:$0x13E80] =	vst v63  }
0x189: {  	_ =	swait.ge [sflag:s22], $0x400  }
0x18a: {  	[sflag:s22] =	ssyncset.done $0x0  }
0x18b: {  	s23 =	simm.s32 $0x4F80;
	[sflag:s22] =	ssyncadd.s32 $0xFFFFFC00  }
0x18c: {  	[spmem:s2] =	stream.indirect.scatter.add.f32 [tilespmem:s12], [sflag:$0x11], $0x8, s23, s28, $0xb8;
	[tilespmem:$0x13E80] =	vst v63  }
0x18d: {  	_ =	swait.ge [sflag:s9], $0x400  }
0x18e: {  	[sflag:s9] =	ssyncset.done $0x0  }
0x18f: {  	[sflag:s9] =	ssyncadd.s32 $0xFFFFFC00  }
0x190: {  	_ =	swait.ge [sflag:s7], $0x400  }
0x191: {  	[sflag:s7] =	ssyncset.done $0x0  }
0x192: {  	[sflag:s7] =	ssyncadd.s32 $0xFFFFFC00  }
0x193: {  	_ =	swait.ge [sflag:s20], $0x400  }
0x194: {  	[sflag:s20] =	ssyncset.done $0x0  }
0x195: {  	[sflag:s20] =	ssyncadd.s32 $0xFFFFFC00  }
0x196: {  	_ =	swait.ge [sflag:s5], $0x400  }
0x197: {  	[sflag:s5] =	ssyncset.done $0x0  }
0x198: {  	[sflag:s5] =	ssyncadd.s32 $0xFFFFFC00  }
0x199: {  	_ =	swait.ge [sflag:s8], $0x400  }
0x19a: {  	[sflag:s8] =	ssyncset.done $0x0  }
0x19b: {  	[sflag:s8] =	ssyncadd.s32 $0xFFFFFC00  }
0x19c: {  	_ =	swait.ge [sflag:s21], $0x400  }
0x19d: {  	[sflag:s21] =	ssyncset.done $0x0  }
0x19e: {  	[sflag:s21] =	ssyncadd.s32 $0xFFFFFC00  }
0x19f: {  	_ =	swait.ge [sflag:s29], $0x400  }
0x1a0: {  	[sflag:s29] =	ssyncset.done $0x0  }
0x1a1: {  	[sflag:s29] =	ssyncadd.s32 $0xFFFFFC00  }
0x1a2: {  	_ =	swait.ge [sflag:s3], $0x400  }
0x1a3: {  	[sflag:s3] =	ssyncset.done $0x0  }
0x1a4: {  	[sflag:s3] =	ssyncadd.s32 $0xFFFFFC00  }
0x1a5: {  	[bflag:$0x0] =	sbarrier.arrive $0xFFFF  }
0x1a6: {  	s23 =	rddreg [dreg:$0x8]  }
0x1a7: {  	s30 =	rddreg [dreg:$0x12]  }
0x1a8: {  	s31 =	rddreg [dreg:$0x14]  }
0x1a9: {  	[hbm:s30], [sflag:s23] =	dma.local [spmem:s31], $0x280  }
0x1aa: {  	s30 =	simm.s32 $0x12  }
0x1ab: {  	_ =	swait.ge [sflag:s30], $0x280  }
0x1ac: {  	s0 =	rddreg [dreg:$0x16]  }
0x1ad: {  	s1 =	sadd.s32 $0x1, s0;
	s0 =	rddreg [dreg:$0x13]  }
0x1ae: {  	p1 =	sne.s32 s1, s0  }
.Ltmp3:
0x1af: {  	_ = 	snop;
	(pc) =	sbr.rel @p1 .LBB2_1-.Ltmp3, $3  }
0x1b0: {  	_ =	sdelay $0x1  }
0x1b1: {  	[sflag:s30] =	ssyncset.done $0x0  }
0x1b2: {  	[sflag:s30] =	ssyncadd.s32 $0xFFFFFD80  }
0x1b3: {  	_ =	sfence.sel $0x180000  }
0x1b4: {  	[bflag:$0x0] =	sbarrier.arrive $0xFFFF  }
0x1b5: {  	_ =	strace $0x90000047  }
0x1b6: {  	s0 =	stileid.u32;
	[bflag:$0x2] =	sbarrier.arrive $0xFFFF  }
0x1b7: {  	p0 =	sne.s32 s0, $0x0;
	s0 =	rddreg [dreg:$0x5]  }
0x1b8: {  	s0 =	sadd.s32 @!p0 $0x100000, s0  }
0x1b9: {  	[sflag:s0] =	ssyncadd.tile.s32 @!p0 $0x1;
	_ =	shalt  }
.Lfunc_end2:
_tile_overlayer_lowered:
.L_overlay_start_2:
0x1ba: {  	(tag) =	ssettag $0x2  }
0x1bb: {  	s0 =	rddreg [dreg:$0x0];
	s2 =	stileid.u32  }
0x1bc: {  	s1 =	rddreg [dreg:$0x1];
	p0 =	sne.s32 s2, $0x0  }
0x1bd: {  	s3 =	rddreg [dreg:$0x2];
	[bflag:$0x3] =	sbarrier.arrive $0xFFFF;
	s2 =	simm.s32 @!p0 $0x1C12  }
0x1be: {  	[timem:s3], [sflag:s2] =	dma.local @!p0 [hbm:s0], s1  }
0x1bf: {  	s0 =	simm.s32 @!p0 $0x12  }
0x1c0: {  	_ =	swait.ge @!p0 [sflag:s0], s1  }
0x1c1: {  	s1 =	ssub.s32 @!p0 $0x0, s1;
	[sflag:s0] =	ssyncset.done @!p0 $0x0  }
0x1c2: {  	[sflag:s0] =	ssyncadd.s32 @!p0 s1  }
0x1c3: {  	[bflag:$0x3] =	sbarrier.arrive $0xFFFF  }
0x1c4: {  	_ =	shalt  }

// kernel: kernel.9.cloned.1.call-start
scs
__scs_entry_jumppad:
0x0: {  	(pc) =	sbr.rel $0x88, $3  }
0x1: {  	(tag) =	ssettag $0x0;
	lr =	simm.s32 $0x1  }
0x2: {  	[smem:$0x3F9B] =	sst lr;
	_ =	strace $0xD0000000  }
0x3: {  	_ = 	snop  }
0x4: {  	_ = 	snop  }
0x5: {  	_ = 	snop  }
0x6: {  	_ = 	snop  }
0x7: {  	_ = 	snop  }
__scs_overlays_trampoline_lowered:
0x8: {  	[smem:$0x3FAA] =	sst s0  }
0x9: {  	[smem:$0x3FAB] =	sst s1  }
0xa: {  	[smem:$0x3FAC] =	sst s2  }
0xb: {  	[smem:$0x3FAD] =	sst s3  }
0xc: {  	[smem:$0x3FAE] =	sst s4  }
0xd: {  	[smem:$0x3FAF] =	sst s5  }
0xe: {  	[smem:$0x3FB0] =	sst s6  }
0xf: {  	[smem:$0x3FB1] =	sst s7  }
0x10: {  	[smem:$0x3FB2] =	sst s8  }
0x11: {  	[smem:$0x3FB3] =	sst s9;
	s0 =	simm.s32 @!p0 $0x0  }
0x12: {  	s1 =	sld [smem:$0x3F99];
	s0 =	simm.s32 @p0 $0x1  }
0x13: {  	[smem:$0x3FB4] =	sst s0;
	s0 =	simm.s32 @!p1 $0x0  }
0x14: {  	s2 =	sld [smem:$0x3F98];
	s0 =	simm.s32 @p1 $0x1  }
0x15: {  	[smem:$0x3FB5] =	sst s0;
	s0 =	simm.s32 @!p2 $0x0  }
0x16: {  	s3 =	sld [smem:$0x3FDB];
	s0 =	simm.s32 @p2 $0x1  }
0x17: {  	s4 =	simm.s32 $0x1BF5;
	[smem:$0x3FB7] =	sst s0  }
0x18: {  	s0 =	sld [smem:$0x3F9A];
	_ =	swait.ge [sflag:s4], $0x0  }
0x19: {  	s7 =	sld [smem:$0x3F9B]  }
0x1a: {  	s8 =	sadd.s32 $0xFFFFE003, lr  }
0x1b: {  	s9 =	sadd.s32 $0xFFFFFEF7, lr;
	s5 =	simm.s32 $0xFFFFFFFF;
	p2 =	slt.u32 s8, $0xFFFFF086  }
0x1c: {  	p1 =	slt.u32 s9, $0xF7A;
	s5 =	simm.s32 @!p2 $0x0  }
0x1d: {  	s5 =	simm.s32 @p1 $0x1;
	p0 =	seq.s32 s7, s2  }
0x1e: {  	s7 =	smul.u32 @!p0 $0xF7A, s2;
	p2 =	seq.s32 @!p0 s5, $0x0  }
0x1f: {  	s9 =	smul.u32 $0xF7A, s1;
	s8 =	simm.s32 @!p0 $0x1BF5;
	p2 =	por !p2, p0  }
0x20: {  	[sflag:s8] =	ssyncset.s32 @!p0 $0xFFFFF086;
	s6 =	sadd.s32 @!p0 s3, s7;
	s7 =	simm.s32 @!p0 $0x108  }
0x21: {  	s3 =	sadd.s32 s3, s9;
	s6 =	sadd.s32 @!p0 $0x88, s6;
	s7 =	simm.s32 @p2 $0x1082  }
0x22: {  	[simem:s7], [sflag:s8] =	dma.local @!p0 [hbm:s6], $0xF7A  }
0x23: {  	s9 =	sor.u32 $0xD0000000, s2;
	s6 =	simm.s32 $0x108;
	_ =	swait.ge @!p0 [sflag:s8], $0x0  }
0x24: {  	s3 =	sadd.s32 $0x88, s3;
	s6 =	simm.s32 @!p1 $0x1082;
	[sflag:s4] =	ssyncset.s32 $0xFFFFF086  }
0x25: {  	[simem:s6], [sflag:s4] =	dma.local [hbm:s3], $0xF7A  }
0x26: {  	[smem:$0x3F9B] =	sst s1;
	(tag) =	ssettag s2;
	_ =	strace s9  }
0x27: {  	s1 =	sld [smem:$0x3FAB]  }
0x28: {  	s2 =	sld [smem:$0x3FAC]  }
0x29: {  	s4 =	sld [smem:$0x3FAE]  }
0x2a: {  	p0 =	seq.s32 s5, $0x0;
	s5 =	sld [smem:$0x3FAF]  }
0x2b: {  	s6 =	sld [smem:$0x3FB0]  }
0x2c: {  	s7 =	sld [smem:$0x3FB1]  }
0x2d: {  	s3 =	simm.s32 $0x108;
	s8 =	sld [smem:$0x3FB2]  }
0x2e: {  	s3 =	simm.s32 @!p0 $0x1082;
	s9 =	sld [smem:$0x3FB3]  }
0x2f: {  	lr =	sadd.s32 s0, s3;
	s0 =	sld [smem:$0x3FAA]  }
0x30: {  	s3 =	sld [smem:$0x3FAD]  }
0x31: {  	[smem:$0x3FB6] =	sst s10  }
0x32: {  	s10 =	sld [smem:$0x3FB4];
	_ =	sdelay $0x3  }
0x33: {  	p0 =	seq.s32 s10, $0x1;
	s10 =	sld [smem:$0x3FB6];
	_ =	sdelay $0x3  }
0x34: {  	[smem:$0x3FB6] =	sst s10  }
0x35: {  	s10 =	sld [smem:$0x3FB5];
	_ =	sdelay $0x3  }
0x36: {  	p1 =	seq.s32 s10, $0x1;
	s10 =	sld [smem:$0x3FB6];
	_ =	sdelay $0x3  }
0x37: {  	[smem:$0x3FB6] =	sst s10  }
0x38: {  	s10 =	sld [smem:$0x3FB7]  }
0x39: {  	_ = 	snop;
	(pc) =	sbr.ind lr, $3  }
0x3a: {  	_ = 	snop  }
0x3b: {  	_ = 	snop  }
0x3c: {  	p2 =	seq.s32 s10, $0x1;
	s10 =	sld [smem:$0x3FB6]  }
0x3d: {  	_ =	shalt  }
0x3e: {  	_ =	shalt  }
0x3f: {  	_ =	shalt  }
0x40: {  	_ =	shalt  }
0x41: {  	_ =	shalt  }
0x42: {  	_ =	shalt  }
0x43: {  	_ =	shalt  }
0x44: {  	_ =	shalt  }
0x45: {  	_ =	shalt  }
0x46: {  	_ =	shalt  }
0x47: {  	_ =	shalt  }
0x48: {  	_ =	shalt  }
0x49: {  	_ =	shalt  }
0x4a: {  	_ =	shalt  }
0x4b: {  	_ =	shalt  }
0x4c: {  	_ =	shalt  }
0x4d: {  	_ =	shalt  }
0x4e: {  	_ =	shalt  }
0x4f: {  	_ =	shalt  }
0x50: {  	_ =	shalt  }
0x51: {  	_ =	shalt  }
0x52: {  	_ =	shalt  }
0x53: {  	_ =	shalt  }
0x54: {  	_ =	shalt  }
0x55: {  	_ =	shalt  }
0x56: {  	_ =	shalt  }
0x57: {  	_ =	shalt  }
0x58: {  	_ =	shalt  }
0x59: {  	_ =	shalt  }
0x5a: {  	_ =	shalt  }
0x5b: {  	_ =	shalt  }
0x5c: {  	_ =	shalt  }
0x5d: {  	_ =	shalt  }
0x5e: {  	_ =	shalt  }
0x5f: {  	_ =	shalt  }
0x60: {  	_ =	shalt  }
0x61: {  	_ =	shalt  }
0x62: {  	_ =	shalt  }
0x63: {  	_ =	shalt  }
0x64: {  	_ =	shalt  }
0x65: {  	_ =	shalt  }
0x66: {  	_ =	shalt  }
0x67: {  	_ =	shalt  }
0x68: {  	_ =	shalt  }
0x69: {  	_ =	shalt  }
0x6a: {  	_ =	shalt  }
0x6b: {  	_ =	shalt  }
0x6c: {  	_ =	shalt  }
0x6d: {  	_ =	shalt  }
0x6e: {  	_ =	shalt  }
0x6f: {  	_ =	shalt  }
0x70: {  	_ =	shalt  }
0x71: {  	_ =	shalt  }
0x72: {  	_ =	shalt  }
0x73: {  	_ =	shalt  }
0x74: {  	_ =	shalt  }
0x75: {  	_ =	shalt  }
0x76: {  	_ =	shalt  }
0x77: {  	_ =	shalt  }
0x78: {  	_ =	shalt  }
0x79: {  	_ =	shalt  }
0x7a: {  	_ =	shalt  }
0x7b: {  	_ =	shalt  }
0x7c: {  	_ =	shalt  }
0x7d: {  	_ =	shalt  }
0x7e: {  	_ =	shalt  }
0x7f: {  	_ =	shalt  }
0x80: {  	_ =	shalt  }
0x81: {  	_ =	shalt  }
0x82: {  	_ =	shalt  }
0x83: {  	_ =	shalt  }
0x84: {  	_ =	shalt  }
0x85: {  	_ =	shalt  }
0x86: {  	_ =	shalt  }
0x87: {  	_ =	shalt  }
.Lfunc_end0:
.L_simem_size_0:
called_computation.1_lowered:
.L_overlay_start_0:
0x88: {  	s2 =	sld [smem:$0x3FD9]  }
0x89: {  	s3 =	sld [smem:$0x3FFE];
	_ =	sdelay $0x1  }
0x8a: {  	s1 =	srdreg.scid  }
0x8b: {  	s0 =	sand.u32 $0x1, s1  }
0x8c: {  	s17 =	sshll.u32 s0, $0xA;
	s2 =	sadd.s32 s3, s2  }
0x8d: {  	s2 =	sadd.s32 s2, s17  }
0x8e: {  	[smem:$0x3FC2] =	sst s2  }
0x8f: {  	_ = 	snop  }
0x90: {  	s2 =	sld [smem:$0x3FD0];
	(tm) =	ssettm $0x1  }
0x91: {  	s18 =	sld [smem:$0x3FFB];
	_ =	sdelay $0x3  }
0x92: {  	_ =	strace s18  }
0x93: {  	s3 =	sld [smem:$0x3FFC];
	_ =	sdelay $0x3  }
0x94: {  	_ =	strace s3  }
0x95: {  	s3 =	sld [smem:$0x3FFD];
	_ =	sdelay $0x3  }
0x96: {  	_ =	strace s3  }
0x97: {  	_ =	strace $0x8FFFFFFF  }
0x98: {  	s19 =	sld [smem:$0x3FDB];
	_ =	sdelay $0x1  }
0x99: {  	s4 =	simm.s32 $_scs_section_size  }
0x9a: {  	s5 =	simm.s32 $_size__tile_overlayer_lowered;
	s6 =	simm.s32 $_tile_overlayer_lowered  }
0x9b: {  	s22 =	simm.s32 $0x1BFF;
	s21 =	sshll.u32 s6, $0x1;
	s3 =	sadd.s32 s4, s19  }
0x9c: {  	s7 =	simm.s32 $0x0;
	s20 =	sshll.u32 s5, $0x1;
	s5 =	sadd.s32 s21, s3  }
0x9d: {  	[timem:s7], [sflag:s22] =	dma.local [hbm:s5], s20  }
0x9e: {  	_ =	swait.ge [sflag:s22], s20  }
0x9f: {  	s4 =	ssub.s32 $0x0, s20;
	[sflag:s22] =	ssyncset.done $0x0  }
0xa0: {  	[sflag:s22] =	ssyncadd.s32 s4;
	_ =	sdelay $0x1  }
0xa1: {  	s23 =	simm.s32 $0x1B8B  }
0xa2: {  	_ =	swait.ge [sflag:s23], $0x1  }
0xa3: {  	[sflag:s23] =	ssyncset.done $0x0  }
0xa4: {  	s25 =	simm.s32 $0x1B8E;
	s24 =	sld [smem:$0x3FFE];
	[sflag:s23] =	ssyncadd.s32 $0xFFFFFFFF  }
0xa5: {  	s26 =	simm.s32 $execute0_lowered;
	[smem:$0x3FD2] =	sst s25  }
0xa6: {  	s5 =	sshll.u32 s26, $0x1;
	_ =	strace $0x80000049;
	[dreg:$0x1] =	wrdreg $0xFFFFFFFF  }
0xa7: {  	s28 =	simm.s32 $_size_execute0_lowered;
	s3 =	sadd.s32 s3, s5;
	[dreg:$0x0] =	wrdreg $0x0  }
0xa8: {  	s5 =	sshll.u32 s28, $0x1;
	[dreg:$0x2] =	wrdreg s3  }
0xa9: {  	[dreg:$0x3] =	wrdreg s5  }
0xaa: {  	[dreg:$0x4] =	wrdreg $0xC0  }
0xab: {  	_ =	task [dreg:s7], $0x5FFFF  }
0xac: {  	[dreg:$0x1] =	wrdreg $0xFFFFFFFF  }
0xad: {  	[dreg:$0x0] =	wrdreg $0x60  }
0xae: {  	[dreg:$0x2] =	wrdreg s24  }
0xaf: {  	[dreg:$0x3] =	wrdreg s2  }
0xb0: {  	[dreg:$0x4] =	wrdreg $0x70000  }
0xb1: {  	[dreg:$0x5] =	wrdreg $0x84000  }
0xb2: {  	[dreg:$0x6] =	wrdreg $0x9  }
0xb3: {  	_ =	task.clear_ibuf [dreg:s7], $0x7FFFF;
	_ =	strace $0x90000049  }
0xb4: {  	s29 =	simm.s32 $0x9;
	_ =	strace $0x8000004B  }
0xb5: {  	_ =	swait.ge [sflag:s29], $0x1  }
0xb6: {  	[sflag:s29] =	ssyncadd.s32 $0xFFFFFFFF  }
0xb7: {  	_ =	strace $0x9000004B  }
0xb8: {  	_ =	sfence  }
0xb9: {  	s30 =	sld [smem:$0x0];
	_ =	sdelay $0x2  }
0xba: {  	s31 =	sshll.u32 s1, $0xD;
	s1 =	sshrl.u32 s1, $0x2  }
0xbb: {  	s3 =	sand.u32 $0x4000, s31;
	s1 =	sadd.s32 s1, s30  }
0xbc: {  	s0 =	sor.u32 s3, s0;
	s1 =	sshll.u32 s1, $0x11  }
0xbd: {  	s0 =	sor.u32 s1, s0  }
0xbe: {  	s0 =	sadd.s32 $0x8F2B, s0  }
0xbf: {  	[sflag:s0] =	ssyncadd.remote.s32 $0x1  }
0xc0: {  	_ =	sfence.sel $0xFFFF  }
0xc1: {  	[dreg:$0x0] =	wrdreg $0xFFFFFFFF;
	(pc) =	sbr.abs _section_cstart, $3  }
0xc2: {  	[dreg:$0x1] =	wrdreg $0xFFFFFFFF  }
0xc3: {  	_ =	task.clear_ibuf [dreg:s7], $0x2FFFF;
	_ =	strace $0x9FFFFFFF  }
0xc4: {  	(tm) =	ssettm $0x7FFFFFFF  }
0xc5: {  	_ =	shalt  }
tec
execute0_lowered:
.L_overlay_start_1:
0x0: {  	(tag) =	ssettag $0x1  }
0x1: {  	s0 =	rddreg [dreg:$0x0]  }
0x2: {  	s1 =	rddreg [dreg:$0x1]  }
0x3: {  	s2 =	rddreg [dreg:$0x2]  }
0x4: {  	s3 =	rddreg [dreg:$0x3]  }
0x5: {  	s13 =	stileid.u32;
	s4 =	srdreg.scid;
	s8 =	simm.s32 $0x0  }
0x6: {  	s29 =	simm.s32 $0x5800;
	s31 =	simm.s32 $0x5C00;
	s30 =	simm.s32 $0x6800  }
0x7: {  	s28 =	simm.s32 $0x1;
	s5 =	smul.u32 $0x50, s13;
	s4 =	sand.u32 $0x1, s4  }
0x8: {  	s7 =	smul.u32 $0x1400, s13;
	[smem:$0x7FF] =	sst s8;
	s9 =	sadd.s32 $0x18A00, s0  }
0x9: {  	s15 =	sshll.u32 s13, $0x6;
	s6 =	sshll.u32 s4, $0x4;
	s12 =	smul.u32 $0x14000, s4  }
0xa: {  	_ =	strace $0x8000004A;
	[dreg:$0x5] =	wrdreg s9;
	s10 =	ssub.s32 $0x2, s4  }
0xb: {  	s19 =	sor.u32 $0x1C11, s15;
	p0 =	sne.s32 s4, $0x0;
	s9 =	simm.s32 $0x6  }
0xc: {  	s15 =	simm.s32 $0xC;
	s6 =	sor.u32 s13, s6;
	s5 =	sadd.s32 s5, s0  }
0xd: {  	s11 =	sshrl.u32 s7, $0x3;
	s16 =	sadd.s32 s7, s2;
	s24 =	sadd.s32 s7, s3  }
0xe: {  	s13 =	simm.s32 $0xA;
	[dreg:$0x7] =	wrdreg s19;
	s6 =	smul.u32 $0x500, s6  }
0xf: {  	s8 =	sadd.s32 s7, s12;
	s12 =	sshrl.u32 s10, $0x1;
	s23 =	sadd.s32 $0x18400, s5  }
0x10: {  	[dreg:$0xe] =	wrdreg s24;
	s24 =	simm.s32 $0x80;
	s5 =	simm.s32 $0x3  }
0x11: {  	s8 =	sshrl.u32 s8, $0x3;
	s10 =	ssub.s32 s10, s12;
	[dreg:$0xd] =	wrdreg s23  }
0x12: {  	s14 =	sadd.s32 s6, s0;
	s8 =	sadd.s32 s8, s0;
	s1 =	sadd.s32 s1, s6  }
0x13: {  	s0 =	sadd.s32 s11, s0;
	s26 =	smax.u32 s10, $0x1;
	[dreg:$0x8] =	wrdreg s1  }
0x14: {  	s7 =	simm.s32 $0xF;
	s17 =	sadd.s32 $0xE200, s0;
	[dreg:$0x11] =	wrdreg s26  }
0x15: {  	s23 =	simm.s32 $0x11;
	s18 =	sadd.s32 $0x4200, s14;
	[dreg:$0x6] =	wrdreg s17  }
0x16: {  	s12 =	simm.s32 $0x9;
	s20 =	sadd.s32 $0x10C00, s0;
	[dreg:$0x9] =	wrdreg s18  }
0x17: {  	s6 =	simm.s32 $0x4;
	s21 =	sadd.s32 $0x13400, s0;
	[dreg:$0xa] =	wrdreg s20  }
0x18: {  	s10 =	simm.s32 $0x7;
	s22 =	sadd.s32 $0x15C00, s0;
	[dreg:$0xb] =	wrdreg s21  }
0x19: {  	s11 =	simm.s32 $0x8;
	s0 =	sadd.s32 $0x1A00, s0;
	[dreg:$0xc] =	wrdreg s22  }
0x1a: {  	s25 =	sadd.s32 $0x18C00, s8;
	s1 =	simm.s32 $0x6000;
	[dreg:$0xf] =	wrdreg s0  }
0x1b: {  	s8 =	simm.s32 $0x5;
	s14 =	simm.s32 $0xB;
	[dreg:$0x10] =	wrdreg s25  }
0x1c: {  	s21 =	sshrl.u32 s16, $0x3;
	s22 =	simm.s32 $0x6400;
	s20 =	simm.s32 $0x6C00  }
0x1d: {  	v1 =	vlaneseq.u32;
	s0 =	simm.s32 $0x2;
	s16 =	simm.s32 $0xD;
	s17 =	simm.s32 $0xE  }
0x1e: {  	v0 =	vshrl.u32 v1, $0x3;
	v1 =	vand.u32 $0x7, v1;
	s18 =	simm.s32 $0x10;
	s25 =	simm.s32 $0x0;
	[dreg:$0x12] =	wrdreg s21  }
.LBB2_1:
0x1f: {  	[dreg:$0x13] =	wrdreg s25  }
0x20: {  	s4 =	rddreg [dreg:$0x6]  }
0x21: {  	[spmem:s21], [sflag:s19] =	dma.local [hbm:s4], $0x280  }
0x22: {  	_ =	swait.ge [sflag:s23], $0x280  }
0x23: {  	s26 =	simm.s32 $0x0;
	[sflag:s23] =	ssyncset.done $0x0  }
0x24: {  	s25 =	rddreg [dreg:$0x8];
	[sflag:s23] =	ssyncadd.s32 $0xFFFFFD80;
	s23 =	simm.s32 $0x11  }
0x25: {  	[tilespmem:s26], [sflag:$0x11] =	stream.linear.gather [hbm4b:s25+s26], $0x2800, $0x38;
	[tilespmem:$0xEA90] =	vst v63  }
0x26: {  	_ =	swait.ge [sflag:s23], $0x2800  }
0x27: {  	[sflag:s23] =	ssyncset.done $0x0  }
0x28: {  	s21 =	simm.s32 $0x2800;
	s19 =	rddreg [dreg:$0x9];
	[sflag:s23] =	ssyncadd.s32 $0xFFFFD800  }
0x29: {  	[tilespmem:s21], [sflag:$0x11] =	stream.linear.gather [hbm4b:s19+s26], $0x2800, $0x38;
	[tilespmem:$0xEA90] =	vst v63  }
0x2a: {  	_ =	swait.ge [sflag:s23], $0x2800  }
0x2b: {  	[sflag:s23] =	ssyncset.done $0x0  }
0x2c: {  	s4 =	simm.s32 $0x9800;
	s25 =	rddreg [dreg:$0xa];
	[sflag:s23] =	ssyncadd.s32 $0xFFFFD800  }
0x2d: {  	[tilespmem:s4], [sflag:$0x11] =	stream.linear.gather [hbm4b:s25+s26], $0x1400, $0x38;
	[tilespmem:$0xEA90] =	vst v63  }
0x2e: {  	_ =	swait.ge [sflag:s23], $0x1400  }
0x2f: {  	[sflag:s23] =	ssyncset.done $0x0  }
0x30: {  	s19 =	simm.s32 $0xAC00;
	s25 =	rddreg [dreg:$0xb];
	[sflag:s23] =	ssyncadd.s32 $0xFFFFEC00  }
0x31: {  	[tilespmem:s19], [sflag:$0x11] =	stream.linear.gather [hbm4b:s25+s26], $0x1400, $0x38;
	[tilespmem:$0xEA90] =	vst v63  }
0x32: {  	_ =	swait.ge [sflag:s23], $0x1400  }
0x33: {  	[sflag:s23] =	ssyncset.done $0x0  }
0x34: {  	s19 =	simm.s32 $0xC000;
	s25 =	rddreg [dreg:$0xc];
	[sflag:s23] =	ssyncadd.s32 $0xFFFFEC00  }
0x35: {  	[tilespmem:s19], [sflag:$0x11] =	stream.linear.gather [hbm4b:s25+s26], $0x1400, $0x38;
	[tilespmem:$0xEA90] =	vst v63  }
0x36: {  	_ =	swait.ge [sflag:s23], $0x1400  }
0x37: {  	[sflag:s23] =	ssyncset.done $0x0  }
0x38: {  	s25 =	simm.s32 $0xD400;
	s21 =	rddreg [dreg:$0xd];
	[sflag:s23] =	ssyncadd.s32 $0xFFFFEC00  }
0x39: {  	[tilespmem:s25], [sflag:$0x11] =	stream.linear.gather [hbm4b:s21+s26], $0x280, $0x38;
	[tilespmem:$0xEA90] =	vst v63  }
0x3a: {  	_ =	swait.ge [sflag:s23], $0x280  }
0x3b: {  	[sflag:s23] =	ssyncset.done $0x0  }
0x3c: {  	s21 =	rddreg [dreg:$0x5];
	[sflag:s23] =	ssyncadd.s32 $0xFFFFFD80;
	s23 =	simm.s32 $0xD680  }
0x3d: {  	[tilespmem:s23], [sflag:$0x11] =	stream.linear.gather [hbm4b:s21+s26], $0x10, $0x38;
	[tilespmem:$0xEA90] =	vst v63  }
0x3e: {  	s23 =	simm.s32 $0x11  }
0x3f: {  	_ =	swait.ge [sflag:s23], $0x10  }
0x40: {  	[sflag:s23] =	ssyncset.done $0x0  }
0x41: {  	[sflag:s23] =	ssyncadd.s32 $0xFFFFFFF0;
	s23 =	simm.s32 $0xAC00  }
0x42: {  	v3 =	vor.u32 s26, v0;
	v2 =	vld [tilespmem:s23+$0x0]  }
0x43: {  	v4 =	vld [tilespmem:s4+$0x0];
	_ =	sdelay $0x1  }
0x44: {  	v5 =	vld [tilespmem:s19+$0x0];
	_ =	sdelay $0x1  }
0x45: {  	v6 =	vld.idx.msk [tilespmem:v3+s25+$0x0], $0xffff  }
0x46: {  	v4 =	vadd.f32 v2, v4  }
0x47: {  	v2 =	vld [tilespmem:$0xD680]  }
0x48: {  	v4 =	vadd.f32 v5, v4;
	_ =	sdelay $0x1  }
0x49: {  	v4 =	vmul.f32 v6, v4;
	_ =	sdelay $0x1  }
0x4a: {  	v4 =	vadd.f32 v4, v2  }
0x4b: {  	v3 =	vshll.u32 v3, $0x3  }
0x4c: {  	v7 =	vor.u32 v1, v3;
	v5 =	vmul.f32 $9.999999770e-03, v4  }
0x4d: {  	vm0 =	vge.f32 v4, $0.0e+00  }
0x4e: {  	v3 =	vsel vm0, v4, v5  }
0x4f: {  	s26 =	simm.s32 $0x2;
	v4 =	vmul.f32 v3, v6  }
0x50: {  	v3 =	vor.u32 s26, v0;
	s26 =	simm.s32 $0xD690  }
0x51: {  	s21 =	simm.s32 $0x4;
	s23 =	simm.s32 $0xAC10;
	[tilespmem:v7+s26+$0x0] =	vst.idx.msk $0xffff, v4  }
.LBB2_2:
0x52: {  	p1 =	sne.s32 s21, $0x27E;
	v4 =	vld [tilespmem:s23+$0x0];
	s4 =	sadd.s32 $0x10, s4  }
0x53: {  	v5 =	vld [tilespmem:s4+$0x0]  }
0x54: {  	s19 =	sadd.s32 $0x10, s19  }
0x55: {  	v6 =	vld [tilespmem:s19+$0x0]  }
0x56: {  	v7 =	vld.idx.msk [tilespmem:v3+s25+$0x0], $0xffff;
	_ =	sdelay $0x1  }
0x57: {  	v4 =	vadd.f32 v4, v5;
	_ =	sdelay $0x1  }
0x58: {  	v4 =	vadd.f32 v6, v4;
	_ =	sdelay $0x1  }
0x59: {  	v4 =	vmul.f32 v7, v4;
	_ =	sdelay $0x1  }
0x5a: {  	v4 =	vadd.f32 v4, v2  }
0x5b: {  	v3 =	vshll.u32 v3, $0x3  }
0x5c: {  	v6 =	vor.u32 v1, v3;
	v5 =	vmul.f32 $9.999999770e-03, v4  }
.Ltmp0:
0x5d: {  	vm0 =	vge.f32 v4, $0.0e+00;
	(pc) =	sbr.rel @p1 .LBB2_2-.Ltmp0, $3  }
0x5e: {  	v3 =	vsel vm0, v4, v5  }
0x5f: {  	v4 =	vmul.f32 v3, v7;
	_ =	sdelay $0x1  }
0x60: {  	s23 =	sadd.s32 $0x10, s23;
	v3 =	vor.u32 s21, v0;
	s21 =	sadd.s32 $0x2, s21;
	[tilespmem:v6+s26+$0x0] =	vst.idx.msk $0xffff, v4  }
0x61: {  	v4 =	vld [tilespmem:s23+$0x0];
	s4 =	sadd.s32 $0x10, s4  }
0x62: {  	v5 =	vld [tilespmem:s4+$0x0]  }
0x63: {  	s23 =	sadd.s32 $0x10, s19  }
0x64: {  	v6 =	vld [tilespmem:s23+$0x0];
	_ =	sdelay $0x1  }
0x65: {  	v7 =	vld.idx.msk [tilespmem:v3+s25+$0x0], $0xffff  }
0x66: {  	v4 =	vadd.f32 v4, v5;
	_ =	sdelay $0x1  }
0x67: {  	v4 =	vadd.f32 v6, v4;
	_ =	sdelay $0x1  }
0x68: {  	v4 =	vmul.f32 v7, v4;
	_ =	sdelay $0x1  }
0x69: {  	v2 =	vadd.f32 v4, v2  }
0x6a: {  	v3 =	vshll.u32 v3, $0x3  }
0x6b: {  	v3 =	vor.u32 v1, v3;
	v4 =	vmul.f32 $9.999999770e-03, v2  }
0x6c: {  	vm0 =	vge.f32 v2, $0.0e+00  }
0x6d: {  	v2 =	vsel vm0, v2, v4  }
0x6e: {  	v2 =	vmul.f32 v2, v7;
	_ =	sdelay $0x1  }
0x6f: {  	s25 =	rddreg [dreg:$0xe];
	s23 =	simm.s32 $0x11;
	[tilespmem:v3+s26+$0x0] =	vst.idx.msk $0xffff, v2  }
0x70: {  	[spmem:s25] =	stream.linear.scatter [tilespmem:s26], [sflag:$0x11], $0x1400, $0x38;
	[tilespmem:$0xEA90] =	vst v63  }
0x71: {  	_ =	swait.ge [sflag:s23], $0x1400  }
0x72: {  	s19 =	simm.s32 @!p0 $0xD690;
	[sflag:s23] =	ssyncset.done $0x0  }
0x73: {  	s4 =	simm.s32 @!p0 $0x0;
	s21 =	rddreg [dreg:$0xf];
	[sflag:s23] =	ssyncadd.s32 $0xFFFFEC00  }
0x74: {  	[hbm4b:s21+s4] =	stream.linear.scatter @!p0 [tilespmem:s19], [sflag:$0x11], $0x1400, $0x38;
	[tilespmem:$0xEA90] =	vst v63  }
0x75: {  	s4 =	simm.s32 @!p0 $0x11  }
0x76: {  	_ =	swait.ge @!p0 [sflag:s4], $0x1400  }
0x77: {  	[sflag:s4] =	ssyncset.done @!p0 $0x0  }
0x78: {  	[sflag:s4] =	ssyncadd.s32 @!p0 $0xFFFFEC00  }
0x79: {  	s25 =	simm.s32 $0x5000;
	s19 =	simm.s32 $0x0;
	[bflag:$0x0] =	sbarrier.arrive $0xFFFF  }
0x7a: {  	[tilespmem:s25], [sflag:$0x1] =	stream.indirect.gather [spmem:s3], $0x8, s19, s24, $0xb8;
	[tilespmem:$0xEA90] =	vst v63  }
0x7b: {  	s26 =	simm.s32 $0x5400  }
0x7c: {  	[tilespmem:s26], [sflag:$0x2] =	stream.indirect.gather [spmem:s3], $0x8, s24, s24, $0xb8;
	[tilespmem:$0xEA90] =	vst v63  }
0x7d: {  	s21 =	simm.s32 $0x100  }
0x7e: {  	[tilespmem:s29], [sflag:$0x3] =	stream.indirect.gather [spmem:s3], $0x8, s21, s24, $0xb8;
	[tilespmem:$0xEA90] =	vst v63  }
0x7f: {  	s19 =	simm.s32 $0x180  }
0x80: {  	[tilespmem:s31], [sflag:$0x4] =	stream.indirect.gather [spmem:s3], $0x8, s19, s24, $0xb8;
	[tilespmem:$0xEA90] =	vst v63  }
0x81: {  	s21 =	simm.s32 $0x200  }
0x82: {  	[tilespmem:s1], [sflag:$0x5] =	stream.indirect.gather [spmem:s3], $0x8, s21, s24, $0xb8;
	[tilespmem:$0xEA90] =	vst v63  }
0x83: {  	s19 =	simm.s32 $0x280  }
0x84: {  	[tilespmem:s22], [sflag:$0x6] =	stream.indirect.gather [spmem:s3], $0x8, s19, s24, $0xb8;
	[tilespmem:$0xEA90] =	vst v63  }
0x85: {  	s21 =	simm.s32 $0x300  }
0x86: {  	[tilespmem:s30], [sflag:$0x7] =	stream.indirect.gather [spmem:s3], $0x8, s21, s24, $0xb8;
	[tilespmem:$0xEA90] =	vst v63  }
0x87: {  	s19 =	simm.s32 $0x380  }
0x88: {  	[tilespmem:s20], [sflag:$0x8] =	stream.indirect.gather [spmem:s3], $0x8, s19, s24, $0xb8;
	[tilespmem:$0xEA90] =	vst v63  }
0x89: {  	_ =	swait.ge [sflag:s28], $0x400  }
0x8a: {  	[sflag:s28] =	ssyncset.done $0x0  }
0x8b: {  	s21 =	simm.s32 $0x2800;
	[sflag:s28] =	ssyncadd.s32 $0xFFFFFC00  }
0x8c: {  	[spmem:s2] =	stream.indirect.scatter.add.f32 [tilespmem:s25], [sflag:$0x9], $0x8, s21, s24, $0xb8;
	[tilespmem:$0xEA90] =	vst v63  }
0x8d: {  	_ =	swait.ge [sflag:s0], $0x400  }
0x8e: {  	[sflag:s0] =	ssyncset.done $0x0  }
0x8f: {  	s19 =	simm.s32 $0x2880;
	[sflag:s0] =	ssyncadd.s32 $0xFFFFFC00  }
0x90: {  	[spmem:s2] =	stream.indirect.scatter.add.f32 [tilespmem:s26], [sflag:$0xA], $0x8, s19, s24, $0xb8;
	[tilespmem:$0xEA90] =	vst v63  }
0x91: {  	_ =	swait.ge [sflag:s5], $0x400  }
0x92: {  	[sflag:s5] =	ssyncset.done $0x0  }
0x93: {  	s21 =	simm.s32 $0x2900;
	[sflag:s5] =	ssyncadd.s32 $0xFFFFFC00  }
0x94: {  	[spmem:s2] =	stream.indirect.scatter.add.f32 [tilespmem:s29], [sflag:$0xB], $0x8, s21, s24, $0xb8;
	[tilespmem:$0xEA90] =	vst v63  }
0x95: {  	_ =	swait.ge [sflag:s6], $0x400  }
0x96: {  	[sflag:s6] =	ssyncset.done $0x0  }
0x97: {  	s19 =	simm.s32 $0x2980;
	[sflag:s6] =	ssyncadd.s32 $0xFFFFFC00  }
0x98: {  	[spmem:s2] =	stream.indirect.scatter.add.f32 [tilespmem:s31], [sflag:$0xC], $0x8, s19, s24, $0xb8;
	[tilespmem:$0xEA90] =	vst v63  }
0x99: {  	_ =	swait.ge [sflag:s8], $0x400  }
0x9a: {  	[sflag:s8] =	ssyncset.done $0x0  }
0x9b: {  	s21 =	simm.s32 $0x2A00;
	[sflag:s8] =	ssyncadd.s32 $0xFFFFFC00  }
0x9c: {  	[spmem:s2] =	stream.indirect.scatter.add.f32 [tilespmem:s1], [sflag:$0xD], $0x8, s21, s24, $0xb8;
	[tilespmem:$0xEA90] =	vst v63  }
0x9d: {  	_ =	swait.ge [sflag:s9], $0x400  }
0x9e: {  	[sflag:s9] =	ssyncset.done $0x0  }
0x9f: {  	s19 =	simm.s32 $0x2A80;
	[sflag:s9] =	ssyncadd.s32 $0xFFFFFC00  }
0xa0: {  	[spmem:s2] =	stream.indirect.scatter.add.f32 [tilespmem:s22], [sflag:$0xE], $0x8, s19, s24, $0xb8;
	[tilespmem:$0xEA90] =	vst v63  }
0xa1: {  	_ =	swait.ge [sflag:s10], $0x400  }
0xa2: {  	[sflag:s10] =	ssyncset.done $0x0  }
0xa3: {  	s21 =	simm.s32 $0x2B00;
	[sflag:s10] =	ssyncadd.s32 $0xFFFFFC00  }
0xa4: {  	[spmem:s2] =	stream.indirect.scatter.add.f32 [tilespmem:s30], [sflag:$0xF], $0x8, s21, s24, $0xb8;
	[tilespmem:$0xEA90] =	vst v63  }
0xa5: {  	_ =	swait.ge [sflag:s11], $0x400  }
0xa6: {  	[sflag:s11] =	ssyncset.done $0x0  }
0xa7: {  	s19 =	simm.s32 $0x2B80;
	[sflag:s11] =	ssyncadd.s32 $0xFFFFFC00  }
0xa8: {  	[spmem:s2] =	stream.indirect.scatter.add.f32 [tilespmem:s20], [sflag:$0x10], $0x8, s19, s24, $0xb8;
	[tilespmem:$0xEA90] =	vst v63  }
0xa9: {  	_ =	swait.ge [sflag:s12], $0x400  }
0xaa: {  	[sflag:s12] =	ssyncset.done $0x0  }
0xab: {  	s21 =	simm.s32 $0x400;
	[sflag:s12] =	ssyncadd.s32 $0xFFFFFC00  }
0xac: {  	[tilespmem:s25], [sflag:$0x1] =	stream.indirect.gather [spmem:s3], $0x8, s21, s24, $0xb8;
	[tilespmem:$0xEA90] =	vst v63  }
0xad: {  	_ =	swait.ge [sflag:s13], $0x400  }
0xae: {  	[sflag:s13] =	ssyncset.done $0x0  }
0xaf: {  	s19 =	simm.s32 $0x480;
	[sflag:s13] =	ssyncadd.s32 $0xFFFFFC00  }
0xb0: {  	[tilespmem:s26], [sflag:$0x2] =	stream.indirect.gather [spmem:s3], $0x8, s19, s24, $0xb8;
	[tilespmem:$0xEA90] =	vst v63  }
0xb1: {  	_ =	swait.ge [sflag:s14], $0x400  }
0xb2: {  	[sflag:s14] =	ssyncset.done $0x0  }
0xb3: {  	s21 =	simm.s32 $0x500;
	[sflag:s14] =	ssyncadd.s32 $0xFFFFFC00  }
0xb4: {  	[tilespmem:s29], [sflag:$0x3] =	stream.indirect.gather [spmem:s3], $0x8, s21, s24, $0xb8;
	[tilespmem:$0xEA90] =	vst v63  }
0xb5: {  	_ =	swait.ge [sflag:s15], $0x400  }
0xb6: {  	[sflag:s15] =	ssyncset.done $0x0  }
0xb7: {  	s19 =	simm.s32 $0x580;
	[sflag:s15] =	ssyncadd.s32 $0xFFFFFC00  }
0xb8: {  	[tilespmem:s31], [sflag:$0x4] =	stream.indirect.gather [spmem:s3], $0x8, s19, s24, $0xb8;
	[tilespmem:$0xEA90] =	vst v63  }
0xb9: {  	_ =	swait.ge [sflag:s16], $0x400  }
0xba: {  	[sflag:s16] =	ssyncset.done $0x0  }
0xbb: {  	s21 =	simm.s32 $0x600;
	[sflag:s16] =	ssyncadd.s32 $0xFFFFFC00  }
0xbc: {  	[tilespmem:s1], [sflag:$0x5] =	stream.indirect.gather [spmem:s3], $0x8, s21, s24, $0xb8;
	[tilespmem:$0xEA90] =	vst v63  }
0xbd: {  	_ =	swait.ge [sflag:s17], $0x400  }
0xbe: {  	[sflag:s17] =	ssyncset.done $0x0  }
0xbf: {  	s19 =	simm.s32 $0x680;
	[sflag:s17] =	ssyncadd.s32 $0xFFFFFC00  }
0xc0: {  	[tilespmem:s22], [sflag:$0x6] =	stream.indirect.gather [spmem:s3], $0x8, s19, s24, $0xb8;
	[tilespmem:$0xEA90] =	vst v63  }
0xc1: {  	_ =	swait.ge [sflag:s7], $0x400  }
0xc2: {  	[sflag:s7] =	ssyncset.done $0x0  }
0xc3: {  	s21 =	simm.s32 $0x700;
	[sflag:s7] =	ssyncadd.s32 $0xFFFFFC00  }
0xc4: {  	[tilespmem:s30], [sflag:$0x7] =	stream.indirect.gather [spmem:s3], $0x8, s21, s24, $0xb8;
	[tilespmem:$0xEA90] =	vst v63  }
0xc5: {  	_ =	swait.ge [sflag:s18], $0x400  }
0xc6: {  	[sflag:s18] =	ssyncset.done $0x0  }
0xc7: {  	s4 =	simm.s32 $0x1000;
	s19 =	simm.s32 $0x780;
	[sflag:s18] =	ssyncadd.s32 $0xFFFFFC00  }
.LBB2_4:
0xc8: {  	[tilespmem:s20], [sflag:$0x8] =	stream.indirect.gather [spmem:s3], $0x8, s19, s24, $0xb8;
	[tilespmem:$0xEA90] =	vst v63  }
0xc9: {  	s19 =	smov.u32 s4  }
0xca: {  	p1 =	sne.s32 s4, $0x8000;
	s4 =	sadd.s32 $0x1000, s4;
	_ =	swait.ge [sflag:s28], $0x400  }
0xcb: {  	s19 =	sshra.s32 s19, $0x2;
	[sflag:s28] =	ssyncset.done $0x0  }
0xcc: {  	s21 =	sadd.s32 $0x2800, s19;
	[sflag:s28] =	ssyncadd.s32 $0xFFFFFC00  }
0xcd: {  	[spmem:s2] =	stream.indirect.scatter.add.f32 [tilespmem:s25], [sflag:$0x9], $0x8, s21, s24, $0xb8;
	[tilespmem:$0xEA90] =	vst v63  }
0xce: {  	_ =	swait.ge [sflag:s0], $0x400  }
0xcf: {  	[sflag:s0] =	ssyncset.done $0x0  }
0xd0: {  	s21 =	sadd.s32 $0x2880, s19;
	[sflag:s0] =	ssyncadd.s32 $0xFFFFFC00  }
0xd1: {  	[spmem:s2] =	stream.indirect.scatter.add.f32 [tilespmem:s26], [sflag:$0xA], $0x8, s21, s24, $0xb8;
	[tilespmem:$0xEA90] =	vst v63  }
0xd2: {  	_ =	swait.ge [sflag:s5], $0x400  }
0xd3: {  	[sflag:s5] =	ssyncset.done $0x0  }
0xd4: {  	s21 =	sadd.s32 $0x2900, s19;
	[sflag:s5] =	ssyncadd.s32 $0xFFFFFC00  }
0xd5: {  	[spmem:s2] =	stream.indirect.scatter.add.f32 [tilespmem:s29], [sflag:$0xB], $0x8, s21, s24, $0xb8;
	[tilespmem:$0xEA90] =	vst v63  }
0xd6: {  	_ =	swait.ge [sflag:s6], $0x400  }
0xd7: {  	[sflag:s6] =	ssyncset.done $0x0  }
0xd8: {  	s21 =	sadd.s32 $0x2980, s19;
	[sflag:s6] =	ssyncadd.s32 $0xFFFFFC00  }
0xd9: {  	[spmem:s2] =	stream.indirect.scatter.add.f32 [tilespmem:s31], [sflag:$0xC], $0x8, s21, s24, $0xb8;
	[tilespmem:$0xEA90] =	vst v63  }
0xda: {  	_ =	swait.ge [sflag:s8], $0x400  }
0xdb: {  	[sflag:s8] =	ssyncset.done $0x0  }
0xdc: {  	s21 =	sadd.s32 $0x2A00, s19;
	[sflag:s8] =	ssyncadd.s32 $0xFFFFFC00  }
0xdd: {  	[spmem:s2] =	stream.indirect.scatter.add.f32 [tilespmem:s1], [sflag:$0xD], $0x8, s21, s24, $0xb8;
	[tilespmem:$0xEA90] =	vst v63  }
0xde: {  	_ =	swait.ge [sflag:s9], $0x400  }
0xdf: {  	[sflag:s9] =	ssyncset.done $0x0  }
0xe0: {  	s21 =	sadd.s32 $0x2A80, s19;
	[sflag:s9] =	ssyncadd.s32 $0xFFFFFC00  }
0xe1: {  	[spmem:s2] =	stream.indirect.scatter.add.f32 [tilespmem:s22], [sflag:$0xE], $0x8, s21, s24, $0xb8;
	[tilespmem:$0xEA90] =	vst v63  }
0xe2: {  	_ =	swait.ge [sflag:s10], $0x400  }
0xe3: {  	[sflag:s10] =	ssyncset.done $0x0  }
0xe4: {  	s21 =	sadd.s32 $0x2B00, s19;
	[sflag:s10] =	ssyncadd.s32 $0xFFFFFC00  }
0xe5: {  	[spmem:s2] =	stream.indirect.scatter.add.f32 [tilespmem:s30], [sflag:$0xF], $0x8, s21, s24, $0xb8;
	[tilespmem:$0xEA90] =	vst v63  }
0xe6: {  	_ =	swait.ge [sflag:s11], $0x400  }
0xe7: {  	[sflag:s11] =	ssyncset.done $0x0  }
0xe8: {  	s21 =	sadd.s32 $0x2B80, s19;
	[sflag:s11] =	ssyncadd.s32 $0xFFFFFC00  }
0xe9: {  	[spmem:s2] =	stream.indirect.scatter.add.f32 [tilespmem:s20], [sflag:$0x10], $0x8, s21, s24, $0xb8;
	[tilespmem:$0xEA90] =	vst v63  }
0xea: {  	_ =	swait.ge [sflag:s12], $0x400  }
0xeb: {  	[sflag:s12] =	ssyncset.done $0x0  }
0xec: {  	s21 =	sadd.s32 $0x400, s19;
	[sflag:s12] =	ssyncadd.s32 $0xFFFFFC00  }
0xed: {  	[tilespmem:s25], [sflag:$0x1] =	stream.indirect.gather [spmem:s3], $0x8, s21, s24, $0xb8;
	[tilespmem:$0xEA90] =	vst v63  }
0xee: {  	_ =	swait.ge [sflag:s13], $0x400  }
0xef: {  	[sflag:s13] =	ssyncset.done $0x0  }
0xf0: {  	s21 =	sadd.s32 $0x480, s19;
	[sflag:s13] =	ssyncadd.s32 $0xFFFFFC00  }
0xf1: {  	[tilespmem:s26], [sflag:$0x2] =	stream.indirect.gather [spmem:s3], $0x8, s21, s24, $0xb8;
	[tilespmem:$0xEA90] =	vst v63  }
0xf2: {  	_ =	swait.ge [sflag:s14], $0x400  }
0xf3: {  	[sflag:s14] =	ssyncset.done $0x0  }
0xf4: {  	s21 =	sadd.s32 $0x500, s19;
	[sflag:s14] =	ssyncadd.s32 $0xFFFFFC00  }
0xf5: {  	[tilespmem:s29], [sflag:$0x3] =	stream.indirect.gather [spmem:s3], $0x8, s21, s24, $0xb8;
	[tilespmem:$0xEA90] =	vst v63  }
0xf6: {  	_ =	swait.ge [sflag:s15], $0x400  }
0xf7: {  	[sflag:s15] =	ssyncset.done $0x0  }
0xf8: {  	s21 =	sadd.s32 $0x580, s19;
	[sflag:s15] =	ssyncadd.s32 $0xFFFFFC00  }
0xf9: {  	[tilespmem:s31], [sflag:$0x4] =	stream.indirect.gather [spmem:s3], $0x8, s21, s24, $0xb8;
	[tilespmem:$0xEA90] =	vst v63  }
0xfa: {  	_ =	swait.ge [sflag:s16], $0x400  }
0xfb: {  	[sflag:s16] =	ssyncset.done $0x0  }
0xfc: {  	s21 =	sadd.s32 $0x600, s19;
	[sflag:s16] =	ssyncadd.s32 $0xFFFFFC00  }
0xfd: {  	[tilespmem:s1], [sflag:$0x5] =	stream.indirect.gather [spmem:s3], $0x8, s21, s24, $0xb8;
	[tilespmem:$0xEA90] =	vst v63  }
0xfe: {  	_ =	swait.ge [sflag:s17], $0x400  }
0xff: {  	[sflag:s17] =	ssyncset.done $0x0  }
0x100: {  	s21 =	sadd.s32 $0x680, s19;
	[sflag:s17] =	ssyncadd.s32 $0xFFFFFC00  }
0x101: {  	[tilespmem:s22], [sflag:$0x6] =	stream.indirect.gather [spmem:s3], $0x8, s21, s24, $0xb8;
	[tilespmem:$0xEA90] =	vst v63  }
0x102: {  	_ =	swait.ge [sflag:s7], $0x400  }
0x103: {  	[sflag:s7] =	ssyncset.done $0x0  }
.Ltmp1:
0x104: {  	s21 =	sadd.s32 $0x700, s19;
	[sflag:s7] =	ssyncadd.s32 $0xFFFFFC00;
	(pc) =	sbr.rel @p1 .LBB2_4-.Ltmp1, $4  }
0x105: {  	[tilespmem:s30], [sflag:$0x7] =	stream.indirect.gather [spmem:s3], $0x8, s21, s24, $0xb8;
	[tilespmem:$0xEA90] =	vst v63  }
0x106: {  	_ =	swait.ge [sflag:s18], $0x400  }
0x107: {  	[sflag:s18] =	ssyncset.done $0x0  }
0x108: {  	s19 =	sadd.s32 $0x780, s19;
	[sflag:s18] =	ssyncadd.s32 $0xFFFFFC00  }
0x109: {  	[tilespmem:s20], [sflag:$0x8] =	stream.indirect.gather [spmem:s3], $0x8, s19, s24, $0xb8;
	[tilespmem:$0xEA90] =	vst v63  }
0x10a: {  	_ =	swait.ge [sflag:s28], $0x400  }
0x10b: {  	[sflag:s28] =	ssyncset.done $0x0  }
0x10c: {  	s4 =	simm.s32 $0x4C00;
	[sflag:s28] =	ssyncadd.s32 $0xFFFFFC00  }
0x10d: {  	[spmem:s2] =	stream.indirect.scatter.add.f32 [tilespmem:s25], [sflag:$0x9], $0x8, s4, s24, $0xb8;
	[tilespmem:$0xEA90] =	vst v63  }
0x10e: {  	_ =	swait.ge [sflag:s0], $0x400  }
0x10f: {  	[sflag:s0] =	ssyncset.done $0x0  }
0x110: {  	s19 =	simm.s32 $0x4C80;
	[sflag:s0] =	ssyncadd.s32 $0xFFFFFC00  }
0x111: {  	[spmem:s2] =	stream.indirect.scatter.add.f32 [tilespmem:s26], [sflag:$0xA], $0x8, s19, s24, $0xb8;
	[tilespmem:$0xEA90] =	vst v63  }
0x112: {  	_ =	swait.ge [sflag:s5], $0x400  }
0x113: {  	[sflag:s5] =	ssyncset.done $0x0  }
0x114: {  	s21 =	simm.s32 $0x4D00;
	[sflag:s5] =	ssyncadd.s32 $0xFFFFFC00  }
0x115: {  	[spmem:s2] =	stream.indirect.scatter.add.f32 [tilespmem:s29], [sflag:$0xB], $0x8, s21, s24, $0xb8;
	[tilespmem:$0xEA90] =	vst v63  }
0x116: {  	_ =	swait.ge [sflag:s6], $0x400  }
0x117: {  	[sflag:s6] =	ssyncset.done $0x0  }
0x118: {  	s25 =	simm.s32 $0x4D80;
	[sflag:s6] =	ssyncadd.s32 $0xFFFFFC00  }
0x119: {  	[spmem:s2] =	stream.indirect.scatter.add.f32 [tilespmem:s31], [sflag:$0xC], $0x8, s25, s24, $0xb8;
	[tilespmem:$0xEA90] =	vst v63  }
0x11a: {  	_ =	swait.ge [sflag:s8], $0x400  }
0x11b: {  	[sflag:s8] =	ssyncset.done $0x0  }
0x11c: {  	s26 =	simm.s32 $0x4E00;
	[sflag:s8] =	ssyncadd.s32 $0xFFFFFC00  }
0x11d: {  	[spmem:s2] =	stream.indirect.scatter.add.f32 [tilespmem:s1], [sflag:$0xD], $0x8, s26, s24, $0xb8;
	[tilespmem:$0xEA90] =	vst v63  }
0x11e: {  	_ =	swait.ge [sflag:s9], $0x400  }
0x11f: {  	[sflag:s9] =	ssyncset.done $0x0  }
0x120: {  	s19 =	simm.s32 $0x4E80;
	[sflag:s9] =	ssyncadd.s32 $0xFFFFFC00  }
0x121: {  	[spmem:s2] =	stream.indirect.scatter.add.f32 [tilespmem:s22], [sflag:$0xE], $0x8, s19, s24, $0xb8;
	[tilespmem:$0xEA90] =	vst v63  }
0x122: {  	_ =	swait.ge [sflag:s10], $0x400  }
0x123: {  	[sflag:s10] =	ssyncset.done $0x0  }
0x124: {  	s21 =	simm.s32 $0x4F00;
	[sflag:s10] =	ssyncadd.s32 $0xFFFFFC00  }
0x125: {  	[spmem:s2] =	stream.indirect.scatter.add.f32 [tilespmem:s30], [sflag:$0xF], $0x8, s21, s24, $0xb8;
	[tilespmem:$0xEA90] =	vst v63  }
0x126: {  	_ =	swait.ge [sflag:s11], $0x400  }
0x127: {  	[sflag:s11] =	ssyncset.done $0x0  }
0x128: {  	s25 =	simm.s32 $0x4F80;
	[sflag:s11] =	ssyncadd.s32 $0xFFFFFC00  }
0x129: {  	[spmem:s2] =	stream.indirect.scatter.add.f32 [tilespmem:s20], [sflag:$0x10], $0x8, s25, s24, $0xb8;
	[tilespmem:$0xEA90] =	vst v63  }
0x12a: {  	_ =	swait.ge [sflag:s12], $0x400  }
0x12b: {  	[sflag:s12] =	ssyncset.done $0x0  }
0x12c: {  	[sflag:s12] =	ssyncadd.s32 $0xFFFFFC00  }
0x12d: {  	_ =	swait.ge [sflag:s13], $0x400  }
0x12e: {  	[sflag:s13] =	ssyncset.done $0x0  }
0x12f: {  	[sflag:s13] =	ssyncadd.s32 $0xFFFFFC00  }
0x130: {  	_ =	swait.ge [sflag:s14], $0x400  }
0x131: {  	[sflag:s14] =	ssyncset.done $0x0  }
0x132: {  	[sflag:s14] =	ssyncadd.s32 $0xFFFFFC00  }
0x133: {  	_ =	swait.ge [sflag:s15], $0x400  }
0x134: {  	[sflag:s15] =	ssyncset.done $0x0  }
0x135: {  	[sflag:s15] =	ssyncadd.s32 $0xFFFFFC00  }
0x136: {  	_ =	swait.ge [sflag:s16], $0x400  }
0x137: {  	[sflag:s16] =	ssyncset.done $0x0  }
0x138: {  	[sflag:s16] =	ssyncadd.s32 $0xFFFFFC00  }
0x139: {  	_ =	swait.ge [sflag:s17], $0x400  }
0x13a: {  	[sflag:s17] =	ssyncset.done $0x0  }
0x13b: {  	[sflag:s17] =	ssyncadd.s32 $0xFFFFFC00  }
0x13c: {  	_ =	swait.ge [sflag:s7], $0x400  }
0x13d: {  	[sflag:s7] =	ssyncset.done $0x0  }
0x13e: {  	[sflag:s7] =	ssyncadd.s32 $0xFFFFFC00  }
0x13f: {  	_ =	swait.ge [sflag:s18], $0x400  }
0x140: {  	[sflag:s18] =	ssyncset.done $0x0  }
0x141: {  	[sflag:s18] =	ssyncadd.s32 $0xFFFFFC00  }
0x142: {  	[bflag:$0x0] =	sbarrier.arrive $0xFFFF  }
0x143: {  	s19 =	rddreg [dreg:$0x7]  }
0x144: {  	s26 =	rddreg [dreg:$0x10]  }
0x145: {  	s21 =	rddreg [dreg:$0x12]  }
0x146: {  	[hbm:s26], [sflag:s19] =	dma.local [spmem:s21], $0x280  }
0x147: {  	_ =	swait.ge [sflag:s23], $0x280  }
0x148: {  	s4 =	rddreg [dreg:$0x13]  }
0x149: {  	s26 =	rddreg [dreg:$0x11];
	s25 =	sadd.s32 $0x1, s4  }
0x14a: {  	p1 =	sne.s32 s25, s26  }
.Ltmp2:
0x14b: {  	_ = 	snop;
	(pc) =	sbr.rel @p1 .LBB2_1-.Ltmp2, $3  }
0x14c: {  	_ =	sdelay $0x1  }
0x14d: {  	[sflag:s23] =	ssyncset.done $0x0  }
0x14e: {  	[sflag:s23] =	ssyncadd.s32 $0xFFFFFD80  }
0x14f: {  	_ =	sfence.sel $0x180000  }
0x150: {  	[bflag:$0x0] =	sbarrier.arrive $0xFFFF  }
0x151: {  	_ =	strace $0x9000004A  }
0x152: {  	s0 =	stileid.u32;
	[bflag:$0x2] =	sbarrier.arrive $0xFFFF  }
0x153: {  	p0 =	sne.s32 s0, $0x0;
	s0 =	rddreg [dreg:$0x4]  }
0x154: {  	s0 =	sadd.s32 @!p0 $0x100000, s0  }
0x155: {  	[sflag:s0] =	ssyncadd.tile.s32 @!p0 $0x1;
	_ =	shalt  }
.Lfunc_end2:
_tile_overlayer_lowered:
.L_overlay_start_2:
0x156: {  	(tag) =	ssettag $0x2  }
0x157: {  	s0 =	rddreg [dreg:$0x0];
	s2 =	stileid.u32  }
0x158: {  	s1 =	rddreg [dreg:$0x1];
	p0 =	sne.s32 s2, $0x0  }
0x159: {  	s3 =	rddreg [dreg:$0x2];
	[bflag:$0x3] =	sbarrier.arrive $0xFFFF;
	s2 =	simm.s32 @!p0 $0x1C11  }
0x15a: {  	[timem:s3], [sflag:s2] =	dma.local @!p0 [hbm:s0], s1  }
0x15b: {  	s0 =	simm.s32 @!p0 $0x11  }
0x15c: {  	_ =	swait.ge @!p0 [sflag:s0], s1  }
0x15d: {  	s1 =	ssub.s32 @!p0 $0x0, s1;
	[sflag:s0] =	ssyncset.done @!p0 $0x0  }
0x15e: {  	[sflag:s0] =	ssyncadd.s32 @!p0 s1  }
0x15f: {  	[bflag:$0x3] =	sbarrier.arrive $0xFFFF  }
0x160: {  	_ =	shalt  }

</sc_bundles>
